<compile_context>
chip_gen: v7x
topology: tpu7x:2x2x1
jax: 0.10.2.dev20260603
libtpu: 0.0.44.dev20260713+nightly
codegen_flags: <defaults>
</compile_context>

<pallas_src>
import dataclasses

import jax
import jax.numpy as jnp
from jax import lax
from jax.experimental import pallas as pl
from jax.experimental.pallas import tpu as pltpu
from jax.experimental.pallas import tpu_sc as plsc

_BATCH = 4096
_NCARDS = 26
_CARD = 100
_WIDTH = _NCARDS * _CARD
_NC, _NS = 2, 16
_NW = _NC * _NS
_ROWS_W = _BATCH // _NW
_BLK = 16
_NBLK = _ROWS_W // _BLK
_IDX_BLK = _BLK * _NCARDS
_NVEC = _IDX_BLK // 16


def _scatter_block(buf, xbuf, val):
    for v in range(_NVEC):
        p = v * 16 + lax.iota(jnp.int32, 16)
        xv = xbuf[pl.ds(v * 16, 16)]
        row = p // _NCARDS
        col = (p % _NCARDS) * _CARD + xv
        plsc.store_scatter(buf, [row, col], val)


def _sc_onehot(zeros_hbm, idx_hbm, out_hbm, buf, xbuf, sem):
    wid = lax.axis_index("s") * _NC + lax.axis_index("c")
    row0 = wid * _ROWS_W

    ones = jnp.full((16,), 1, jnp.int32)
    zeros = jnp.zeros((16,), jnp.int32)

    pltpu.async_copy(zeros_hbm, buf, sem).wait()
    pltpu.sync_copy(idx_hbm.at[pl.ds(row0 * _NCARDS, _IDX_BLK)], xbuf)

    @pl.loop(0, _NBLK)
    def _(blk):
        _scatter_block(buf, xbuf, zeros)
        pltpu.sync_copy(
            idx_hbm.at[pl.ds((row0 + blk * _BLK) * _NCARDS, _IDX_BLK)], xbuf)
        _scatter_block(buf, xbuf, ones)
        pltpu.sync_copy(buf, out_hbm.at[pl.ds(row0 + blk * _BLK, _BLK)])


def kernel(x):
    idx = x.reshape(_BATCH * _NCARDS)
    zeros2d = jnp.zeros((_BLK, _WIDTH), jnp.int32)
    mesh = plsc.VectorSubcoreMesh(core_axis_name="c", subcore_axis_name="s")
    cp = pltpu.CompilerParams()
    if "needs_layout_passes" in pltpu.CompilerParams.__dataclass_fields__:
        cp = dataclasses.replace(cp, needs_layout_passes=False)
    run = pl.kernel(
        _sc_onehot,
        out_type=jax.ShapeDtypeStruct((_BATCH, _WIDTH), jnp.int32),
        mesh=mesh,
        scratch_types=[
            pltpu.VMEM((_BLK, _WIDTH), jnp.int32),
            pltpu.VMEM((_IDX_BLK,), jnp.int32),
            pltpu.SemaphoreType.DMA,
        ],
        compiler_params=cp,
    )
    return run(zeros2d, idx)

# --- scband reference (transcript-rebuilt; emitter-appended) ---
"""Pipeline reference for scband-one-hot-encoder-89979564851263 (READ-ONLY COPY).

The authoritative reference and input builder live on the scoring server;
editing this copy changes nothing except your own understanding.
"""

import jax, jax.numpy as jnp
import numpy as np

CARDS = [100] * 26
BATCH = 4096


def setup_inputs(seed: int = 0) -> dict:
    key = jax.random.key(seed)
    x = jax.random.randint(key, (BATCH, len(CARDS)), 0, 100, dtype=jnp.int32)
    return {"x": x}


def reference(x):
    # Faithful translation of torch: cat([F.one_hot(x[:, i], c) for i, c in enumerate(cards)], dim=1)
    # torch F.one_hot returns int64; use int32 here (jax default x64 disabled).
    outs = [jax.nn.one_hot(x[:, i], c, dtype=jnp.int32) for i, c in enumerate(CARDS)]
    return jnp.concatenate(outs, axis=1)

if __name__ == "__main__":
    import jax
    _d = setup_inputs()
    print(jax.jit(kernel)(*tuple(_d.values())))

</pallas_src>

<mosaic_0001>
#map = affine_map<(d0, d1) -> (0, 0)>
#map1 = affine_map<(d0, d1) -> (0)>
module attributes {stable_mosaic.version = 14 : i64} {
  func.func @_sc_onehot(%arg0: i32, %arg1: i32, %arg2: memref<16x2600xi32, #tpu.memory_space<hbm>>, %arg3: memref<106496xi32, #tpu.memory_space<hbm>>, %arg4: memref<4096x2600xi32, #tpu.memory_space<hbm>>, %arg5: memref<16x2600xi32, #tpu.memory_space<vmem>>, %arg6: memref<416xi32, #tpu.memory_space<vmem>>, %arg7: memref<!tpu.dma_semaphore, #tpu.memory_space<semaphore_mem>>) attributes {dimension_semantics = [#tpu.dimension_semantics<core_parallel>, #tpu.dimension_semantics<subcore_parallel>], iteration_bounds = array<i64: 2, 16>, scalar_prefetch = 0 : i64, scratch_operands = 3 : i64, tpu.core_type = #tpu.core_type<sc_vector_subcore>, window_params = [{transform_indices = #map}, {transform_indices = #map1}, {transform_indices = #map}]} {
    %mul3A = arith.constant 2 : i32
    %mul3A_0 = arith.muli %arg1, %mul3A : i32
    %add3A = arith.addi %mul3A_0, %arg0 : i32
    %mul3A_1 = arith.constant 128 : i32
    %mul3A_2 = arith.muli %add3A, %mul3A_1 : i32
    %broadcast_in_dim3A = arith.constant 1 : i32
    %broadcast_in_dim3A_3 = vector.broadcast %broadcast_in_dim3A : i32 to vector<16xi32>
    %broadcast_in_dim3A_4 = arith.constant 0 : i32
    %broadcast_in_dim3A_5 = vector.broadcast %broadcast_in_dim3A_4 : i32 to vector<16xi32>
    tpu.enqueue_dma source(%arg2 : memref<16x2600xi32, #tpu.memory_space<hbm>>) target(%arg5 : memref<16x2600xi32, #tpu.memory_space<vmem>>) target_semaphore(%arg7 : memref<!tpu.dma_semaphore, #tpu.memory_space<semaphore_mem>>)
    tpu.wait_dma2 semaphore(%arg7 : memref<!tpu.dma_semaphore, #tpu.memory_space<semaphore_mem>>) src(%arg2 : memref<16x2600xi32, #tpu.memory_space<hbm>>) dst(%arg5 : memref<16x2600xi32, #tpu.memory_space<vmem>>)
    %mul3A_6 = arith.constant 26 : i32
    %mul3A_7 = arith.muli %mul3A_2, %mul3A_6 : i32
    "tpu.region"() ({
      %run_scoped3A = tpu.sem_alloc : memref<!tpu.dma_semaphore, #tpu.memory_space<semaphore_mem>>
      %dma_start3A = tpu.memref_slice %arg3[%mul3A_7] : memref<106496xi32, #tpu.memory_space<hbm>> -> memref<416xi32, #tpu.memory_space<hbm>>
      %dma_start3A_12 = tpu.memref_slice %arg3[%mul3A_7] : memref<106496xi32, #tpu.memory_space<hbm>> -> memref<416xi32, #tpu.memory_space<hbm>>
      tpu.enqueue_dma source(%dma_start3A_12 : memref<416xi32, #tpu.memory_space<hbm>>) target(%arg6 : memref<416xi32, #tpu.memory_space<vmem>>) target_semaphore(%run_scoped3A : memref<!tpu.dma_semaphore, #tpu.memory_space<semaphore_mem>>)
      %dma_wait3A = tpu.memref_slice %arg3[%mul3A_7] : memref<106496xi32, #tpu.memory_space<hbm>> -> memref<416xi32, #tpu.memory_space<hbm>>
      %dma_wait3A_13 = tpu.memref_slice %arg3[%mul3A_7] : memref<106496xi32, #tpu.memory_space<hbm>> -> memref<416xi32, #tpu.memory_space<hbm>>
      tpu.wait_dma2 semaphore(%run_scoped3A : memref<!tpu.dma_semaphore, #tpu.memory_space<semaphore_mem>>) src(%dma_wait3A_13 : memref<416xi32, #tpu.memory_space<hbm>>) dst(%arg6 : memref<416xi32, #tpu.memory_space<vmem>>)
      tpu.yield
    }) : () -> ()
    %scan3A = arith.constant 0 : i32
    %scan3A_8 = arith.constant 8 : i32
    %scan3A_9 = arith.addi %scan3A, %scan3A_8 : i32
    %scan3A_10 = arith.constant 1 : i32
    scf.for %scan3A_12 = %scan3A to %scan3A_9 step %scan3A_10  : i32 {
      %mul3A_13 = arith.constant 1 : i32
      %mul3A_14 = arith.muli %scan3A_12, %mul3A_13 : i32
      %add3A_15 = arith.constant 0 : i32
      %add3A_16 = arith.addi %add3A_15, %mul3A_14 : i32
      %iota3A = tpu.iota {dimensions = array<i32: 0>} : vector<16xi32>
      %add3A_17 = arith.constant 0 : i32
      %add3A_18 = vector.broadcast %add3A_17 : i32 to vector<16xi32>
      %add3A_19 = arith.addi %add3A_18, %iota3A : vector<16xi32>
      %get3A = arith.constant 0 : index
      %get3A_20 = tpu.vector_load %arg6[%get3A] {strides = array<i32>} : memref<416xi32, #tpu.memory_space<vmem>>, vector<16xi32>,
      %jit3A = arith.constant 26 : i32
      %div3A = vector.broadcast %jit3A : i32 to vector<16xi32>
      %div3A_21 = arith.divsi %add3A_19, %div3A : vector<16xi32>
      %sign3A = arith.constant 0 : i32
      %sign3A_22 = vector.broadcast %sign3A : i32 to vector<16xi32>
      %sign3A_23 = arith.cmpi sgt, %add3A_19, %sign3A_22 : vector<16xi32>
      %sign3A_24 = arith.extui %sign3A_23 : vector<16xi1> to vector<16xi32>
      %sign3A_25 = arith.constant 0 : i32
      %sign3A_26 = vector.broadcast %sign3A_25 : i32 to vector<16xi32>
      %sign3A_27 = arith.cmpi slt, %add3A_19, %sign3A_26 : vector<16xi32>
      %sign3A_28 = arith.extui %sign3A_27 : vector<16xi1> to vector<16xi32>
      %sign3A_29 = arith.subi %sign3A_24, %sign3A_28 : vector<16xi32>
      %sign3A_30 = arith.constant 0 : i32
      %sign3A_31 = arith.cmpi sgt, %jit3A, %sign3A_30 : i32
      %sign3A_32 = arith.extui %sign3A_31 : i1 to i32
      %sign3A_33 = arith.constant 0 : i32
      %sign3A_34 = arith.cmpi slt, %jit3A, %sign3A_33 : i32
      %sign3A_35 = arith.extui %sign3A_34 : i1 to i32
      %sign3A_36 = arith.subi %sign3A_32, %sign3A_35 : i32
      %ne3A = vector.broadcast %sign3A_36 : i32 to vector<16xi32>
      %ne3A_37 = arith.cmpi ne, %sign3A_29, %ne3A : vector<16xi32>
      %rem3A = vector.broadcast %jit3A : i32 to vector<16xi32>
      %rem3A_38 = arith.remsi %add3A_19, %rem3A : vector<16xi32>
      %ne3A_39 = arith.constant 0 : i32
      %ne3A_40 = vector.broadcast %ne3A_39 : i32 to vector<16xi32>
      %ne3A_41 = arith.cmpi ne, %rem3A_38, %ne3A_40 : vector<16xi32>
      %and3A = arith.andi %ne3A_37, %ne3A_41 : vector<16xi1>
      %sub3A = arith.constant 1 : i32
      %sub3A_42 = vector.broadcast %sub3A : i32 to vector<16xi32>
      %sub3A_43 = arith.subi %div3A_21, %sub3A_42 : vector<16xi32>
      %select_n3A = arith.select %and3A, %sub3A_43, %div3A_21 : vector<16xi1>, vector<16xi32>
      %jit3A_44 = arith.constant 26 : i32
      %eq3A = arith.constant 0 : i32
      %eq3A_45 = arith.cmpi eq, %jit3A_44, %eq3A : i32
      %jit3A_46 = arith.constant 1 : i32
      %select_n3A_47 = arith.select %eq3A_45, %jit3A_46, %jit3A_44 : i32
      %rem3A_48 = vector.broadcast %select_n3A_47 : i32 to vector<16xi32>
      %rem3A_49 = arith.remsi %add3A_19, %rem3A_48 : vector<16xi32>
      %ne3A_50 = arith.constant 0 : i32
      %ne3A_51 = vector.broadcast %ne3A_50 : i32 to vector<16xi32>
      %ne3A_52 = arith.cmpi ne, %rem3A_49, %ne3A_51 : vector<16xi32>
      %lt3A = arith.constant 0 : i32
      %lt3A_53 = vector.broadcast %lt3A : i32 to vector<16xi32>
      %lt3A_54 = arith.cmpi slt, %rem3A_49, %lt3A_53 : vector<16xi32>
      %lt3A_55 = arith.constant 0 : i32
      %lt3A_56 = arith.cmpi slt, %select_n3A_47, %lt3A_55 : i32
      %ne3A_57 = vector.broadcast %lt3A_56 : i1 to vector<16xi1>
      %ne3A_58 = vector.broadcast %ne3A_57 : vector<16xi1> to vector<16xi1>
      %ne3A_59 = arith.xori %lt3A_54, %ne3A_58 : vector<16xi1>
      %and3A_60 = arith.andi %ne3A_59, %ne3A_52 : vector<16xi1>
      %add3A_61 = vector.broadcast %select_n3A_47 : i32 to vector<16xi32>
      %add3A_62 = arith.addi %rem3A_49, %add3A_61 : vector<16xi32>
      %select_n3A_63 = arith.select %and3A_60, %add3A_62, %rem3A_49 : vector<16xi1>, vector<16xi32>
      %mul3A_64 = arith.constant 100 : i32
      %mul3A_65 = vector.broadcast %mul3A_64 : i32 to vector<16xi32>
      %mul3A_66 = arith.muli %select_n3A_63, %mul3A_65 : vector<16xi32>
      %add3A_67 = arith.addi %mul3A_66, %get3A_20 : vector<16xi32>
      tpu.vector_store_idx %arg5[%select_n3A, %add3A_67], %broadcast_in_dim3A_5 : memref<16x2600xi32, #tpu.memory_space<vmem>>[vector<16xi32>, vector<16xi32>], vector<16xi32>,
      %iota3A_68 = tpu.iota {dimensions = array<i32: 0>} : vector<16xi32>
      %add3A_69 = arith.constant 16 : i32
      %add3A_70 = vector.broadcast %add3A_69 : i32 to vector<16xi32>
      %add3A_71 = arith.addi %add3A_70, %iota3A_68 : vector<16xi32>
      %get3A_72 = arith.constant 16 : index
      %get3A_73 = tpu.vector_load %arg6[%get3A_72] {strides = array<i32>} : memref<416xi32, #tpu.memory_space<vmem>>, vector<16xi32>,
      %jit3A_74 = arith.constant 26 : i32
      %div3A_75 = vector.broadcast %jit3A_74 : i32 to vector<16xi32>
      %div3A_76 = arith.divsi %add3A_71, %div3A_75 : vector<16xi32>
      %sign3A_77 = arith.constant 0 : i32
      %sign3A_78 = vector.broadcast %sign3A_77 : i32 to vector<16xi32>
      %sign3A_79 = arith.cmpi sgt, %add3A_71, %sign3A_78 : vector<16xi32>
      %sign3A_80 = arith.extui %sign3A_79 : vector<16xi1> to vector<16xi32>
      %sign3A_81 = arith.constant 0 : i32
      %sign3A_82 = vector.broadcast %sign3A_81 : i32 to vector<16xi32>
      %sign3A_83 = arith.cmpi slt, %add3A_71, %sign3A_82 : vector<16xi32>
      %sign3A_84 = arith.extui %sign3A_83 : vector<16xi1> to vector<16xi32>
      %sign3A_85 = arith.subi %sign3A_80, %sign3A_84 : vector<16xi32>
      %sign3A_86 = arith.constant 0 : i32
      %sign3A_87 = arith.cmpi sgt, %jit3A_74, %sign3A_86 : i32
      %sign3A_88 = arith.extui %sign3A_87 : i1 to i32
      %sign3A_89 = arith.constant 0 : i32
      %sign3A_90 = arith.cmpi slt, %jit3A_74, %sign3A_89 : i32
      %sign3A_91 = arith.extui %sign3A_90 : i1 to i32
      %sign3A_92 = arith.subi %sign3A_88, %sign3A_91 : i32
      %ne3A_93 = vector.broadcast %sign3A_92 : i32 to vector<16xi32>
      %ne3A_94 = arith.cmpi ne, %sign3A_85, %ne3A_93 : vector<16xi32>
      %rem3A_95 = vector.broadcast %jit3A_74 : i32 to vector<16xi32>
      %rem3A_96 = arith.remsi %add3A_71, %rem3A_95 : vector<16xi32>
      %ne3A_97 = arith.constant 0 : i32
      %ne3A_98 = vector.broadcast %ne3A_97 : i32 to vector<16xi32>
      %ne3A_99 = arith.cmpi ne, %rem3A_96, %ne3A_98 : vector<16xi32>
      %and3A_100 = arith.andi %ne3A_94, %ne3A_99 : vector<16xi1>
      %sub3A_101 = arith.constant 1 : i32
      %sub3A_102 = vector.broadcast %sub3A_101 : i32 to vector<16xi32>
      %sub3A_103 = arith.subi %div3A_76, %sub3A_102 : vector<16xi32>
      %select_n3A_104 = arith.select %and3A_100, %sub3A_103, %div3A_76 : vector<16xi1>, vector<16xi32>
      %jit3A_105 = arith.constant 26 : i32
      %eq3A_106 = arith.constant 0 : i32
      %eq3A_107 = arith.cmpi eq, %jit3A_105, %eq3A_106 : i32
      %jit3A_108 = arith.constant 1 : i32
      %select_n3A_109 = arith.select %eq3A_107, %jit3A_108, %jit3A_105 : i32
      %rem3A_110 = vector.broadcast %select_n3A_109 : i32 to vector<16xi32>
      %rem3A_111 = arith.remsi %add3A_71, %rem3A_110 : vector<16xi32>
      %ne3A_112 = arith.constant 0 : i32
      %ne3A_113 = vector.broadcast %ne3A_112 : i32 to vector<16xi32>
      %ne3A_114 = arith.cmpi ne, %rem3A_111, %ne3A_113 : vector<16xi32>
      %lt3A_115 = arith.constant 0 : i32
      %lt3A_116 = vector.broadcast %lt3A_115 : i32 to vector<16xi32>
      %lt3A_117 = arith.cmpi slt, %rem3A_111, %lt3A_116 : vector<16xi32>
      %lt3A_118 = arith.constant 0 : i32
      %lt3A_119 = arith.cmpi slt, %select_n3A_109, %lt3A_118 : i32
      %ne3A_120 = vector.broadcast %lt3A_119 : i1 to vector<16xi1>
      %ne3A_121 = vector.broadcast %ne3A_120 : vector<16xi1> to vector<16xi1>
      %ne3A_122 = arith.xori %lt3A_117, %ne3A_121 : vector<16xi1>
      %and3A_123 = arith.andi %ne3A_122, %ne3A_114 : vector<16xi1>
      %add3A_124 = vector.broadcast %select_n3A_109 : i32 to vector<16xi32>
      %add3A_125 = arith.addi %rem3A_111, %add3A_124 : vector<16xi32>
      %select_n3A_126 = arith.select %and3A_123, %add3A_125, %rem3A_111 : vector<16xi1>, vector<16xi32>
      %mul3A_127 = arith.constant 100 : i32
      %mul3A_128 = vector.broadcast %mul3A_127 : i32 to vector<16xi32>
      %mul3A_129 = arith.muli %select_n3A_126, %mul3A_128 : vector<16xi32>
      %add3A_130 = arith.addi %mul3A_129, %get3A_73 : vector<16xi32>
      tpu.vector_store_idx %arg5[%select_n3A_104, %add3A_130], %broadcast_in_dim3A_5 : memref<16x2600xi32, #tpu.memory_space<vmem>>[vector<16xi32>, vector<16xi32>], vector<16xi32>,
      %iota3A_131 = tpu.iota {dimensions = array<i32: 0>} : vector<16xi32>
      %add3A_132 = arith.constant 32 : i32
      %add3A_133 = vector.broadcast %add3A_132 : i32 to vector<16xi32>
      %add3A_134 = arith.addi %add3A_133, %iota3A_131 : vector<16xi32>
      %get3A_135 = arith.constant 32 : index
      %get3A_136 = tpu.vector_load %arg6[%get3A_135] {strides = array<i32>} : memref<416xi32, #tpu.memory_space<vmem>>, vector<16xi32>,
      %jit3A_137 = arith.constant 26 : i32
      %div3A_138 = vector.broadcast %jit3A_137 : i32 to vector<16xi32>
      %div3A_139 = arith.divsi %add3A_134, %div3A_138 : vector<16xi32>
      %sign3A_140 = arith.constant 0 : i32
      %sign3A_141 = vector.broadcast %sign3A_140 : i32 to vector<16xi32>
      %sign3A_142 = arith.cmpi sgt, %add3A_134, %sign3A_141 : vector<16xi32>
      %sign3A_143 = arith.extui %sign3A_142 : vector<16xi1> to vector<16xi32>
      %sign3A_144 = arith.constant 0 : i32
      %sign3A_145 = vector.broadcast %sign3A_144 : i32 to vector<16xi32>
      %sign3A_146 = arith.cmpi slt, %add3A_134, %sign3A_145 : vector<16xi32>
      %sign3A_147 = arith.extui %sign3A_146 : vector<16xi1> to vector<16xi32>
      %sign3A_148 = arith.subi %sign3A_143, %sign3A_147 : vector<16xi32>
      %sign3A_149 = arith.constant 0 : i32
      %sign3A_150 = arith.cmpi sgt, %jit3A_137, %sign3A_149 : i32
      %sign3A_151 = arith.extui %sign3A_150 : i1 to i32
      %sign3A_152 = arith.constant 0 : i32
      %sign3A_153 = arith.cmpi slt, %jit3A_137, %sign3A_152 : i32
      %sign3A_154 = arith.extui %sign3A_153 : i1 to i32
      %sign3A_155 = arith.subi %sign3A_151, %sign3A_154 : i32
      %ne3A_156 = vector.broadcast %sign3A_155 : i32 to vector<16xi32>
      %ne3A_157 = arith.cmpi ne, %sign3A_148, %ne3A_156 : vector<16xi32>
      %rem3A_158 = vector.broadcast %jit3A_137 : i32 to vector<16xi32>
      %rem3A_159 = arith.remsi %add3A_134, %rem3A_158 : vector<16xi32>
      %ne3A_160 = arith.constant 0 : i32
      %ne3A_161 = vector.broadcast %ne3A_160 : i32 to vector<16xi32>
      %ne3A_162 = arith.cmpi ne, %rem3A_159, %ne3A_161 : vector<16xi32>
      %and3A_163 = arith.andi %ne3A_157, %ne3A_162 : vector<16xi1>
      %sub3A_164 = arith.constant 1 : i32
      %sub3A_165 = vector.broadcast %sub3A_164 : i32 to vector<16xi32>
      %sub3A_166 = arith.subi %div3A_139, %sub3A_165 : vector<16xi32>
      %select_n3A_167 = arith.select %and3A_163, %sub3A_166, %div3A_139 : vector<16xi1>, vector<16xi32>
      %jit3A_168 = arith.constant 26 : i32
      %eq3A_169 = arith.constant 0 : i32
      %eq3A_170 = arith.cmpi eq, %jit3A_168, %eq3A_169 : i32
      %jit3A_171 = arith.constant 1 : i32
      %select_n3A_172 = arith.select %eq3A_170, %jit3A_171, %jit3A_168 : i32
      %rem3A_173 = vector.broadcast %select_n3A_172 : i32 to vector<16xi32>
      %rem3A_174 = arith.remsi %add3A_134, %rem3A_173 : vector<16xi32>
      %ne3A_175 = arith.constant 0 : i32
      %ne3A_176 = vector.broadcast %ne3A_175 : i32 to vector<16xi32>
      %ne3A_177 = arith.cmpi ne, %rem3A_174, %ne3A_176 : vector<16xi32>
      %lt3A_178 = arith.constant 0 : i32
      %lt3A_179 = vector.broadcast %lt3A_178 : i32 to vector<16xi32>
      %lt3A_180 = arith.cmpi slt, %rem3A_174, %lt3A_179 : vector<16xi32>
      %lt3A_181 = arith.constant 0 : i32
      %lt3A_182 = arith.cmpi slt, %select_n3A_172, %lt3A_181 : i32
      %ne3A_183 = vector.broadcast %lt3A_182 : i1 to vector<16xi1>
      %ne3A_184 = vector.broadcast %ne3A_183 : vector<16xi1> to vector<16xi1>
      %ne3A_185 = arith.xori %lt3A_180, %ne3A_184 : vector<16xi1>
      %and3A_186 = arith.andi %ne3A_185, %ne3A_177 : vector<16xi1>
      %add3A_187 = vector.broadcast %select_n3A_172 : i32 to vector<16xi32>
      %add3A_188 = arith.addi %rem3A_174, %add3A_187 : vector<16xi32>
      %select_n3A_189 = arith.select %and3A_186, %add3A_188, %rem3A_174 : vector<16xi1>, vector<16xi32>
      %mul3A_190 = arith.constant 100 : i32
      %mul3A_191 = vector.broadcast %mul3A_190 : i32 to vector<16xi32>
      %mul3A_192 = arith.muli %select_n3A_189, %mul3A_191 : vector<16xi32>
      %add3A_193 = arith.addi %mul3A_192, %get3A_136 : vector<16xi32>
      tpu.vector_store_idx %arg5[%select_n3A_167, %add3A_193], %broadcast_in_dim3A_5 : memref<16x2600xi32, #tpu.memory_space<vmem>>[vector<16xi32>, vector<16xi32>], vector<16xi32>,
      %iota3A_194 = tpu.iota {dimensions = array<i32: 0>} : vector<16xi32>
      %add3A_195 = arith.constant 48 : i32
      %add3A_196 = vector.broadcast %add3A_195 : i32 to vector<16xi32>
      %add3A_197 = arith.addi %add3A_196, %iota3A_194 : vector<16xi32>
      %get3A_198 = arith.constant 48 : index
      %get3A_199 = tpu.vector_load %arg6[%get3A_198] {strides = array<i32>} : memref<416xi32, #tpu.memory_space<vmem>>, vector<16xi32>,
      %jit3A_200 = arith.constant 26 : i32
      %div3A_201 = vector.broadcast %jit3A_200 : i32 to vector<16xi32>
      %div3A_202 = arith.divsi %add3A_197, %div3A_201 : vector<16xi32>
      %sign3A_203 = arith.constant 0 : i32
      %sign3A_204 = vector.broadcast %sign3A_203 : i32 to vector<16xi32>
      %sign3A_205 = arith.cmpi sgt, %add3A_197, %sign3A_204 : vector<16xi32>
      %sign3A_206 = arith.extui %sign3A_205 : vector<16xi1> to vector<16xi32>
      %sign3A_207 = arith.constant 0 : i32
      %sign3A_208 = vector.broadcast %sign3A_207 : i32 to vector<16xi32>
      %sign3A_209 = arith.cmpi slt, %add3A_197, %sign3A_208 : vector<16xi32>
      %sign3A_210 = arith.extui %sign3A_209 : vector<16xi1> to vector<16xi32>
      %sign3A_211 = arith.subi %sign3A_206, %sign3A_210 : vector<16xi32>
      %sign3A_212 = arith.constant 0 : i32
      %sign3A_213 = arith.cmpi sgt, %jit3A_200, %sign3A_212 : i32
      %sign3A_214 = arith.extui %sign3A_213 : i1 to i32
      %sign3A_215 = arith.constant 0 : i32
      %sign3A_216 = arith.cmpi slt, %jit3A_200, %sign3A_215 : i32
      %sign3A_217 = arith.extui %sign3A_216 : i1 to i32
      %sign3A_218 = arith.subi %sign3A_214, %sign3A_217 : i32
      %ne3A_219 = vector.broadcast %sign3A_218 : i32 to vector<16xi32>
      %ne3A_220 = arith.cmpi ne, %sign3A_211, %ne3A_219 : vector<16xi32>
      %rem3A_221 = vector.broadcast %jit3A_200 : i32 to vector<16xi32>
      %rem3A_222 = arith.remsi %add3A_197, %rem3A_221 : vector<16xi32>
      %ne3A_223 = arith.constant 0 : i32
      %ne3A_224 = vector.broadcast %ne3A_223 : i32 to vector<16xi32>
      %ne3A_225 = arith.cmpi ne, %rem3A_222, %ne3A_224 : vector<16xi32>
      %and3A_226 = arith.andi %ne3A_220, %ne3A_225 : vector<16xi1>
      %sub3A_227 = arith.constant 1 : i32
      %sub3A_228 = vector.broadcast %sub3A_227 : i32 to vector<16xi32>
      %sub3A_229 = arith.subi %div3A_202, %sub3A_228 : vector<16xi32>
      %select_n3A_230 = arith.select %and3A_226, %sub3A_229, %div3A_202 : vector<16xi1>, vector<16xi32>
      %jit3A_231 = arith.constant 26 : i32
      %eq3A_232 = arith.constant 0 : i32
      %eq3A_233 = arith.cmpi eq, %jit3A_231, %eq3A_232 : i32
      %jit3A_234 = arith.constant 1 : i32
      %select_n3A_235 = arith.select %eq3A_233, %jit3A_234, %jit3A_231 : i32
      %rem3A_236 = vector.broadcast %select_n3A_235 : i32 to vector<16xi32>
      %rem3A_237 = arith.remsi %add3A_197, %rem3A_236 : vector<16xi32>
      %ne3A_238 = arith.constant 0 : i32
      %ne3A_239 = vector.broadcast %ne3A_238 : i32 to vector<16xi32>
      %ne3A_240 = arith.cmpi ne, %rem3A_237, %ne3A_239 : vector<16xi32>
      %lt3A_241 = arith.constant 0 : i32
      %lt3A_242 = vector.broadcast %lt3A_241 : i32 to vector<16xi32>
      %lt3A_243 = arith.cmpi slt, %rem3A_237, %lt3A_242 : vector<16xi32>
      %lt3A_244 = arith.constant 0 : i32
      %lt3A_245 = arith.cmpi slt, %select_n3A_235, %lt3A_244 : i32
      %ne3A_246 = vector.broadcast %lt3A_245 : i1 to vector<16xi1>
      %ne3A_247 = vector.broadcast %ne3A_246 : vector<16xi1> to vector<16xi1>
      %ne3A_248 = arith.xori %lt3A_243, %ne3A_247 : vector<16xi1>
      %and3A_249 = arith.andi %ne3A_248, %ne3A_240 : vector<16xi1>
      %add3A_250 = vector.broadcast %select_n3A_235 : i32 to vector<16xi32>
      %add3A_251 = arith.addi %rem3A_237, %add3A_250 : vector<16xi32>
      %select_n3A_252 = arith.select %and3A_249, %add3A_251, %rem3A_237 : vector<16xi1>, vector<16xi32>
      %mul3A_253 = arith.constant 100 : i32
      %mul3A_254 = vector.broadcast %mul3A_253 : i32 to vector<16xi32>
      %mul3A_255 = arith.muli %select_n3A_252, %mul3A_254 : vector<16xi32>
      %add3A_256 = arith.addi %mul3A_255, %get3A_199 : vector<16xi32>
      tpu.vector_store_idx %arg5[%select_n3A_230, %add3A_256], %broadcast_in_dim3A_5 : memref<16x2600xi32, #tpu.memory_space<vmem>>[vector<16xi32>, vector<16xi32>], vector<16xi32>,
      %iota3A_257 = tpu.iota {dimensions = array<i32: 0>} : vector<16xi32>
      %add3A_258 = arith.constant 64 : i32
      %add3A_259 = vector.broadcast %add3A_258 : i32 to vector<16xi32>
      %add3A_260 = arith.addi %add3A_259, %iota3A_257 : vector<16xi32>
      %get3A_261 = arith.constant 64 : index
      %get3A_262 = tpu.vector_load %arg6[%get3A_261] {strides = array<i32>} : memref<416xi32, #tpu.memory_space<vmem>>, vector<16xi32>,
      %jit3A_263 = arith.constant 26 : i32
      %div3A_264 = vector.broadcast %jit3A_263 : i32 to vector<16xi32>
      %div3A_265 = arith.divsi %add3A_260, %div3A_264 : vector<16xi32>
      %sign3A_266 = arith.constant 0 : i32
      %sign3A_267 = vector.broadcast %sign3A_266 : i32 to vector<16xi32>
      %sign3A_268 = arith.cmpi sgt, %add3A_260, %sign3A_267 : vector<16xi32>
      %sign3A_269 = arith.extui %sign3A_268 : vector<16xi1> to vector<16xi32>
      %sign3A_270 = arith.constant 0 : i32
      %sign3A_271 = vector.broadcast %sign3A_270 : i32 to vector<16xi32>
      %sign3A_272 = arith.cmpi slt, %add3A_260, %sign3A_271 : vector<16xi32>
      %sign3A_273 = arith.extui %sign3A_272 : vector<16xi1> to vector<16xi32>
      %sign3A_274 = arith.subi %sign3A_269, %sign3A_273 : vector<16xi32>
      %sign3A_275 = arith.constant 0 : i32
      %sign3A_276 = arith.cmpi sgt, %jit3A_263, %sign3A_275 : i32
      %sign3A_277 = arith.extui %sign3A_276 : i1 to i32
      %sign3A_278 = arith.constant 0 : i32
      %sign3A_279 = arith.cmpi slt, %jit3A_263, %sign3A_278 : i32
      %sign3A_280 = arith.extui %sign3A_279 : i1 to i32
      %sign3A_281 = arith.subi %sign3A_277, %sign3A_280 : i32
      %ne3A_282 = vector.broadcast %sign3A_281 : i32 to vector<16xi32>
      %ne3A_283 = arith.cmpi ne, %sign3A_274, %ne3A_282 : vector<16xi32>
      %rem3A_284 = vector.broadcast %jit3A_263 : i32 to vector<16xi32>
      %rem3A_285 = arith.remsi %add3A_260, %rem3A_284 : vector<16xi32>
      %ne3A_286 = arith.constant 0 : i32
      %ne3A_287 = vector.broadcast %ne3A_286 : i32 to vector<16xi32>
      %ne3A_288 = arith.cmpi ne, %rem3A_285, %ne3A_287 : vector<16xi32>
      %and3A_289 = arith.andi %ne3A_283, %ne3A_288 : vector<16xi1>
      %sub3A_290 = arith.constant 1 : i32
      %sub3A_291 = vector.broadcast %sub3A_290 : i32 to vector<16xi32>
      %sub3A_292 = arith.subi %div3A_265, %sub3A_291 : vector<16xi32>
      %select_n3A_293 = arith.select %and3A_289, %sub3A_292, %div3A_265 : vector<16xi1>, vector<16xi32>
      %jit3A_294 = arith.constant 26 : i32
      %eq3A_295 = arith.constant 0 : i32
      %eq3A_296 = arith.cmpi eq, %jit3A_294, %eq3A_295 : i32
      %jit3A_297 = arith.constant 1 : i32
      %select_n3A_298 = arith.select %eq3A_296, %jit3A_297, %jit3A_294 : i32
      %rem3A_299 = vector.broadcast %select_n3A_298 : i32 to vector<16xi32>
      %rem3A_300 = arith.remsi %add3A_260, %rem3A_299 : vector<16xi32>
      %ne3A_301 = arith.constant 0 : i32
      %ne3A_302 = vector.broadcast %ne3A_301 : i32 to vector<16xi32>
      %ne3A_303 = arith.cmpi ne, %rem3A_300, %ne3A_302 : vector<16xi32>
      %lt3A_304 = arith.constant 0 : i32
      %lt3A_305 = vector.broadcast %lt3A_304 : i32 to vector<16xi32>
      %lt3A_306 = arith.cmpi slt, %rem3A_300, %lt3A_305 : vector<16xi32>
      %lt3A_307 = arith.constant 0 : i32
      %lt3A_308 = arith.cmpi slt, %select_n3A_298, %lt3A_307 : i32
      %ne3A_309 = vector.broadcast %lt3A_308 : i1 to vector<16xi1>
      %ne3A_310 = vector.broadcast %ne3A_309 : vector<16xi1> to vector<16xi1>
      %ne3A_311 = arith.xori %lt3A_306, %ne3A_310 : vector<16xi1>
      %and3A_312 = arith.andi %ne3A_311, %ne3A_303 : vector<16xi1>
      %add3A_313 = vector.broadcast %select_n3A_298 : i32 to vector<16xi32>
      %add3A_314 = arith.addi %rem3A_300, %add3A_313 : vector<16xi32>
      %select_n3A_315 = arith.select %and3A_312, %add3A_314, %rem3A_300 : vector<16xi1>, vector<16xi32>
      %mul3A_316 = arith.constant 100 : i32
      %mul3A_317 = vector.broadcast %mul3A_316 : i32 to vector<16xi32>
      %mul3A_318 = arith.muli %select_n3A_315, %mul3A_317 : vector<16xi32>
      %add3A_319 = arith.addi %mul3A_318, %get3A_262 : vector<16xi32>
      tpu.vector_store_idx %arg5[%select_n3A_293, %add3A_319], %broadcast_in_dim3A_5 : memref<16x2600xi32, #tpu.memory_space<vmem>>[vector<16xi32>, vector<16xi32>], vector<16xi32>,
      %iota3A_320 = tpu.iota {dimensions = array<i32: 0>} : vector<16xi32>
      %add3A_321 = arith.constant 80 : i32
      %add3A_322 = vector.broadcast %add3A_321 : i32 to vector<16xi32>
      %add3A_323 = arith.addi %add3A_322, %iota3A_320 : vector<16xi32>
      %get3A_324 = arith.constant 80 : index
      %get3A_325 = tpu.vector_load %arg6[%get3A_324] {strides = array<i32>} : memref<416xi32, #tpu.memory_space<vmem>>, vector<16xi32>,
      %jit3A_326 = arith.constant 26 : i32
      %div3A_327 = vector.broadcast %jit3A_326 : i32 to vector<16xi32>
      %div3A_328 = arith.divsi %add3A_323, %div3A_327 : vector<16xi32>
      %sign3A_329 = arith.constant 0 : i32
      %sign3A_330 = vector.broadcast %sign3A_329 : i32 to vector<16xi32>
      %sign3A_331 = arith.cmpi sgt, %add3A_323, %sign3A_330 : vector<16xi32>
      %sign3A_332 = arith.extui %sign3A_331 : vector<16xi1> to vector<16xi32>
      %sign3A_333 = arith.constant 0 : i32
      %sign3A_334 = vector.broadcast %sign3A_333 : i32 to vector<16xi32>
      %sign3A_335 = arith.cmpi slt, %add3A_323, %sign3A_334 : vector<16xi32>
      %sign3A_336 = arith.extui %sign3A_335 : vector<16xi1> to vector<16xi32>
      %sign3A_337 = arith.subi %sign3A_332, %sign3A_336 : vector<16xi32>
      %sign3A_338 = arith.constant 0 : i32
      %sign3A_339 = arith.cmpi sgt, %jit3A_326, %sign3A_338 : i32
      %sign3A_340 = arith.extui %sign3A_339 : i1 to i32
      %sign3A_341 = arith.constant 0 : i32
      %sign3A_342 = arith.cmpi slt, %jit3A_326, %sign3A_341 : i32
      %sign3A_343 = arith.extui %sign3A_342 : i1 to i32
      %sign3A_344 = arith.subi %sign3A_340, %sign3A_343 : i32
      %ne3A_345 = vector.broadcast %sign3A_344 : i32 to vector<16xi32>
      %ne3A_346 = arith.cmpi ne, %sign3A_337, %ne3A_345 : vector<16xi32>
      %rem3A_347 = vector.broadcast %jit3A_326 : i32 to vector<16xi32>
      %rem3A_348 = arith.remsi %add3A_323, %rem3A_347 : vector<16xi32>
      %ne3A_349 = arith.constant 0 : i32
      %ne3A_350 = vector.broadcast %ne3A_349 : i32 to vector<16xi32>
      %ne3A_351 = arith.cmpi ne, %rem3A_348, %ne3A_350 : vector<16xi32>
      %and3A_352 = arith.andi %ne3A_346, %ne3A_351 : vector<16xi1>
      %sub3A_353 = arith.constant 1 : i32
      %sub3A_354 = vector.broadcast %sub3A_353 : i32 to vector<16xi32>
      %sub3A_355 = arith.subi %div3A_328, %sub3A_354 : vector<16xi32>
      %select_n3A_356 = arith.select %and3A_352, %sub3A_355, %div3A_328 : vector<16xi1>, vector<16xi32>
      %jit3A_357 = arith.constant 26 : i32
      %eq3A_358 = arith.constant 0 : i32
      %eq3A_359 = arith.cmpi eq, %jit3A_357, %eq3A_358 : i32
      %jit3A_360 = arith.constant 1 : i32
      %select_n3A_361 = arith.select %eq3A_359, %jit3A_360, %jit3A_357 : i32
      %rem3A_362 = vector.broadcast %select_n3A_361 : i32 to vector<16xi32>
      %rem3A_363 = arith.remsi %add3A_323, %rem3A_362 : vector<16xi32>
      %ne3A_364 = arith.constant 0 : i32
      %ne3A_365 = vector.broadcast %ne3A_364 : i32 to vector<16xi32>
      %ne3A_366 = arith.cmpi ne, %rem3A_363, %ne3A_365 : vector<16xi32>
      %lt3A_367 = arith.constant 0 : i32
      %lt3A_368 = vector.broadcast %lt3A_367 : i32 to vector<16xi32>
      %lt3A_369 = arith.cmpi slt, %rem3A_363, %lt3A_368 : vector<16xi32>
      %lt3A_370 = arith.constant 0 : i32
      %lt3A_371 = arith.cmpi slt, %select_n3A_361, %lt3A_370 : i32
      %ne3A_372 = vector.broadcast %lt3A_371 : i1 to vector<16xi1>
      %ne3A_373 = vector.broadcast %ne3A_372 : vector<16xi1> to vector<16xi1>
      %ne3A_374 = arith.xori %lt3A_369, %ne3A_373 : vector<16xi1>
      %and3A_375 = arith.andi %ne3A_374, %ne3A_366 : vector<16xi1>
      %add3A_376 = vector.broadcast %select_n3A_361 : i32 to vector<16xi32>
      %add3A_377 = arith.addi %rem3A_363, %add3A_376 : vector<16xi32>
      %select_n3A_378 = arith.select %and3A_375, %add3A_377, %rem3A_363 : vector<16xi1>, vector<16xi32>
      %mul3A_379 = arith.constant 100 : i32
      %mul3A_380 = vector.broadcast %mul3A_379 : i32 to vector<16xi32>
      %mul3A_381 = arith.muli %select_n3A_378, %mul3A_380 : vector<16xi32>
      %add3A_382 = arith.addi %mul3A_381, %get3A_325 : vector<16xi32>
      tpu.vector_store_idx %arg5[%select_n3A_356, %add3A_382], %broadcast_in_dim3A_5 : memref<16x2600xi32, #tpu.memory_space<vmem>>[vector<16xi32>, vector<16xi32>], vector<16xi32>,
      %iota3A_383 = tpu.iota {dimensions = array<i32: 0>} : vector<16xi32>
      %add3A_384 = arith.constant 96 : i32
      %add3A_385 = vector.broadcast %add3A_384 : i32 to vector<16xi32>
      %add3A_386 = arith.addi %add3A_385, %iota3A_383 : vector<16xi32>
      %get3A_387 = arith.constant 96 : index
      %get3A_388 = tpu.vector_load %arg6[%get3A_387] {strides = array<i32>} : memref<416xi32, #tpu.memory_space<vmem>>, vector<16xi32>,
      %jit3A_389 = arith.constant 26 : i32
      %div3A_390 = vector.broadcast %jit3A_389 : i32 to vector<16xi32>
      %div3A_391 = arith.divsi %add3A_386, %div3A_390 : vector<16xi32>
      %sign3A_392 = arith.constant 0 : i32
      %sign3A_393 = vector.broadcast %sign3A_392 : i32 to vector<16xi32>
      %sign3A_394 = arith.cmpi sgt, %add3A_386, %sign3A_393 : vector<16xi32>
      %sign3A_395 = arith.extui %sign3A_394 : vector<16xi1> to vector<16xi32>
      %sign3A_396 = arith.constant 0 : i32
      %sign3A_397 = vector.broadcast %sign3A_396 : i32 to vector<16xi32>
      %sign3A_398 = arith.cmpi slt, %add3A_386, %sign3A_397 : vector<16xi32>
      %sign3A_399 = arith.extui %sign3A_398 : vector<16xi1> to vector<16xi32>
      %sign3A_400 = arith.subi %sign3A_395, %sign3A_399 : vector<16xi32>
      %sign3A_401 = arith.constant 0 : i32
      %sign3A_402 = arith.cmpi sgt, %jit3A_389, %sign3A_401 : i32
      %sign3A_403 = arith.extui %sign3A_402 : i1 to i32
      %sign3A_404 = arith.constant 0 : i32
      %sign3A_405 = arith.cmpi slt, %jit3A_389, %sign3A_404 : i32
      %sign3A_406 = arith.extui %sign3A_405 : i1 to i32
      %sign3A_407 = arith.subi %sign3A_403, %sign3A_406 : i32
      %ne3A_408 = vector.broadcast %sign3A_407 : i32 to vector<16xi32>
      %ne3A_409 = arith.cmpi ne, %sign3A_400, %ne3A_408 : vector<16xi32>
      %rem3A_410 = vector.broadcast %jit3A_389 : i32 to vector<16xi32>
      %rem3A_411 = arith.remsi %add3A_386, %rem3A_410 : vector<16xi32>
      %ne3A_412 = arith.constant 0 : i32
      %ne3A_413 = vector.broadcast %ne3A_412 : i32 to vector<16xi32>
      %ne3A_414 = arith.cmpi ne, %rem3A_411, %ne3A_413 : vector<16xi32>
      %and3A_415 = arith.andi %ne3A_409, %ne3A_414 : vector<16xi1>
      %sub3A_416 = arith.constant 1 : i32
      %sub3A_417 = vector.broadcast %sub3A_416 : i32 to vector<16xi32>
      %sub3A_418 = arith.subi %div3A_391, %sub3A_417 : vector<16xi32>
      %select_n3A_419 = arith.select %and3A_415, %sub3A_418, %div3A_391 : vector<16xi1>, vector<16xi32>
      %jit3A_420 = arith.constant 26 : i32
      %eq3A_421 = arith.constant 0 : i32
      %eq3A_422 = arith.cmpi eq, %jit3A_420, %eq3A_421 : i32
      %jit3A_423 = arith.constant 1 : i32
      %select_n3A_424 = arith.select %eq3A_422, %jit3A_423, %jit3A_420 : i32
      %rem3A_425 = vector.broadcast %select_n3A_424 : i32 to vector<16xi32>
      %rem3A_426 = arith.remsi %add3A_386, %rem3A_425 : vector<16xi32>
      %ne3A_427 = arith.constant 0 : i32
      %ne3A_428 = vector.broadcast %ne3A_427 : i32 to vector<16xi32>
      %ne3A_429 = arith.cmpi ne, %rem3A_426, %ne3A_428 : vector<16xi32>
      %lt3A_430 = arith.constant 0 : i32
      %lt3A_431 = vector.broadcast %lt3A_430 : i32 to vector<16xi32>
      %lt3A_432 = arith.cmpi slt, %rem3A_426, %lt3A_431 : vector<16xi32>
      %lt3A_433 = arith.constant 0 : i32
      %lt3A_434 = arith.cmpi slt, %select_n3A_424, %lt3A_433 : i32
      %ne3A_435 = vector.broadcast %lt3A_434 : i1 to vector<16xi1>
      %ne3A_436 = vector.broadcast %ne3A_435 : vector<16xi1> to vector<16xi1>
      %ne3A_437 = arith.xori %lt3A_432, %ne3A_436 : vector<16xi1>
      %and3A_438 = arith.andi %ne3A_437, %ne3A_429 : vector<16xi1>
      %add3A_439 = vector.broadcast %select_n3A_424 : i32 to vector<16xi32>
      %add3A_440 = arith.addi %rem3A_426, %add3A_439 : vector<16xi32>
      %select_n3A_441 = arith.select %and3A_438, %add3A_440, %rem3A_426 : vector<16xi1>, vector<16xi32>
      %mul3A_442 = arith.constant 100 : i32
      %mul3A_443 = vector.broadcast %mul3A_442 : i32 to vector<16xi32>
      %mul3A_444 = arith.muli %select_n3A_441, %mul3A_443 : vector<16xi32>
      %add3A_445 = arith.addi %mul3A_444, %get3A_388 : vector<16xi32>
      tpu.vector_store_idx %arg5[%select_n3A_419, %add3A_445], %broadcast_in_dim3A_5 : memref<16x2600xi32, #tpu.memory_space<vmem>>[vector<16xi32>, vector<16xi32>], vector<16xi32>,
      %iota3A_446 = tpu.iota {dimensions = array<i32: 0>} : vector<16xi32>
      %add3A_447 = arith.constant 112 : i32
      %add3A_448 = vector.broadcast %add3A_447 : i32 to vector<16xi32>
      %add3A_449 = arith.addi %add3A_448, %iota3A_446 : vector<16xi32>
      %get3A_450 = arith.constant 112 : index
      %get3A_451 = tpu.vector_load %arg6[%get3A_450] {strides = array<i32>} : memref<416xi32, #tpu.memory_space<vmem>>, vector<16xi32>,
      %jit3A_452 = arith.constant 26 : i32
      %div3A_453 = vector.broadcast %jit3A_452 : i32 to vector<16xi32>
      %div3A_454 = arith.divsi %add3A_449, %div3A_453 : vector<16xi32>
      %sign3A_455 = arith.constant 0 : i32
      %sign3A_456 = vector.broadcast %sign3A_455 : i32 to vector<16xi32>
      %sign3A_457 = arith.cmpi sgt, %add3A_449, %sign3A_456 : vector<16xi32>
      %sign3A_458 = arith.extui %sign3A_457 : vector<16xi1> to vector<16xi32>
      %sign3A_459 = arith.constant 0 : i32
      %sign3A_460 = vector.broadcast %sign3A_459 : i32 to vector<16xi32>
      %sign3A_461 = arith.cmpi slt, %add3A_449, %sign3A_460 : vector<16xi32>
      %sign3A_462 = arith.extui %sign3A_461 : vector<16xi1> to vector<16xi32>
      %sign3A_463 = arith.subi %sign3A_458, %sign3A_462 : vector<16xi32>
      %sign3A_464 = arith.constant 0 : i32
      %sign3A_465 = arith.cmpi sgt, %jit3A_452, %sign3A_464 : i32
      %sign3A_466 = arith.extui %sign3A_465 : i1 to i32
      %sign3A_467 = arith.constant 0 : i32
      %sign3A_468 = arith.cmpi slt, %jit3A_452, %sign3A_467 : i32
      %sign3A_469 = arith.extui %sign3A_468 : i1 to i32
      %sign3A_470 = arith.subi %sign3A_466, %sign3A_469 : i32
      %ne3A_471 = vector.broadcast %sign3A_470 : i32 to vector<16xi32>
      %ne3A_472 = arith.cmpi ne, %sign3A_463, %ne3A_471 : vector<16xi32>
      %rem3A_473 = vector.broadcast %jit3A_452 : i32 to vector<16xi32>
      %rem3A_474 = arith.remsi %add3A_449, %rem3A_473 : vector<16xi32>
      %ne3A_475 = arith.constant 0 : i32
      %ne3A_476 = vector.broadcast %ne3A_475 : i32 to vector<16xi32>
      %ne3A_477 = arith.cmpi ne, %rem3A_474, %ne3A_476 : vector<16xi32>
      %and3A_478 = arith.andi %ne3A_472, %ne3A_477 : vector<16xi1>
      %sub3A_479 = arith.constant 1 : i32
      %sub3A_480 = vector.broadcast %sub3A_479 : i32 to vector<16xi32>
      %sub3A_481 = arith.subi %div3A_454, %sub3A_480 : vector<16xi32>
      %select_n3A_482 = arith.select %and3A_478, %sub3A_481, %div3A_454 : vector<16xi1>, vector<16xi32>
      %jit3A_483 = arith.constant 26 : i32
      %eq3A_484 = arith.constant 0 : i32
      %eq3A_485 = arith.cmpi eq, %jit3A_483, %eq3A_484 : i32
      %jit3A_486 = arith.constant 1 : i32
      %select_n3A_487 = arith.select %eq3A_485, %jit3A_486, %jit3A_483 : i32
      %rem3A_488 = vector.broadcast %select_n3A_487 : i32 to vector<16xi32>
      %rem3A_489 = arith.remsi %add3A_449, %rem3A_488 : vector<16xi32>
      %ne3A_490 = arith.constant 0 : i32
      %ne3A_491 = vector.broadcast %ne3A_490 : i32 to vector<16xi32>
      %ne3A_492 = arith.cmpi ne, %rem3A_489, %ne3A_491 : vector<16xi32>
      %lt3A_493 = arith.constant 0 : i32
      %lt3A_494 = vector.broadcast %lt3A_493 : i32 to vector<16xi32>
      %lt3A_495 = arith.cmpi slt, %rem3A_489, %lt3A_494 : vector<16xi32>
      %lt3A_496 = arith.constant 0 : i32
      %lt3A_497 = arith.cmpi slt, %select_n3A_487, %lt3A_496 : i32
      %ne3A_498 = vector.broadcast %lt3A_497 : i1 to vector<16xi1>
      %ne3A_499 = vector.broadcast %ne3A_498 : vector<16xi1> to vector<16xi1>
      %ne3A_500 = arith.xori %lt3A_495, %ne3A_499 : vector<16xi1>
      %and3A_501 = arith.andi %ne3A_500, %ne3A_492 : vector<16xi1>
      %add3A_502 = vector.broadcast %select_n3A_487 : i32 to vector<16xi32>
      %add3A_503 = arith.addi %rem3A_489, %add3A_502 : vector<16xi32>
      %select_n3A_504 = arith.select %and3A_501, %add3A_503, %rem3A_489 : vector<16xi1>, vector<16xi32>
      %mul3A_505 = arith.constant 100 : i32
      %mul3A_506 = vector.broadcast %mul3A_505 : i32 to vector<16xi32>
      %mul3A_507 = arith.muli %select_n3A_504, %mul3A_506 : vector<16xi32>
      %add3A_508 = arith.addi %mul3A_507, %get3A_451 : vector<16xi32>
      tpu.vector_store_idx %arg5[%select_n3A_482, %add3A_508], %broadcast_in_dim3A_5 : memref<16x2600xi32, #tpu.memory_space<vmem>>[vector<16xi32>, vector<16xi32>], vector<16xi32>,
      %iota3A_509 = tpu.iota {dimensions = array<i32: 0>} : vector<16xi32>
      %add3A_510 = arith.constant 128 : i32
      %add3A_511 = vector.broadcast %add3A_510 : i32 to vector<16xi32>
      %add3A_512 = arith.addi %add3A_511, %iota3A_509 : vector<16xi32>
      %get3A_513 = arith.constant 128 : index
      %get3A_514 = tpu.vector_load %arg6[%get3A_513] {strides = array<i32>} : memref<416xi32, #tpu.memory_space<vmem>>, vector<16xi32>,
      %jit3A_515 = arith.constant 26 : i32
      %div3A_516 = vector.broadcast %jit3A_515 : i32 to vector<16xi32>
      %div3A_517 = arith.divsi %add3A_512, %div3A_516 : vector<16xi32>
      %sign3A_518 = arith.constant 0 : i32
      %sign3A_519 = vector.broadcast %sign3A_518 : i32 to vector<16xi32>
      %sign3A_520 = arith.cmpi sgt, %add3A_512, %sign3A_519 : vector<16xi32>
      %sign3A_521 = arith.extui %sign3A_520 : vector<16xi1> to vector<16xi32>
      %sign3A_522 = arith.constant 0 : i32
      %sign3A_523 = vector.broadcast %sign3A_522 : i32 to vector<16xi32>
      %sign3A_524 = arith.cmpi slt, %add3A_512, %sign3A_523 : vector<16xi32>
      %sign3A_525 = arith.extui %sign3A_524 : vector<16xi1> to vector<16xi32>
      %sign3A_526 = arith.subi %sign3A_521, %sign3A_525 : vector<16xi32>
      %sign3A_527 = arith.constant 0 : i32
      %sign3A_528 = arith.cmpi sgt, %jit3A_515, %sign3A_527 : i32
      %sign3A_529 = arith.extui %sign3A_528 : i1 to i32
      %sign3A_530 = arith.constant 0 : i32
      %sign3A_531 = arith.cmpi slt, %jit3A_515, %sign3A_530 : i32
      %sign3A_532 = arith.extui %sign3A_531 : i1 to i32
      %sign3A_533 = arith.subi %sign3A_529, %sign3A_532 : i32
      %ne3A_534 = vector.broadcast %sign3A_533 : i32 to vector<16xi32>
      %ne3A_535 = arith.cmpi ne, %sign3A_526, %ne3A_534 : vector<16xi32>
      %rem3A_536 = vector.broadcast %jit3A_515 : i32 to vector<16xi32>
      %rem3A_537 = arith.remsi %add3A_512, %rem3A_536 : vector<16xi32>
      %ne3A_538 = arith.constant 0 : i32
      %ne3A_539 = vector.broadcast %ne3A_538 : i32 to vector<16xi32>
      %ne3A_540 = arith.cmpi ne, %rem3A_537, %ne3A_539 : vector<16xi32>
      %and3A_541 = arith.andi %ne3A_535, %ne3A_540 : vector<16xi1>
      %sub3A_542 = arith.constant 1 : i32
      %sub3A_543 = vector.broadcast %sub3A_542 : i32 to vector<16xi32>
      %sub3A_544 = arith.subi %div3A_517, %sub3A_543 : vector<16xi32>
      %select_n3A_545 = arith.select %and3A_541, %sub3A_544, %div3A_517 : vector<16xi1>, vector<16xi32>
      %jit3A_546 = arith.constant 26 : i32
      %eq3A_547 = arith.constant 0 : i32
      %eq3A_548 = arith.cmpi eq, %jit3A_546, %eq3A_547 : i32
      %jit3A_549 = arith.constant 1 : i32
      %select_n3A_550 = arith.select %eq3A_548, %jit3A_549, %jit3A_546 : i32
      %rem3A_551 = vector.broadcast %select_n3A_550 : i32 to vector<16xi32>
      %rem3A_552 = arith.remsi %add3A_512, %rem3A_551 : vector<16xi32>
      %ne3A_553 = arith.constant 0 : i32
      %ne3A_554 = vector.broadcast %ne3A_553 : i32 to vector<16xi32>
      %ne3A_555 = arith.cmpi ne, %rem3A_552, %ne3A_554 : vector<16xi32>
      %lt3A_556 = arith.constant 0 : i32
      %lt3A_557 = vector.broadcast %lt3A_556 : i32 to vector<16xi32>
      %lt3A_558 = arith.cmpi slt, %rem3A_552, %lt3A_557 : vector<16xi32>
      %lt3A_559 = arith.constant 0 : i32
      %lt3A_560 = arith.cmpi slt, %select_n3A_550, %lt3A_559 : i32
      %ne3A_561 = vector.broadcast %lt3A_560 : i1 to vector<16xi1>
      %ne3A_562 = vector.broadcast %ne3A_561 : vector<16xi1> to vector<16xi1>
      %ne3A_563 = arith.xori %lt3A_558, %ne3A_562 : vector<16xi1>
      %and3A_564 = arith.andi %ne3A_563, %ne3A_555 : vector<16xi1>
      %add3A_565 = vector.broadcast %select_n3A_550 : i32 to vector<16xi32>
      %add3A_566 = arith.addi %rem3A_552, %add3A_565 : vector<16xi32>
      %select_n3A_567 = arith.select %and3A_564, %add3A_566, %rem3A_552 : vector<16xi1>, vector<16xi32>
      %mul3A_568 = arith.constant 100 : i32
      %mul3A_569 = vector.broadcast %mul3A_568 : i32 to vector<16xi32>
      %mul3A_570 = arith.muli %select_n3A_567, %mul3A_569 : vector<16xi32>
      %add3A_571 = arith.addi %mul3A_570, %get3A_514 : vector<16xi32>
      tpu.vector_store_idx %arg5[%select_n3A_545, %add3A_571], %broadcast_in_dim3A_5 : memref<16x2600xi32, #tpu.memory_space<vmem>>[vector<16xi32>, vector<16xi32>], vector<16xi32>,
      %iota3A_572 = tpu.iota {dimensions = array<i32: 0>} : vector<16xi32>
      %add3A_573 = arith.constant 144 : i32
      %add3A_574 = vector.broadcast %add3A_573 : i32 to vector<16xi32>
      %add3A_575 = arith.addi %add3A_574, %iota3A_572 : vector<16xi32>
      %get3A_576 = arith.constant 144 : index
      %get3A_577 = tpu.vector_load %arg6[%get3A_576] {strides = array<i32>} : memref<416xi32, #tpu.memory_space<vmem>>, vector<16xi32>,
      %jit3A_578 = arith.constant 26 : i32
      %div3A_579 = vector.broadcast %jit3A_578 : i32 to vector<16xi32>
      %div3A_580 = arith.divsi %add3A_575, %div3A_579 : vector<16xi32>
      %sign3A_581 = arith.constant 0 : i32
      %sign3A_582 = vector.broadcast %sign3A_581 : i32 to vector<16xi32>
      %sign3A_583 = arith.cmpi sgt, %add3A_575, %sign3A_582 : vector<16xi32>
      %sign3A_584 = arith.extui %sign3A_583 : vector<16xi1> to vector<16xi32>
      %sign3A_585 = arith.constant 0 : i32
      %sign3A_586 = vector.broadcast %sign3A_585 : i32 to vector<16xi32>
      %sign3A_587 = arith.cmpi slt, %add3A_575, %sign3A_586 : vector<16xi32>
      %sign3A_588 = arith.extui %sign3A_587 : vector<16xi1> to vector<16xi32>
      %sign3A_589 = arith.subi %sign3A_584, %sign3A_588 : vector<16xi32>
      %sign3A_590 = arith.constant 0 : i32
      %sign3A_591 = arith.cmpi sgt, %jit3A_578, %sign3A_590 : i32
      %sign3A_592 = arith.extui %sign3A_591 : i1 to i32
      %sign3A_593 = arith.constant 0 : i32
      %sign3A_594 = arith.cmpi slt, %jit3A_578, %sign3A_593 : i32
      %sign3A_595 = arith.extui %sign3A_594 : i1 to i32
      %sign3A_596 = arith.subi %sign3A_592, %sign3A_595 : i32
      %ne3A_597 = vector.broadcast %sign3A_596 : i32 to vector<16xi32>
      %ne3A_598 = arith.cmpi ne, %sign3A_589, %ne3A_597 : vector<16xi32>
      %rem3A_599 = vector.broadcast %jit3A_578 : i32 to vector<16xi32>
      %rem3A_600 = arith.remsi %add3A_575, %rem3A_599 : vector<16xi32>
      %ne3A_601 = arith.constant 0 : i32
      %ne3A_602 = vector.broadcast %ne3A_601 : i32 to vector<16xi32>
      %ne3A_603 = arith.cmpi ne, %rem3A_600, %ne3A_602 : vector<16xi32>
      %and3A_604 = arith.andi %ne3A_598, %ne3A_603 : vector<16xi1>
      %sub3A_605 = arith.constant 1 : i32
      %sub3A_606 = vector.broadcast %sub3A_605 : i32 to vector<16xi32>
      %sub3A_607 = arith.subi %div3A_580, %sub3A_606 : vector<16xi32>
      %select_n3A_608 = arith.select %and3A_604, %sub3A_607, %div3A_580 : vector<16xi1>, vector<16xi32>
      %jit3A_609 = arith.constant 26 : i32
      %eq3A_610 = arith.constant 0 : i32
      %eq3A_611 = arith.cmpi eq, %jit3A_609, %eq3A_610 : i32
      %jit3A_612 = arith.constant 1 : i32
      %select_n3A_613 = arith.select %eq3A_611, %jit3A_612, %jit3A_609 : i32
      %rem3A_614 = vector.broadcast %select_n3A_613 : i32 to vector<16xi32>
      %rem3A_615 = arith.remsi %add3A_575, %rem3A_614 : vector<16xi32>
      %ne3A_616 = arith.constant 0 : i32
      %ne3A_617 = vector.broadcast %ne3A_616 : i32 to vector<16xi32>
      %ne3A_618 = arith.cmpi ne, %rem3A_615, %ne3A_617 : vector<16xi32>
      %lt3A_619 = arith.constant 0 : i32
      %lt3A_620 = vector.broadcast %lt3A_619 : i32 to vector<16xi32>
      %lt3A_621 = arith.cmpi slt, %rem3A_615, %lt3A_620 : vector<16xi32>
      %lt3A_622 = arith.constant 0 : i32
      %lt3A_623 = arith.cmpi slt, %select_n3A_613, %lt3A_622 : i32
      %ne3A_624 = vector.broadcast %lt3A_623 : i1 to vector<16xi1>
      %ne3A_625 = vector.broadcast %ne3A_624 : vector<16xi1> to vector<16xi1>
      %ne3A_626 = arith.xori %lt3A_621, %ne3A_625 : vector<16xi1>
      %and3A_627 = arith.andi %ne3A_626, %ne3A_618 : vector<16xi1>
      %add3A_628 = vector.broadcast %select_n3A_613 : i32 to vector<16xi32>
      %add3A_629 = arith.addi %rem3A_615, %add3A_628 : vector<16xi32>
      %select_n3A_630 = arith.select %and3A_627, %add3A_629, %rem3A_615 : vector<16xi1>, vector<16xi32>
      %mul3A_631 = arith.constant 100 : i32
      %mul3A_632 = vector.broadcast %mul3A_631 : i32 to vector<16xi32>
      %mul3A_633 = arith.muli %select_n3A_630, %mul3A_632 : vector<16xi32>
      %add3A_634 = arith.addi %mul3A_633, %get3A_577 : vector<16xi32>
      tpu.vector_store_idx %arg5[%select_n3A_608, %add3A_634], %broadcast_in_dim3A_5 : memref<16x2600xi32, #tpu.memory_space<vmem>>[vector<16xi32>, vector<16xi32>], vector<16xi32>,
      %iota3A_635 = tpu.iota {dimensions = array<i32: 0>} : vector<16xi32>
      %add3A_636 = arith.constant 160 : i32
      %add3A_637 = vector.broadcast %add3A_636 : i32 to vector<16xi32>
      %add3A_638 = arith.addi %add3A_637, %iota3A_635 : vector<16xi32>
      %get3A_639 = arith.constant 160 : index
      %get3A_640 = tpu.vector_load %arg6[%get3A_639] {strides = array<i32>} : memref<416xi32, #tpu.memory_space<vmem>>, vector<16xi32>,
      %jit3A_641 = arith.constant 26 : i32
      %div3A_642 = vector.broadcast %jit3A_641 : i32 to vector<16xi32>
      %div3A_643 = arith.divsi %add3A_638, %div3A_642 : vector<16xi32>
      %sign3A_644 = arith.constant 0 : i32
      %sign3A_645 = vector.broadcast %sign3A_644 : i32 to vector<16xi32>
      %sign3A_646 = arith.cmpi sgt, %add3A_638, %sign3A_645 : vector<16xi32>
      %sign3A_647 = arith.extui %sign3A_646 : vector<16xi1> to vector<16xi32>
      %sign3A_648 = arith.constant 0 : i32
      %sign3A_649 = vector.broadcast %sign3A_648 : i32 to vector<16xi32>
      %sign3A_650 = arith.cmpi slt, %add3A_638, %sign3A_649 : vector<16xi32>
      %sign3A_651 = arith.extui %sign3A_650 : vector<16xi1> to vector<16xi32>
      %sign3A_652 = arith.subi %sign3A_647, %sign3A_651 : vector<16xi32>
      %sign3A_653 = arith.constant 0 : i32
      %sign3A_654 = arith.cmpi sgt, %jit3A_641, %sign3A_653 : i32
      %sign3A_655 = arith.extui %sign3A_654 : i1 to i32
      %sign3A_656 = arith.constant 0 : i32
      %sign3A_657 = arith.cmpi slt, %jit3A_641, %sign3A_656 : i32
      %sign3A_658 = arith.extui %sign3A_657 : i1 to i32
      %sign3A_659 = arith.subi %sign3A_655, %sign3A_658 : i32
      %ne3A_660 = vector.broadcast %sign3A_659 : i32 to vector<16xi32>
      %ne3A_661 = arith.cmpi ne, %sign3A_652, %ne3A_660 : vector<16xi32>
      %rem3A_662 = vector.broadcast %jit3A_641 : i32 to vector<16xi32>
      %rem3A_663 = arith.remsi %add3A_638, %rem3A_662 : vector<16xi32>
      %ne3A_664 = arith.constant 0 : i32
      %ne3A_665 = vector.broadcast %ne3A_664 : i32 to vector<16xi32>
      %ne3A_666 = arith.cmpi ne, %rem3A_663, %ne3A_665 : vector<16xi32>
      %and3A_667 = arith.andi %ne3A_661, %ne3A_666 : vector<16xi1>
      %sub3A_668 = arith.constant 1 : i32
      %sub3A_669 = vector.broadcast %sub3A_668 : i32 to vector<16xi32>
      %sub3A_670 = arith.subi %div3A_643, %sub3A_669 : vector<16xi32>
      %select_n3A_671 = arith.select %and3A_667, %sub3A_670, %div3A_643 : vector<16xi1>, vector<16xi32>
      %jit3A_672 = arith.constant 26 : i32
      %eq3A_673 = arith.constant 0 : i32
      %eq3A_674 = arith.cmpi eq, %jit3A_672, %eq3A_673 : i32
      %jit3A_675 = arith.constant 1 : i32
      %select_n3A_676 = arith.select %eq3A_674, %jit3A_675, %jit3A_672 : i32
      %rem3A_677 = vector.broadcast %select_n3A_676 : i32 to vector<16xi32>
      %rem3A_678 = arith.remsi %add3A_638, %rem3A_677 : vector<16xi32>
      %ne3A_679 = arith.constant 0 : i32
      %ne3A_680 = vector.broadcast %ne3A_679 : i32 to vector<16xi32>
      %ne3A_681 = arith.cmpi ne, %rem3A_678, %ne3A_680 : vector<16xi32>
      %lt3A_682 = arith.constant 0 : i32
      %lt3A_683 = vector.broadcast %lt3A_682 : i32 to vector<16xi32>
      %lt3A_684 = arith.cmpi slt, %rem3A_678, %lt3A_683 : vector<16xi32>
      %lt3A_685 = arith.constant 0 : i32
      %lt3A_686 = arith.cmpi slt, %select_n3A_676, %lt3A_685 : i32
      %ne3A_687 = vector.broadcast %lt3A_686 : i1 to vector<16xi1>
      %ne3A_688 = vector.broadcast %ne3A_687 : vector<16xi1> to vector<16xi1>
      %ne3A_689 = arith.xori %lt3A_684, %ne3A_688 : vector<16xi1>
      %and3A_690 = arith.andi %ne3A_689, %ne3A_681 : vector<16xi1>
      %add3A_691 = vector.broadcast %select_n3A_676 : i32 to vector<16xi32>
      %add3A_692 = arith.addi %rem3A_678, %add3A_691 : vector<16xi32>
      %select_n3A_693 = arith.select %and3A_690, %add3A_692, %rem3A_678 : vector<16xi1>, vector<16xi32>
      %mul3A_694 = arith.constant 100 : i32
      %mul3A_695 = vector.broadcast %mul3A_694 : i32 to vector<16xi32>
      %mul3A_696 = arith.muli %select_n3A_693, %mul3A_695 : vector<16xi32>
      %add3A_697 = arith.addi %mul3A_696, %get3A_640 : vector<16xi32>
      tpu.vector_store_idx %arg5[%select_n3A_671, %add3A_697], %broadcast_in_dim3A_5 : memref<16x2600xi32, #tpu.memory_space<vmem>>[vector<16xi32>, vector<16xi32>], vector<16xi32>,
      %iota3A_698 = tpu.iota {dimensions = array<i32: 0>} : vector<16xi32>
      %add3A_699 = arith.constant 176 : i32
      %add3A_700 = vector.broadcast %add3A_699 : i32 to vector<16xi32>
      %add3A_701 = arith.addi %add3A_700, %iota3A_698 : vector<16xi32>
      %get3A_702 = arith.constant 176 : index
      %get3A_703 = tpu.vector_load %arg6[%get3A_702] {strides = array<i32>} : memref<416xi32, #tpu.memory_space<vmem>>, vector<16xi32>,
      %jit3A_704 = arith.constant 26 : i32
      %div3A_705 = vector.broadcast %jit3A_704 : i32 to vector<16xi32>
      %div3A_706 = arith.divsi %add3A_701, %div3A_705 : vector<16xi32>
      %sign3A_707 = arith.constant 0 : i32
      %sign3A_708 = vector.broadcast %sign3A_707 : i32 to vector<16xi32>
      %sign3A_709 = arith.cmpi sgt, %add3A_701, %sign3A_708 : vector<16xi32>
      %sign3A_710 = arith.extui %sign3A_709 : vector<16xi1> to vector<16xi32>
      %sign3A_711 = arith.constant 0 : i32
      %sign3A_712 = vector.broadcast %sign3A_711 : i32 to vector<16xi32>
      %sign3A_713 = arith.cmpi slt, %add3A_701, %sign3A_712 : vector<16xi32>
      %sign3A_714 = arith.extui %sign3A_713 : vector<16xi1> to vector<16xi32>
      %sign3A_715 = arith.subi %sign3A_710, %sign3A_714 : vector<16xi32>
      %sign3A_716 = arith.constant 0 : i32
      %sign3A_717 = arith.cmpi sgt, %jit3A_704, %sign3A_716 : i32
      %sign3A_718 = arith.extui %sign3A_717 : i1 to i32
      %sign3A_719 = arith.constant 0 : i32
      %sign3A_720 = arith.cmpi slt, %jit3A_704, %sign3A_719 : i32
      %sign3A_721 = arith.extui %sign3A_720 : i1 to i32
      %sign3A_722 = arith.subi %sign3A_718, %sign3A_721 : i32
      %ne3A_723 = vector.broadcast %sign3A_722 : i32 to vector<16xi32>
      %ne3A_724 = arith.cmpi ne, %sign3A_715, %ne3A_723 : vector<16xi32>
      %rem3A_725 = vector.broadcast %jit3A_704 : i32 to vector<16xi32>
      %rem3A_726 = arith.remsi %add3A_701, %rem3A_725 : vector<16xi32>
      %ne3A_727 = arith.constant 0 : i32
      %ne3A_728 = vector.broadcast %ne3A_727 : i32 to vector<16xi32>
      %ne3A_729 = arith.cmpi ne, %rem3A_726, %ne3A_728 : vector<16xi32>
      %and3A_730 = arith.andi %ne3A_724, %ne3A_729 : vector<16xi1>
      %sub3A_731 = arith.constant 1 : i32
      %sub3A_732 = vector.broadcast %sub3A_731 : i32 to vector<16xi32>
      %sub3A_733 = arith.subi %div3A_706, %sub3A_732 : vector<16xi32>
      %select_n3A_734 = arith.select %and3A_730, %sub3A_733, %div3A_706 : vector<16xi1>, vector<16xi32>
      %jit3A_735 = arith.constant 26 : i32
      %eq3A_736 = arith.constant 0 : i32
      %eq3A_737 = arith.cmpi eq, %jit3A_735, %eq3A_736 : i32
      %jit3A_738 = arith.constant 1 : i32
      %select_n3A_739 = arith.select %eq3A_737, %jit3A_738, %jit3A_735 : i32
      %rem3A_740 = vector.broadcast %select_n3A_739 : i32 to vector<16xi32>
      %rem3A_741 = arith.remsi %add3A_701, %rem3A_740 : vector<16xi32>
      %ne3A_742 = arith.constant 0 : i32
      %ne3A_743 = vector.broadcast %ne3A_742 : i32 to vector<16xi32>
      %ne3A_744 = arith.cmpi ne, %rem3A_741, %ne3A_743 : vector<16xi32>
      %lt3A_745 = arith.constant 0 : i32
      %lt3A_746 = vector.broadcast %lt3A_745 : i32 to vector<16xi32>
      %lt3A_747 = arith.cmpi slt, %rem3A_741, %lt3A_746 : vector<16xi32>
      %lt3A_748 = arith.constant 0 : i32
      %lt3A_749 = arith.cmpi slt, %select_n3A_739, %lt3A_748 : i32
      %ne3A_750 = vector.broadcast %lt3A_749 : i1 to vector<16xi1>
      %ne3A_751 = vector.broadcast %ne3A_750 : vector<16xi1> to vector<16xi1>
      %ne3A_752 = arith.xori %lt3A_747, %ne3A_751 : vector<16xi1>
      %and3A_753 = arith.andi %ne3A_752, %ne3A_744 : vector<16xi1>
      %add3A_754 = vector.broadcast %select_n3A_739 : i32 to vector<16xi32>
      %add3A_755 = arith.addi %rem3A_741, %add3A_754 : vector<16xi32>
      %select_n3A_756 = arith.select %and3A_753, %add3A_755, %rem3A_741 : vector<16xi1>, vector<16xi32>
      %mul3A_757 = arith.constant 100 : i32
      %mul3A_758 = vector.broadcast %mul3A_757 : i32 to vector<16xi32>
      %mul3A_759 = arith.muli %select_n3A_756, %mul3A_758 : vector<16xi32>
      %add3A_760 = arith.addi %mul3A_759, %get3A_703 : vector<16xi32>
      tpu.vector_store_idx %arg5[%select_n3A_734, %add3A_760], %broadcast_in_dim3A_5 : memref<16x2600xi32, #tpu.memory_space<vmem>>[vector<16xi32>, vector<16xi32>], vector<16xi32>,
      %iota3A_761 = tpu.iota {dimensions = array<i32: 0>} : vector<16xi32>
      %add3A_762 = arith.constant 192 : i32
      %add3A_763 = vector.broadcast %add3A_762 : i32 to vector<16xi32>
      %add3A_764 = arith.addi %add3A_763, %iota3A_761 : vector<16xi32>
      %get3A_765 = arith.constant 192 : index
      %get3A_766 = tpu.vector_load %arg6[%get3A_765] {strides = array<i32>} : memref<416xi32, #tpu.memory_space<vmem>>, vector<16xi32>,
      %jit3A_767 = arith.constant 26 : i32
      %div3A_768 = vector.broadcast %jit3A_767 : i32 to vector<16xi32>
      %div3A_769 = arith.divsi %add3A_764, %div3A_768 : vector<16xi32>
      %sign3A_770 = arith.constant 0 : i32
      %sign3A_771 = vector.broadcast %sign3A_770 : i32 to vector<16xi32>
      %sign3A_772 = arith.cmpi sgt, %add3A_764, %sign3A_771 : vector<16xi32>
      %sign3A_773 = arith.extui %sign3A_772 : vector<16xi1> to vector<16xi32>
      %sign3A_774 = arith.constant 0 : i32
      %sign3A_775 = vector.broadcast %sign3A_774 : i32 to vector<16xi32>
      %sign3A_776 = arith.cmpi slt, %add3A_764, %sign3A_775 : vector<16xi32>
      %sign3A_777 = arith.extui %sign3A_776 : vector<16xi1> to vector<16xi32>
      %sign3A_778 = arith.subi %sign3A_773, %sign3A_777 : vector<16xi32>
      %sign3A_779 = arith.constant 0 : i32
      %sign3A_780 = arith.cmpi sgt, %jit3A_767, %sign3A_779 : i32
      %sign3A_781 = arith.extui %sign3A_780 : i1 to i32
      %sign3A_782 = arith.constant 0 : i32
      %sign3A_783 = arith.cmpi slt, %jit3A_767, %sign3A_782 : i32
      %sign3A_784 = arith.extui %sign3A_783 : i1 to i32
      %sign3A_785 = arith.subi %sign3A_781, %sign3A_784 : i32
      %ne3A_786 = vector.broadcast %sign3A_785 : i32 to vector<16xi32>
      %ne3A_787 = arith.cmpi ne, %sign3A_778, %ne3A_786 : vector<16xi32>
      %rem3A_788 = vector.broadcast %jit3A_767 : i32 to vector<16xi32>
      %rem3A_789 = arith.remsi %add3A_764, %rem3A_788 : vector<16xi32>
      %ne3A_790 = arith.constant 0 : i32
      %ne3A_791 = vector.broadcast %ne3A_790 : i32 to vector<16xi32>
      %ne3A_792 = arith.cmpi ne, %rem3A_789, %ne3A_791 : vector<16xi32>
      %and3A_793 = arith.andi %ne3A_787, %ne3A_792 : vector<16xi1>
      %sub3A_794 = arith.constant 1 : i32
      %sub3A_795 = vector.broadcast %sub3A_794 : i32 to vector<16xi32>
      %sub3A_796 = arith.subi %div3A_769, %sub3A_795 : vector<16xi32>
      %select_n3A_797 = arith.select %and3A_793, %sub3A_796, %div3A_769 : vector<16xi1>, vector<16xi32>
      %jit3A_798 = arith.constant 26 : i32
      %eq3A_799 = arith.constant 0 : i32
      %eq3A_800 = arith.cmpi eq, %jit3A_798, %eq3A_799 : i32
      %jit3A_801 = arith.constant 1 : i32
      %select_n3A_802 = arith.select %eq3A_800, %jit3A_801, %jit3A_798 : i32
      %rem3A_803 = vector.broadcast %select_n3A_802 : i32 to vector<16xi32>
      %rem3A_804 = arith.remsi %add3A_764, %rem3A_803 : vector<16xi32>
      %ne3A_805 = arith.constant 0 : i32
      %ne3A_806 = vector.broadcast %ne3A_805 : i32 to vector<16xi32>
      %ne3A_807 = arith.cmpi ne, %rem3A_804, %ne3A_806 : vector<16xi32>
      %lt3A_808 = arith.constant 0 : i32
      %lt3A_809 = vector.broadcast %lt3A_808 : i32 to vector<16xi32>
      %lt3A_810 = arith.cmpi slt, %rem3A_804, %lt3A_809 : vector<16xi32>
      %lt3A_811 = arith.constant 0 : i32
      %lt3A_812 = arith.cmpi slt, %select_n3A_802, %lt3A_811 : i32
      %ne3A_813 = vector.broadcast %lt3A_812 : i1 to vector<16xi1>
      %ne3A_814 = vector.broadcast %ne3A_813 : vector<16xi1> to vector<16xi1>
      %ne3A_815 = arith.xori %lt3A_810, %ne3A_814 : vector<16xi1>
      %and3A_816 = arith.andi %ne3A_815, %ne3A_807 : vector<16xi1>
      %add3A_817 = vector.broadcast %select_n3A_802 : i32 to vector<16xi32>
      %add3A_818 = arith.addi %rem3A_804, %add3A_817 : vector<16xi32>
      %select_n3A_819 = arith.select %and3A_816, %add3A_818, %rem3A_804 : vector<16xi1>, vector<16xi32>
      %mul3A_820 = arith.constant 100 : i32
      %mul3A_821 = vector.broadcast %mul3A_820 : i32 to vector<16xi32>
      %mul3A_822 = arith.muli %select_n3A_819, %mul3A_821 : vector<16xi32>
      %add3A_823 = arith.addi %mul3A_822, %get3A_766 : vector<16xi32>
      tpu.vector_store_idx %arg5[%select_n3A_797, %add3A_823], %broadcast_in_dim3A_5 : memref<16x2600xi32, #tpu.memory_space<vmem>>[vector<16xi32>, vector<16xi32>], vector<16xi32>,
      %iota3A_824 = tpu.iota {dimensions = array<i32: 0>} : vector<16xi32>
      %add3A_825 = arith.constant 208 : i32
      %add3A_826 = vector.broadcast %add3A_825 : i32 to vector<16xi32>
      %add3A_827 = arith.addi %add3A_826, %iota3A_824 : vector<16xi32>
      %get3A_828 = arith.constant 208 : index
      %get3A_829 = tpu.vector_load %arg6[%get3A_828] {strides = array<i32>} : memref<416xi32, #tpu.memory_space<vmem>>, vector<16xi32>,
      %jit3A_830 = arith.constant 26 : i32
      %div3A_831 = vector.broadcast %jit3A_830 : i32 to vector<16xi32>
      %div3A_832 = arith.divsi %add3A_827, %div3A_831 : vector<16xi32>
      %sign3A_833 = arith.constant 0 : i32
      %sign3A_834 = vector.broadcast %sign3A_833 : i32 to vector<16xi32>
      %sign3A_835 = arith.cmpi sgt, %add3A_827, %sign3A_834 : vector<16xi32>
      %sign3A_836 = arith.extui %sign3A_835 : vector<16xi1> to vector<16xi32>
      %sign3A_837 = arith.constant 0 : i32
      %sign3A_838 = vector.broadcast %sign3A_837 : i32 to vector<16xi32>
      %sign3A_839 = arith.cmpi slt, %add3A_827, %sign3A_838 : vector<16xi32>
      %sign3A_840 = arith.extui %sign3A_839 : vector<16xi1> to vector<16xi32>
      %sign3A_841 = arith.subi %sign3A_836, %sign3A_840 : vector<16xi32>
      %sign3A_842 = arith.constant 0 : i32
      %sign3A_843 = arith.cmpi sgt, %jit3A_830, %sign3A_842 : i32
      %sign3A_844 = arith.extui %sign3A_843 : i1 to i32
      %sign3A_845 = arith.constant 0 : i32
      %sign3A_846 = arith.cmpi slt, %jit3A_830, %sign3A_845 : i32
      %sign3A_847 = arith.extui %sign3A_846 : i1 to i32
      %sign3A_848 = arith.subi %sign3A_844, %sign3A_847 : i32
      %ne3A_849 = vector.broadcast %sign3A_848 : i32 to vector<16xi32>
      %ne3A_850 = arith.cmpi ne, %sign3A_841, %ne3A_849 : vector<16xi32>
      %rem3A_851 = vector.broadcast %jit3A_830 : i32 to vector<16xi32>
      %rem3A_852 = arith.remsi %add3A_827, %rem3A_851 : vector<16xi32>
      %ne3A_853 = arith.constant 0 : i32
      %ne3A_854 = vector.broadcast %ne3A_853 : i32 to vector<16xi32>
      %ne3A_855 = arith.cmpi ne, %rem3A_852, %ne3A_854 : vector<16xi32>
      %and3A_856 = arith.andi %ne3A_850, %ne3A_855 : vector<16xi1>
      %sub3A_857 = arith.constant 1 : i32
      %sub3A_858 = vector.broadcast %sub3A_857 : i32 to vector<16xi32>
      %sub3A_859 = arith.subi %div3A_832, %sub3A_858 : vector<16xi32>
      %select_n3A_860 = arith.select %and3A_856, %sub3A_859, %div3A_832 : vector<16xi1>, vector<16xi32>
      %jit3A_861 = arith.constant 26 : i32
      %eq3A_862 = arith.constant 0 : i32
      %eq3A_863 = arith.cmpi eq, %jit3A_861, %eq3A_862 : i32
      %jit3A_864 = arith.constant 1 : i32
      %select_n3A_865 = arith.select %eq3A_863, %jit3A_864, %jit3A_861 : i32
      %rem3A_866 = vector.broadcast %select_n3A_865 : i32 to vector<16xi32>
      %rem3A_867 = arith.remsi %add3A_827, %rem3A_866 : vector<16xi32>
      %ne3A_868 = arith.constant 0 : i32
      %ne3A_869 = vector.broadcast %ne3A_868 : i32 to vector<16xi32>
      %ne3A_870 = arith.cmpi ne, %rem3A_867, %ne3A_869 : vector<16xi32>
      %lt3A_871 = arith.constant 0 : i32
      %lt3A_872 = vector.broadcast %lt3A_871 : i32 to vector<16xi32>
      %lt3A_873 = arith.cmpi slt, %rem3A_867, %lt3A_872 : vector<16xi32>
      %lt3A_874 = arith.constant 0 : i32
      %lt3A_875 = arith.cmpi slt, %select_n3A_865, %lt3A_874 : i32
      %ne3A_876 = vector.broadcast %lt3A_875 : i1 to vector<16xi1>
      %ne3A_877 = vector.broadcast %ne3A_876 : vector<16xi1> to vector<16xi1>
      %ne3A_878 = arith.xori %lt3A_873, %ne3A_877 : vector<16xi1>
      %and3A_879 = arith.andi %ne3A_878, %ne3A_870 : vector<16xi1>
      %add3A_880 = vector.broadcast %select_n3A_865 : i32 to vector<16xi32>
      %add3A_881 = arith.addi %rem3A_867, %add3A_880 : vector<16xi32>
      %select_n3A_882 = arith.select %and3A_879, %add3A_881, %rem3A_867 : vector<16xi1>, vector<16xi32>
      %mul3A_883 = arith.constant 100 : i32
      %mul3A_884 = vector.broadcast %mul3A_883 : i32 to vector<16xi32>
      %mul3A_885 = arith.muli %select_n3A_882, %mul3A_884 : vector<16xi32>
      %add3A_886 = arith.addi %mul3A_885, %get3A_829 : vector<16xi32>
      tpu.vector_store_idx %arg5[%select_n3A_860, %add3A_886], %broadcast_in_dim3A_5 : memref<16x2600xi32, #tpu.memory_space<vmem>>[vector<16xi32>, vector<16xi32>], vector<16xi32>,
      %iota3A_887 = tpu.iota {dimensions = array<i32: 0>} : vector<16xi32>
      %add3A_888 = arith.constant 224 : i32
      %add3A_889 = vector.broadcast %add3A_888 : i32 to vector<16xi32>
      %add3A_890 = arith.addi %add3A_889, %iota3A_887 : vector<16xi32>
      %get3A_891 = arith.constant 224 : index
      %get3A_892 = tpu.vector_load %arg6[%get3A_891] {strides = array<i32>} : memref<416xi32, #tpu.memory_space<vmem>>, vector<16xi32>,
      %jit3A_893 = arith.constant 26 : i32
      %div3A_894 = vector.broadcast %jit3A_893 : i32 to vector<16xi32>
      %div3A_895 = arith.divsi %add3A_890, %div3A_894 : vector<16xi32>
      %sign3A_896 = arith.constant 0 : i32
      %sign3A_897 = vector.broadcast %sign3A_896 : i32 to vector<16xi32>
      %sign3A_898 = arith.cmpi sgt, %add3A_890, %sign3A_897 : vector<16xi32>
      %sign3A_899 = arith.extui %sign3A_898 : vector<16xi1> to vector<16xi32>
      %sign3A_900 = arith.constant 0 : i32
      %sign3A_901 = vector.broadcast %sign3A_900 : i32 to vector<16xi32>
      %sign3A_902 = arith.cmpi slt, %add3A_890, %sign3A_901 : vector<16xi32>
      %sign3A_903 = arith.extui %sign3A_902 : vector<16xi1> to vector<16xi32>
      %sign3A_904 = arith.subi %sign3A_899, %sign3A_903 : vector<16xi32>
      %sign3A_905 = arith.constant 0 : i32
      %sign3A_906 = arith.cmpi sgt, %jit3A_893, %sign3A_905 : i32
      %sign3A_907 = arith.extui %sign3A_906 : i1 to i32
      %sign3A_908 = arith.constant 0 : i32
      %sign3A_909 = arith.cmpi slt, %jit3A_893, %sign3A_908 : i32
      %sign3A_910 = arith.extui %sign3A_909 : i1 to i32
      %sign3A_911 = arith.subi %sign3A_907, %sign3A_910 : i32
      %ne3A_912 = vector.broadcast %sign3A_911 : i32 to vector<16xi32>
      %ne3A_913 = arith.cmpi ne, %sign3A_904, %ne3A_912 : vector<16xi32>
      %rem3A_914 = vector.broadcast %jit3A_893 : i32 to vector<16xi32>
      %rem3A_915 = arith.remsi %add3A_890, %rem3A_914 : vector<16xi32>
      %ne3A_916 = arith.constant 0 : i32
      %ne3A_917 = vector.broadcast %ne3A_916 : i32 to vector<16xi32>
      %ne3A_918 = arith.cmpi ne, %rem3A_915, %ne3A_917 : vector<16xi32>
      %and3A_919 = arith.andi %ne3A_913, %ne3A_918 : vector<16xi1>
      %sub3A_920 = arith.constant 1 : i32
      %sub3A_921 = vector.broadcast %sub3A_920 : i32 to vector<16xi32>
      %sub3A_922 = arith.subi %div3A_895, %sub3A_921 : vector<16xi32>
      %select_n3A_923 = arith.select %and3A_919, %sub3A_922, %div3A_895 : vector<16xi1>, vector<16xi32>
      %jit3A_924 = arith.constant 26 : i32
      %eq3A_925 = arith.constant 0 : i32
      %eq3A_926 = arith.cmpi eq, %jit3A_924, %eq3A_925 : i32
      %jit3A_927 = arith.constant 1 : i32
      %select_n3A_928 = arith.select %eq3A_926, %jit3A_927, %jit3A_924 : i32
      %rem3A_929 = vector.broadcast %select_n3A_928 : i32 to vector<16xi32>
      %rem3A_930 = arith.remsi %add3A_890, %rem3A_929 : vector<16xi32>
      %ne3A_931 = arith.constant 0 : i32
      %ne3A_932 = vector.broadcast %ne3A_931 : i32 to vector<16xi32>
      %ne3A_933 = arith.cmpi ne, %rem3A_930, %ne3A_932 : vector<16xi32>
      %lt3A_934 = arith.constant 0 : i32
      %lt3A_935 = vector.broadcast %lt3A_934 : i32 to vector<16xi32>
      %lt3A_936 = arith.cmpi slt, %rem3A_930, %lt3A_935 : vector<16xi32>
      %lt3A_937 = arith.constant 0 : i32
      %lt3A_938 = arith.cmpi slt, %select_n3A_928, %lt3A_937 : i32
      %ne3A_939 = vector.broadcast %lt3A_938 : i1 to vector<16xi1>
      %ne3A_940 = vector.broadcast %ne3A_939 : vector<16xi1> to vector<16xi1>
      %ne3A_941 = arith.xori %lt3A_936, %ne3A_940 : vector<16xi1>
      %and3A_942 = arith.andi %ne3A_941, %ne3A_933 : vector<16xi1>
      %add3A_943 = vector.broadcast %select_n3A_928 : i32 to vector<16xi32>
      %add3A_944 = arith.addi %rem3A_930, %add3A_943 : vector<16xi32>
      %select_n3A_945 = arith.select %and3A_942, %add3A_944, %rem3A_930 : vector<16xi1>, vector<16xi32>
      %mul3A_946 = arith.constant 100 : i32
      %mul3A_947 = vector.broadcast %mul3A_946 : i32 to vector<16xi32>
      %mul3A_948 = arith.muli %select_n3A_945, %mul3A_947 : vector<16xi32>
      %add3A_949 = arith.addi %mul3A_948, %get3A_892 : vector<16xi32>
      tpu.vector_store_idx %arg5[%select_n3A_923, %add3A_949], %broadcast_in_dim3A_5 : memref<16x2600xi32, #tpu.memory_space<vmem>>[vector<16xi32>, vector<16xi32>], vector<16xi32>,
      %iota3A_950 = tpu.iota {dimensions = array<i32: 0>} : vector<16xi32>
      %add3A_951 = arith.constant 240 : i32
      %add3A_952 = vector.broadcast %add3A_951 : i32 to vector<16xi32>
      %add3A_953 = arith.addi %add3A_952, %iota3A_950 : vector<16xi32>
      %get3A_954 = arith.constant 240 : index
      %get3A_955 = tpu.vector_load %arg6[%get3A_954] {strides = array<i32>} : memref<416xi32, #tpu.memory_space<vmem>>, vector<16xi32>,
      %jit3A_956 = arith.constant 26 : i32
      %div3A_957 = vector.broadcast %jit3A_956 : i32 to vector<16xi32>
      %div3A_958 = arith.divsi %add3A_953, %div3A_957 : vector<16xi32>
      %sign3A_959 = arith.constant 0 : i32
      %sign3A_960 = vector.broadcast %sign3A_959 : i32 to vector<16xi32>
      %sign3A_961 = arith.cmpi sgt, %add3A_953, %sign3A_960 : vector<16xi32>
      %sign3A_962 = arith.extui %sign3A_961 : vector<16xi1> to vector<16xi32>
      %sign3A_963 = arith.constant 0 : i32
      %sign3A_964 = vector.broadcast %sign3A_963 : i32 to vector<16xi32>
      %sign3A_965 = arith.cmpi slt, %add3A_953, %sign3A_964 : vector<16xi32>
      %sign3A_966 = arith.extui %sign3A_965 : vector<16xi1> to vector<16xi32>
      %sign3A_967 = arith.subi %sign3A_962, %sign3A_966 : vector<16xi32>
      %sign3A_968 = arith.constant 0 : i32
      %sign3A_969 = arith.cmpi sgt, %jit3A_956, %sign3A_968 : i32
      %sign3A_970 = arith.extui %sign3A_969 : i1 to i32
      %sign3A_971 = arith.constant 0 : i32
      %sign3A_972 = arith.cmpi slt, %jit3A_956, %sign3A_971 : i32
      %sign3A_973 = arith.extui %sign3A_972 : i1 to i32
      %sign3A_974 = arith.subi %sign3A_970, %sign3A_973 : i32
      %ne3A_975 = vector.broadcast %sign3A_974 : i32 to vector<16xi32>
      %ne3A_976 = arith.cmpi ne, %sign3A_967, %ne3A_975 : vector<16xi32>
      %rem3A_977 = vector.broadcast %jit3A_956 : i32 to vector<16xi32>
      %rem3A_978 = arith.remsi %add3A_953, %rem3A_977 : vector<16xi32>
      %ne3A_979 = arith.constant 0 : i32
      %ne3A_980 = vector.broadcast %ne3A_979 : i32 to vector<16xi32>
      %ne3A_981 = arith.cmpi ne, %rem3A_978, %ne3A_980 : vector<16xi32>
      %and3A_982 = arith.andi %ne3A_976, %ne3A_981 : vector<16xi1>
      %sub3A_983 = arith.constant 1 : i32
      %sub3A_984 = vector.broadcast %sub3A_983 : i32 to vector<16xi32>
      %sub3A_985 = arith.subi %div3A_958, %sub3A_984 : vector<16xi32>
      %select_n3A_986 = arith.select %and3A_982, %sub3A_985, %div3A_958 : vector<16xi1>, vector<16xi32>
      %jit3A_987 = arith.constant 26 : i32
      %eq3A_988 = arith.constant 0 : i32
      %eq3A_989 = arith.cmpi eq, %jit3A_987, %eq3A_988 : i32
      %jit3A_990 = arith.constant 1 : i32
      %select_n3A_991 = arith.select %eq3A_989, %jit3A_990, %jit3A_987 : i32
      %rem3A_992 = vector.broadcast %select_n3A_991 : i32 to vector<16xi32>
      %rem3A_993 = arith.remsi %add3A_953, %rem3A_992 : vector<16xi32>
      %ne3A_994 = arith.constant 0 : i32
      %ne3A_995 = vector.broadcast %ne3A_994 : i32 to vector<16xi32>
      %ne3A_996 = arith.cmpi ne, %rem3A_993, %ne3A_995 : vector<16xi32>
      %lt3A_997 = arith.constant 0 : i32
      %lt3A_998 = vector.broadcast %lt3A_997 : i32 to vector<16xi32>
      %lt3A_999 = arith.cmpi slt, %rem3A_993, %lt3A_998 : vector<16xi32>
      %lt3A_1000 = arith.constant 0 : i32
      %lt3A_1001 = arith.cmpi slt, %select_n3A_991, %lt3A_1000 : i32
      %ne3A_1002 = vector.broadcast %lt3A_1001 : i1 to vector<16xi1>
      %ne3A_1003 = vector.broadcast %ne3A_1002 : vector<16xi1> to vector<16xi1>
      %ne3A_1004 = arith.xori %lt3A_999, %ne3A_1003 : vector<16xi1>
      %and3A_1005 = arith.andi %ne3A_1004, %ne3A_996 : vector<16xi1>
      %add3A_1006 = vector.broadcast %select_n3A_991 : i32 to vector<16xi32>
      %add3A_1007 = arith.addi %rem3A_993, %add3A_1006 : vector<16xi32>
      %select_n3A_1008 = arith.select %and3A_1005, %add3A_1007, %rem3A_993 : vector<16xi1>, vector<16xi32>
      %mul3A_1009 = arith.constant 100 : i32
      %mul3A_1010 = vector.broadcast %mul3A_1009 : i32 to vector<16xi32>
      %mul3A_1011 = arith.muli %select_n3A_1008, %mul3A_1010 : vector<16xi32>
      %add3A_1012 = arith.addi %mul3A_1011, %get3A_955 : vector<16xi32>
      tpu.vector_store_idx %arg5[%select_n3A_986, %add3A_1012], %broadcast_in_dim3A_5 : memref<16x2600xi32, #tpu.memory_space<vmem>>[vector<16xi32>, vector<16xi32>], vector<16xi32>,
      %iota3A_1013 = tpu.iota {dimensions = array<i32: 0>} : vector<16xi32>
      %add3A_1014 = arith.constant 256 : i32
      %add3A_1015 = vector.broadcast %add3A_1014 : i32 to vector<16xi32>
      %add3A_1016 = arith.addi %add3A_1015, %iota3A_1013 : vector<16xi32>
      %get3A_1017 = arith.constant 256 : index
      %get3A_1018 = tpu.vector_load %arg6[%get3A_1017] {strides = array<i32>} : memref<416xi32, #tpu.memory_space<vmem>>, vector<16xi32>,
      %jit3A_1019 = arith.constant 26 : i32
      %div3A_1020 = vector.broadcast %jit3A_1019 : i32 to vector<16xi32>
      %div3A_1021 = arith.divsi %add3A_1016, %div3A_1020 : vector<16xi32>
      %sign3A_1022 = arith.constant 0 : i32
      %sign3A_1023 = vector.broadcast %sign3A_1022 : i32 to vector<16xi32>
      %sign3A_1024 = arith.cmpi sgt, %add3A_1016, %sign3A_1023 : vector<16xi32>
      %sign3A_1025 = arith.extui %sign3A_1024 : vector<16xi1> to vector<16xi32>
      %sign3A_1026 = arith.constant 0 : i32
      %sign3A_1027 = vector.broadcast %sign3A_1026 : i32 to vector<16xi32>
      %sign3A_1028 = arith.cmpi slt, %add3A_1016, %sign3A_1027 : vector<16xi32>
      %sign3A_1029 = arith.extui %sign3A_1028 : vector<16xi1> to vector<16xi32>
      %sign3A_1030 = arith.subi %sign3A_1025, %sign3A_1029 : vector<16xi32>
      %sign3A_1031 = arith.constant 0 : i32
      %sign3A_1032 = arith.cmpi sgt, %jit3A_1019, %sign3A_1031 : i32
      %sign3A_1033 = arith.extui %sign3A_1032 : i1 to i32
      %sign3A_1034 = arith.constant 0 : i32
      %sign3A_1035 = arith.cmpi slt, %jit3A_1019, %sign3A_1034 : i32
      %sign3A_1036 = arith.extui %sign3A_1035 : i1 to i32
      %sign3A_1037 = arith.subi %sign3A_1033, %sign3A_1036 : i32
      %ne3A_1038 = vector.broadcast %sign3A_1037 : i32 to vector<16xi32>
      %ne3A_1039 = arith.cmpi ne, %sign3A_1030, %ne3A_1038 : vector<16xi32>
      %rem3A_1040 = vector.broadcast %jit3A_1019 : i32 to vector<16xi32>
      %rem3A_1041 = arith.remsi %add3A_1016, %rem3A_1040 : vector<16xi32>
      %ne3A_1042 = arith.constant 0 : i32
      %ne3A_1043 = vector.broadcast %ne3A_1042 : i32 to vector<16xi32>
      %ne3A_1044 = arith.cmpi ne, %rem3A_1041, %ne3A_1043 : vector<16xi32>
      %and3A_1045 = arith.andi %ne3A_1039, %ne3A_1044 : vector<16xi1>
      %sub3A_1046 = arith.constant 1 : i32
      %sub3A_1047 = vector.broadcast %sub3A_1046 : i32 to vector<16xi32>
      %sub3A_1048 = arith.subi %div3A_1021, %sub3A_1047 : vector<16xi32>
      %select_n3A_1049 = arith.select %and3A_1045, %sub3A_1048, %div3A_1021 : vector<16xi1>, vector<16xi32>
      %jit3A_1050 = arith.constant 26 : i32
      %eq3A_1051 = arith.constant 0 : i32
      %eq3A_1052 = arith.cmpi eq, %jit3A_1050, %eq3A_1051 : i32
      %jit3A_1053 = arith.constant 1 : i32
      %select_n3A_1054 = arith.select %eq3A_1052, %jit3A_1053, %jit3A_1050 : i32
      %rem3A_1055 = vector.broadcast %select_n3A_1054 : i32 to vector<16xi32>
      %rem3A_1056 = arith.remsi %add3A_1016, %rem3A_1055 : vector<16xi32>
      %ne3A_1057 = arith.constant 0 : i32
      %ne3A_1058 = vector.broadcast %ne3A_1057 : i32 to vector<16xi32>
      %ne3A_1059 = arith.cmpi ne, %rem3A_1056, %ne3A_1058 : vector<16xi32>
      %lt3A_1060 = arith.constant 0 : i32
      %lt3A_1061 = vector.broadcast %lt3A_1060 : i32 to vector<16xi32>
      %lt3A_1062 = arith.cmpi slt, %rem3A_1056, %lt3A_1061 : vector<16xi32>
      %lt3A_1063 = arith.constant 0 : i32
      %lt3A_1064 = arith.cmpi slt, %select_n3A_1054, %lt3A_1063 : i32
      %ne3A_1065 = vector.broadcast %lt3A_1064 : i1 to vector<16xi1>
      %ne3A_1066 = vector.broadcast %ne3A_1065 : vector<16xi1> to vector<16xi1>
      %ne3A_1067 = arith.xori %lt3A_1062, %ne3A_1066 : vector<16xi1>
      %and3A_1068 = arith.andi %ne3A_1067, %ne3A_1059 : vector<16xi1>
      %add3A_1069 = vector.broadcast %select_n3A_1054 : i32 to vector<16xi32>
      %add3A_1070 = arith.addi %rem3A_1056, %add3A_1069 : vector<16xi32>
      %select_n3A_1071 = arith.select %and3A_1068, %add3A_1070, %rem3A_1056 : vector<16xi1>, vector<16xi32>
      %mul3A_1072 = arith.constant 100 : i32
      %mul3A_1073 = vector.broadcast %mul3A_1072 : i32 to vector<16xi32>
      %mul3A_1074 = arith.muli %select_n3A_1071, %mul3A_1073 : vector<16xi32>
      %add3A_1075 = arith.addi %mul3A_1074, %get3A_1018 : vector<16xi32>
      tpu.vector_store_idx %arg5[%select_n3A_1049, %add3A_1075], %broadcast_in_dim3A_5 : memref<16x2600xi32, #tpu.memory_space<vmem>>[vector<16xi32>, vector<16xi32>], vector<16xi32>,
      %iota3A_1076 = tpu.iota {dimensions = array<i32: 0>} : vector<16xi32>
      %add3A_1077 = arith.constant 272 : i32
      %add3A_1078 = vector.broadcast %add3A_1077 : i32 to vector<16xi32>
      %add3A_1079 = arith.addi %add3A_1078, %iota3A_1076 : vector<16xi32>
      %get3A_1080 = arith.constant 272 : index
      %get3A_1081 = tpu.vector_load %arg6[%get3A_1080] {strides = array<i32>} : memref<416xi32, #tpu.memory_space<vmem>>, vector<16xi32>,
      %jit3A_1082 = arith.constant 26 : i32
      %div3A_1083 = vector.broadcast %jit3A_1082 : i32 to vector<16xi32>
      %div3A_1084 = arith.divsi %add3A_1079, %div3A_1083 : vector<16xi32>
      %sign3A_1085 = arith.constant 0 : i32
      %sign3A_1086 = vector.broadcast %sign3A_1085 : i32 to vector<16xi32>
      %sign3A_1087 = arith.cmpi sgt, %add3A_1079, %sign3A_1086 : vector<16xi32>
      %sign3A_1088 = arith.extui %sign3A_1087 : vector<16xi1> to vector<16xi32>
      %sign3A_1089 = arith.constant 0 : i32
      %sign3A_1090 = vector.broadcast %sign3A_1089 : i32 to vector<16xi32>
      %sign3A_1091 = arith.cmpi slt, %add3A_1079, %sign3A_1090 : vector<16xi32>
      %sign3A_1092 = arith.extui %sign3A_1091 : vector<16xi1> to vector<16xi32>
      %sign3A_1093 = arith.subi %sign3A_1088, %sign3A_1092 : vector<16xi32>
      %sign3A_1094 = arith.constant 0 : i32
      %sign3A_1095 = arith.cmpi sgt, %jit3A_1082, %sign3A_1094 : i32
      %sign3A_1096 = arith.extui %sign3A_1095 : i1 to i32
      %sign3A_1097 = arith.constant 0 : i32
      %sign3A_1098 = arith.cmpi slt, %jit3A_1082, %sign3A_1097 : i32
      %sign3A_1099 = arith.extui %sign3A_1098 : i1 to i32
      %sign3A_1100 = arith.subi %sign3A_1096, %sign3A_1099 : i32
      %ne3A_1101 = vector.broadcast %sign3A_1100 : i32 to vector<16xi32>
      %ne3A_1102 = arith.cmpi ne, %sign3A_1093, %ne3A_1101 : vector<16xi32>
      %rem3A_1103 = vector.broadcast %jit3A_1082 : i32 to vector<16xi32>
      %rem3A_1104 = arith.remsi %add3A_1079, %rem3A_1103 : vector<16xi32>
      %ne3A_1105 = arith.constant 0 : i32
      %ne3A_1106 = vector.broadcast %ne3A_1105 : i32 to vector<16xi32>
      %ne3A_1107 = arith.cmpi ne, %rem3A_1104, %ne3A_1106 : vector<16xi32>
      %and3A_1108 = arith.andi %ne3A_1102, %ne3A_1107 : vector<16xi1>
      %sub3A_1109 = arith.constant 1 : i32
      %sub3A_1110 = vector.broadcast %sub3A_1109 : i32 to vector<16xi32>
      %sub3A_1111 = arith.subi %div3A_1084, %sub3A_1110 : vector<16xi32>
      %select_n3A_1112 = arith.select %and3A_1108, %sub3A_1111, %div3A_1084 : vector<16xi1>, vector<16xi32>
      %jit3A_1113 = arith.constant 26 : i32
      %eq3A_1114 = arith.constant 0 : i32
      %eq3A_1115 = arith.cmpi eq, %jit3A_1113, %eq3A_1114 : i32
      %jit3A_1116 = arith.constant 1 : i32
      %select_n3A_1117 = arith.select %eq3A_1115, %jit3A_1116, %jit3A_1113 : i32
      %rem3A_1118 = vector.broadcast %select_n3A_1117 : i32 to vector<16xi32>
      %rem3A_1119 = arith.remsi %add3A_1079, %rem3A_1118 : vector<16xi32>
      %ne3A_1120 = arith.constant 0 : i32
      %ne3A_1121 = vector.broadcast %ne3A_1120 : i32 to vector<16xi32>
      %ne3A_1122 = arith.cmpi ne, %rem3A_1119, %ne3A_1121 : vector<16xi32>
      %lt3A_1123 = arith.constant 0 : i32
      %lt3A_1124 = vector.broadcast %lt3A_1123 : i32 to vector<16xi32>
      %lt3A_1125 = arith.cmpi slt, %rem3A_1119, %lt3A_1124 : vector<16xi32>
      %lt3A_1126 = arith.constant 0 : i32
      %lt3A_1127 = arith.cmpi slt, %select_n3A_1117, %lt3A_1126 : i32
      %ne3A_1128 = vector.broadcast %lt3A_1127 : i1 to vector<16xi1>
      %ne3A_1129 = vector.broadcast %ne3A_1128 : vector<16xi1> to vector<16xi1>
      %ne3A_1130 = arith.xori %lt3A_1125, %ne3A_1129 : vector<16xi1>
      %and3A_1131 = arith.andi %ne3A_1130, %ne3A_1122 : vector<16xi1>
      %add3A_1132 = vector.broadcast %select_n3A_1117 : i32 to vector<16xi32>
      %add3A_1133 = arith.addi %rem3A_1119, %add3A_1132 : vector<16xi32>
      %select_n3A_1134 = arith.select %and3A_1131, %add3A_1133, %rem3A_1119 : vector<16xi1>, vector<16xi32>
      %mul3A_1135 = arith.constant 100 : i32
      %mul3A_1136 = vector.broadcast %mul3A_1135 : i32 to vector<16xi32>
      %mul3A_1137 = arith.muli %select_n3A_1134, %mul3A_1136 : vector<16xi32>
      %add3A_1138 = arith.addi %mul3A_1137, %get3A_1081 : vector<16xi32>
      tpu.vector_store_idx %arg5[%select_n3A_1112, %add3A_1138], %broadcast_in_dim3A_5 : memref<16x2600xi32, #tpu.memory_space<vmem>>[vector<16xi32>, vector<16xi32>], vector<16xi32>,
      %iota3A_1139 = tpu.iota {dimensions = array<i32: 0>} : vector<16xi32>
      %add3A_1140 = arith.constant 288 : i32
      %add3A_1141 = vector.broadcast %add3A_1140 : i32 to vector<16xi32>
      %add3A_1142 = arith.addi %add3A_1141, %iota3A_1139 : vector<16xi32>
      %get3A_1143 = arith.constant 288 : index
      %get3A_1144 = tpu.vector_load %arg6[%get3A_1143] {strides = array<i32>} : memref<416xi32, #tpu.memory_space<vmem>>, vector<16xi32>,
      %jit3A_1145 = arith.constant 26 : i32
      %div3A_1146 = vector.broadcast %jit3A_1145 : i32 to vector<16xi32>
      %div3A_1147 = arith.divsi %add3A_1142, %div3A_1146 : vector<16xi32>
      %sign3A_1148 = arith.constant 0 : i32
      %sign3A_1149 = vector.broadcast %sign3A_1148 : i32 to vector<16xi32>
      %sign3A_1150 = arith.cmpi sgt, %add3A_1142, %sign3A_1149 : vector<16xi32>
      %sign3A_1151 = arith.extui %sign3A_1150 : vector<16xi1> to vector<16xi32>
      %sign3A_1152 = arith.constant 0 : i32
      %sign3A_1153 = vector.broadcast %sign3A_1152 : i32 to vector<16xi32>
      %sign3A_1154 = arith.cmpi slt, %add3A_1142, %sign3A_1153 : vector<16xi32>
      %sign3A_1155 = arith.extui %sign3A_1154 : vector<16xi1> to vector<16xi32>
      %sign3A_1156 = arith.subi %sign3A_1151, %sign3A_1155 : vector<16xi32>
      %sign3A_1157 = arith.constant 0 : i32
      %sign3A_1158 = arith.cmpi sgt, %jit3A_1145, %sign3A_1157 : i32
      %sign3A_1159 = arith.extui %sign3A_1158 : i1 to i32
      %sign3A_1160 = arith.constant 0 : i32
      %sign3A_1161 = arith.cmpi slt, %jit3A_1145, %sign3A_1160 : i32
      %sign3A_1162 = arith.extui %sign3A_1161 : i1 to i32
      %sign3A_1163 = arith.subi %sign3A_1159, %sign3A_1162 : i32
      %ne3A_1164 = vector.broadcast %sign3A_1163 : i32 to vector<16xi32>
      %ne3A_1165 = arith.cmpi ne, %sign3A_1156, %ne3A_1164 : vector<16xi32>
      %rem3A_1166 = vector.broadcast %jit3A_1145 : i32 to vector<16xi32>
      %rem3A_1167 = arith.remsi %add3A_1142, %rem3A_1166 : vector<16xi32>
      %ne3A_1168 = arith.constant 0 : i32
      %ne3A_1169 = vector.broadcast %ne3A_1168 : i32 to vector<16xi32>
      %ne3A_1170 = arith.cmpi ne, %rem3A_1167, %ne3A_1169 : vector<16xi32>
      %and3A_1171 = arith.andi %ne3A_1165, %ne3A_1170 : vector<16xi1>
      %sub3A_1172 = arith.constant 1 : i32
      %sub3A_1173 = vector.broadcast %sub3A_1172 : i32 to vector<16xi32>
      %sub3A_1174 = arith.subi %div3A_1147, %sub3A_1173 : vector<16xi32>
      %select_n3A_1175 = arith.select %and3A_1171, %sub3A_1174, %div3A_1147 : vector<16xi1>, vector<16xi32>
      %jit3A_1176 = arith.constant 26 : i32
      %eq3A_1177 = arith.constant 0 : i32
      %eq3A_1178 = arith.cmpi eq, %jit3A_1176, %eq3A_1177 : i32
      %jit3A_1179 = arith.constant 1 : i32
      %select_n3A_1180 = arith.select %eq3A_1178, %jit3A_1179, %jit3A_1176 : i32
      %rem3A_1181 = vector.broadcast %select_n3A_1180 : i32 to vector<16xi32>
      %rem3A_1182 = arith.remsi %add3A_1142, %rem3A_1181 : vector<16xi32>
      %ne3A_1183 = arith.constant 0 : i32
      %ne3A_1184 = vector.broadcast %ne3A_1183 : i32 to vector<16xi32>
      %ne3A_1185 = arith.cmpi ne, %rem3A_1182, %ne3A_1184 : vector<16xi32>
      %lt3A_1186 = arith.constant 0 : i32
      %lt3A_1187 = vector.broadcast %lt3A_1186 : i32 to vector<16xi32>
      %lt3A_1188 = arith.cmpi slt, %rem3A_1182, %lt3A_1187 : vector<16xi32>
      %lt3A_1189 = arith.constant 0 : i32
      %lt3A_1190 = arith.cmpi slt, %select_n3A_1180, %lt3A_1189 : i32
      %ne3A_1191 = vector.broadcast %lt3A_1190 : i1 to vector<16xi1>
      %ne3A_1192 = vector.broadcast %ne3A_1191 : vector<16xi1> to vector<16xi1>
      %ne3A_1193 = arith.xori %lt3A_1188, %ne3A_1192 : vector<16xi1>
      %and3A_1194 = arith.andi %ne3A_1193, %ne3A_1185 : vector<16xi1>
      %add3A_1195 = vector.broadcast %select_n3A_1180 : i32 to vector<16xi32>
      %add3A_1196 = arith.addi %rem3A_1182, %add3A_1195 : vector<16xi32>
      %select_n3A_1197 = arith.select %and3A_1194, %add3A_1196, %rem3A_1182 : vector<16xi1>, vector<16xi32>
      %mul3A_1198 = arith.constant 100 : i32
      %mul3A_1199 = vector.broadcast %mul3A_1198 : i32 to vector<16xi32>
      %mul3A_1200 = arith.muli %select_n3A_1197, %mul3A_1199 : vector<16xi32>
      %add3A_1201 = arith.addi %mul3A_1200, %get3A_1144 : vector<16xi32>
      tpu.vector_store_idx %arg5[%select_n3A_1175, %add3A_1201], %broadcast_in_dim3A_5 : memref<16x2600xi32, #tpu.memory_space<vmem>>[vector<16xi32>, vector<16xi32>], vector<16xi32>,
      %iota3A_1202 = tpu.iota {dimensions = array<i32: 0>} : vector<16xi32>
      %add3A_1203 = arith.constant 304 : i32
      %add3A_1204 = vector.broadcast %add3A_1203 : i32 to vector<16xi32>
      %add3A_1205 = arith.addi %add3A_1204, %iota3A_1202 : vector<16xi32>
      %get3A_1206 = arith.constant 304 : index
      %get3A_1207 = tpu.vector_load %arg6[%get3A_1206] {strides = array<i32>} : memref<416xi32, #tpu.memory_space<vmem>>, vector<16xi32>,
      %jit3A_1208 = arith.constant 26 : i32
      %div3A_1209 = vector.broadcast %jit3A_1208 : i32 to vector<16xi32>
      %div3A_1210 = arith.divsi %add3A_1205, %div3A_1209 : vector<16xi32>
      %sign3A_1211 = arith.constant 0 : i32
      %sign3A_1212 = vector.broadcast %sign3A_1211 : i32 to vector<16xi32>
      %sign3A_1213 = arith.cmpi sgt, %add3A_1205, %sign3A_1212 : vector<16xi32>
      %sign3A_1214 = arith.extui %sign3A_1213 : vector<16xi1> to vector<16xi32>
      %sign3A_1215 = arith.constant 0 : i32
      %sign3A_1216 = vector.broadcast %sign3A_1215 : i32 to vector<16xi32>
      %sign3A_1217 = arith.cmpi slt, %add3A_1205, %sign3A_1216 : vector<16xi32>
      %sign3A_1218 = arith.extui %sign3A_1217 : vector<16xi1> to vector<16xi32>
      %sign3A_1219 = arith.subi %sign3A_1214, %sign3A_1218 : vector<16xi32>
      %sign3A_1220 = arith.constant 0 : i32
      %sign3A_1221 = arith.cmpi sgt, %jit3A_1208, %sign3A_1220 : i32
      %sign3A_1222 = arith.extui %sign3A_1221 : i1 to i32
      %sign3A_1223 = arith.constant 0 : i32
      %sign3A_1224 = arith.cmpi slt, %jit3A_1208, %sign3A_1223 : i32
      %sign3A_1225 = arith.extui %sign3A_1224 : i1 to i32
      %sign3A_1226 = arith.subi %sign3A_1222, %sign3A_1225 : i32
      %ne3A_1227 = vector.broadcast %sign3A_1226 : i32 to vector<16xi32>
      %ne3A_1228 = arith.cmpi ne, %sign3A_1219, %ne3A_1227 : vector<16xi32>
      %rem3A_1229 = vector.broadcast %jit3A_1208 : i32 to vector<16xi32>
      %rem3A_1230 = arith.remsi %add3A_1205, %rem3A_1229 : vector<16xi32>
      %ne3A_1231 = arith.constant 0 : i32
      %ne3A_1232 = vector.broadcast %ne3A_1231 : i32 to vector<16xi32>
      %ne3A_1233 = arith.cmpi ne, %rem3A_1230, %ne3A_1232 : vector<16xi32>
      %and3A_1234 = arith.andi %ne3A_1228, %ne3A_1233 : vector<16xi1>
      %sub3A_1235 = arith.constant 1 : i32
      %sub3A_1236 = vector.broadcast %sub3A_1235 : i32 to vector<16xi32>
      %sub3A_1237 = arith.subi %div3A_1210, %sub3A_1236 : vector<16xi32>
      %select_n3A_1238 = arith.select %and3A_1234, %sub3A_1237, %div3A_1210 : vector<16xi1>, vector<16xi32>
      %jit3A_1239 = arith.constant 26 : i32
      %eq3A_1240 = arith.constant 0 : i32
      %eq3A_1241 = arith.cmpi eq, %jit3A_1239, %eq3A_1240 : i32
      %jit3A_1242 = arith.constant 1 : i32
      %select_n3A_1243 = arith.select %eq3A_1241, %jit3A_1242, %jit3A_1239 : i32
      %rem3A_1244 = vector.broadcast %select_n3A_1243 : i32 to vector<16xi32>
      %rem3A_1245 = arith.remsi %add3A_1205, %rem3A_1244 : vector<16xi32>
      %ne3A_1246 = arith.constant 0 : i32
      %ne3A_1247 = vector.broadcast %ne3A_1246 : i32 to vector<16xi32>
      %ne3A_1248 = arith.cmpi ne, %rem3A_1245, %ne3A_1247 : vector<16xi32>
      %lt3A_1249 = arith.constant 0 : i32
      %lt3A_1250 = vector.broadcast %lt3A_1249 : i32 to vector<16xi32>
      %lt3A_1251 = arith.cmpi slt, %rem3A_1245, %lt3A_1250 : vector<16xi32>
      %lt3A_1252 = arith.constant 0 : i32
      %lt3A_1253 = arith.cmpi slt, %select_n3A_1243, %lt3A_1252 : i32
      %ne3A_1254 = vector.broadcast %lt3A_1253 : i1 to vector<16xi1>
      %ne3A_1255 = vector.broadcast %ne3A_1254 : vector<16xi1> to vector<16xi1>
      %ne3A_1256 = arith.xori %lt3A_1251, %ne3A_1255 : vector<16xi1>
      %and3A_1257 = arith.andi %ne3A_1256, %ne3A_1248 : vector<16xi1>
      %add3A_1258 = vector.broadcast %select_n3A_1243 : i32 to vector<16xi32>
      %add3A_1259 = arith.addi %rem3A_1245, %add3A_1258 : vector<16xi32>
      %select_n3A_1260 = arith.select %and3A_1257, %add3A_1259, %rem3A_1245 : vector<16xi1>, vector<16xi32>
      %mul3A_1261 = arith.constant 100 : i32
      %mul3A_1262 = vector.broadcast %mul3A_1261 : i32 to vector<16xi32>
      %mul3A_1263 = arith.muli %select_n3A_1260, %mul3A_1262 : vector<16xi32>
      %add3A_1264 = arith.addi %mul3A_1263, %get3A_1207 : vector<16xi32>
      tpu.vector_store_idx %arg5[%select_n3A_1238, %add3A_1264], %broadcast_in_dim3A_5 : memref<16x2600xi32, #tpu.memory_space<vmem>>[vector<16xi32>, vector<16xi32>], vector<16xi32>,
      %iota3A_1265 = tpu.iota {dimensions = array<i32: 0>} : vector<16xi32>
      %add3A_1266 = arith.constant 320 : i32
      %add3A_1267 = vector.broadcast %add3A_1266 : i32 to vector<16xi32>
      %add3A_1268 = arith.addi %add3A_1267, %iota3A_1265 : vector<16xi32>
      %get3A_1269 = arith.constant 320 : index
      %get3A_1270 = tpu.vector_load %arg6[%get3A_1269] {strides = array<i32>} : memref<416xi32, #tpu.memory_space<vmem>>, vector<16xi32>,
      %jit3A_1271 = arith.constant 26 : i32
      %div3A_1272 = vector.broadcast %jit3A_1271 : i32 to vector<16xi32>
      %div3A_1273 = arith.divsi %add3A_1268, %div3A_1272 : vector<16xi32>
      %sign3A_1274 = arith.constant 0 : i32
      %sign3A_1275 = vector.broadcast %sign3A_1274 : i32 to vector<16xi32>
      %sign3A_1276 = arith.cmpi sgt, %add3A_1268, %sign3A_1275 : vector<16xi32>
      %sign3A_1277 = arith.extui %sign3A_1276 : vector<16xi1> to vector<16xi32>
      %sign3A_1278 = arith.constant 0 : i32
      %sign3A_1279 = vector.broadcast %sign3A_1278 : i32 to vector<16xi32>
      %sign3A_1280 = arith.cmpi slt, %add3A_1268, %sign3A_1279 : vector<16xi32>
      %sign3A_1281 = arith.extui %sign3A_1280 : vector<16xi1> to vector<16xi32>
      %sign3A_1282 = arith.subi %sign3A_1277, %sign3A_1281 : vector<16xi32>
      %sign3A_1283 = arith.constant 0 : i32
      %sign3A_1284 = arith.cmpi sgt, %jit3A_1271, %sign3A_1283 : i32
      %sign3A_1285 = arith.extui %sign3A_1284 : i1 to i32
      %sign3A_1286 = arith.constant 0 : i32
      %sign3A_1287 = arith.cmpi slt, %jit3A_1271, %sign3A_1286 : i32
      %sign3A_1288 = arith.extui %sign3A_1287 : i1 to i32
      %sign3A_1289 = arith.subi %sign3A_1285, %sign3A_1288 : i32
      %ne3A_1290 = vector.broadcast %sign3A_1289 : i32 to vector<16xi32>
      %ne3A_1291 = arith.cmpi ne, %sign3A_1282, %ne3A_1290 : vector<16xi32>
      %rem3A_1292 = vector.broadcast %jit3A_1271 : i32 to vector<16xi32>
      %rem3A_1293 = arith.remsi %add3A_1268, %rem3A_1292 : vector<16xi32>
      %ne3A_1294 = arith.constant 0 : i32
      %ne3A_1295 = vector.broadcast %ne3A_1294 : i32 to vector<16xi32>
      %ne3A_1296 = arith.cmpi ne, %rem3A_1293, %ne3A_1295 : vector<16xi32>
      %and3A_1297 = arith.andi %ne3A_1291, %ne3A_1296 : vector<16xi1>
      %sub3A_1298 = arith.constant 1 : i32
      %sub3A_1299 = vector.broadcast %sub3A_1298 : i32 to vector<16xi32>
      %sub3A_1300 = arith.subi %div3A_1273, %sub3A_1299 : vector<16xi32>
      %select_n3A_1301 = arith.select %and3A_1297, %sub3A_1300, %div3A_1273 : vector<16xi1>, vector<16xi32>
      %jit3A_1302 = arith.constant 26 : i32
      %eq3A_1303 = arith.constant 0 : i32
      %eq3A_1304 = arith.cmpi eq, %jit3A_1302, %eq3A_1303 : i32
      %jit3A_1305 = arith.constant 1 : i32
      %select_n3A_1306 = arith.select %eq3A_1304, %jit3A_1305, %jit3A_1302 : i32
      %rem3A_1307 = vector.broadcast %select_n3A_1306 : i32 to vector<16xi32>
      %rem3A_1308 = arith.remsi %add3A_1268, %rem3A_1307 : vector<16xi32>
      %ne3A_1309 = arith.constant 0 : i32
      %ne3A_1310 = vector.broadcast %ne3A_1309 : i32 to vector<16xi32>
      %ne3A_1311 = arith.cmpi ne, %rem3A_1308, %ne3A_1310 : vector<16xi32>
      %lt3A_1312 = arith.constant 0 : i32
      %lt3A_1313 = vector.broadcast %lt3A_1312 : i32 to vector<16xi32>
      %lt3A_1314 = arith.cmpi slt, %rem3A_1308, %lt3A_1313 : vector<16xi32>
      %lt3A_1315 = arith.constant 0 : i32
      %lt3A_1316 = arith.cmpi slt, %select_n3A_1306, %lt3A_1315 : i32
      %ne3A_1317 = vector.broadcast %lt3A_1316 : i1 to vector<16xi1>
      %ne3A_1318 = vector.broadcast %ne3A_1317 : vector<16xi1> to vector<16xi1>
      %ne3A_1319 = arith.xori %lt3A_1314, %ne3A_1318 : vector<16xi1>
      %and3A_1320 = arith.andi %ne3A_1319, %ne3A_1311 : vector<16xi1>
      %add3A_1321 = vector.broadcast %select_n3A_1306 : i32 to vector<16xi32>
      %add3A_1322 = arith.addi %rem3A_1308, %add3A_1321 : vector<16xi32>
      %select_n3A_1323 = arith.select %and3A_1320, %add3A_1322, %rem3A_1308 : vector<16xi1>, vector<16xi32>
      %mul3A_1324 = arith.constant 100 : i32
      %mul3A_1325 = vector.broadcast %mul3A_1324 : i32 to vector<16xi32>
      %mul3A_1326 = arith.muli %select_n3A_1323, %mul3A_1325 : vector<16xi32>
      %add3A_1327 = arith.addi %mul3A_1326, %get3A_1270 : vector<16xi32>
      tpu.vector_store_idx %arg5[%select_n3A_1301, %add3A_1327], %broadcast_in_dim3A_5 : memref<16x2600xi32, #tpu.memory_space<vmem>>[vector<16xi32>, vector<16xi32>], vector<16xi32>,
      %iota3A_1328 = tpu.iota {dimensions = array<i32: 0>} : vector<16xi32>
      %add3A_1329 = arith.constant 336 : i32
      %add3A_1330 = vector.broadcast %add3A_1329 : i32 to vector<16xi32>
      %add3A_1331 = arith.addi %add3A_1330, %iota3A_1328 : vector<16xi32>
      %get3A_1332 = arith.constant 336 : index
      %get3A_1333 = tpu.vector_load %arg6[%get3A_1332] {strides = array<i32>} : memref<416xi32, #tpu.memory_space<vmem>>, vector<16xi32>,
      %jit3A_1334 = arith.constant 26 : i32
      %div3A_1335 = vector.broadcast %jit3A_1334 : i32 to vector<16xi32>
      %div3A_1336 = arith.divsi %add3A_1331, %div3A_1335 : vector<16xi32>
      %sign3A_1337 = arith.constant 0 : i32
      %sign3A_1338 = vector.broadcast %sign3A_1337 : i32 to vector<16xi32>
      %sign3A_1339 = arith.cmpi sgt, %add3A_1331, %sign3A_1338 : vector<16xi32>
      %sign3A_1340 = arith.extui %sign3A_1339 : vector<16xi1> to vector<16xi32>
      %sign3A_1341 = arith.constant 0 : i32
      %sign3A_1342 = vector.broadcast %sign3A_1341 : i32 to vector<16xi32>
      %sign3A_1343 = arith.cmpi slt, %add3A_1331, %sign3A_1342 : vector<16xi32>
      %sign3A_1344 = arith.extui %sign3A_1343 : vector<16xi1> to vector<16xi32>
      %sign3A_1345 = arith.subi %sign3A_1340, %sign3A_1344 : vector<16xi32>
      %sign3A_1346 = arith.constant 0 : i32
      %sign3A_1347 = arith.cmpi sgt, %jit3A_1334, %sign3A_1346 : i32
      %sign3A_1348 = arith.extui %sign3A_1347 : i1 to i32
      %sign3A_1349 = arith.constant 0 : i32
      %sign3A_1350 = arith.cmpi slt, %jit3A_1334, %sign3A_1349 : i32
      %sign3A_1351 = arith.extui %sign3A_1350 : i1 to i32
      %sign3A_1352 = arith.subi %sign3A_1348, %sign3A_1351 : i32
      %ne3A_1353 = vector.broadcast %sign3A_1352 : i32 to vector<16xi32>
      %ne3A_1354 = arith.cmpi ne, %sign3A_1345, %ne3A_1353 : vector<16xi32>
      %rem3A_1355 = vector.broadcast %jit3A_1334 : i32 to vector<16xi32>
      %rem3A_1356 = arith.remsi %add3A_1331, %rem3A_1355 : vector<16xi32>
      %ne3A_1357 = arith.constant 0 : i32
      %ne3A_1358 = vector.broadcast %ne3A_1357 : i32 to vector<16xi32>
      %ne3A_1359 = arith.cmpi ne, %rem3A_1356, %ne3A_1358 : vector<16xi32>
      %and3A_1360 = arith.andi %ne3A_1354, %ne3A_1359 : vector<16xi1>
      %sub3A_1361 = arith.constant 1 : i32
      %sub3A_1362 = vector.broadcast %sub3A_1361 : i32 to vector<16xi32>
      %sub3A_1363 = arith.subi %div3A_1336, %sub3A_1362 : vector<16xi32>
      %select_n3A_1364 = arith.select %and3A_1360, %sub3A_1363, %div3A_1336 : vector<16xi1>, vector<16xi32>
      %jit3A_1365 = arith.constant 26 : i32
      %eq3A_1366 = arith.constant 0 : i32
      %eq3A_1367 = arith.cmpi eq, %jit3A_1365, %eq3A_1366 : i32
      %jit3A_1368 = arith.constant 1 : i32
      %select_n3A_1369 = arith.select %eq3A_1367, %jit3A_1368, %jit3A_1365 : i32
      %rem3A_1370 = vector.broadcast %select_n3A_1369 : i32 to vector<16xi32>
      %rem3A_1371 = arith.remsi %add3A_1331, %rem3A_1370 : vector<16xi32>
      %ne3A_1372 = arith.constant 0 : i32
      %ne3A_1373 = vector.broadcast %ne3A_1372 : i32 to vector<16xi32>
      %ne3A_1374 = arith.cmpi ne, %rem3A_1371, %ne3A_1373 : vector<16xi32>
      %lt3A_1375 = arith.constant 0 : i32
      %lt3A_1376 = vector.broadcast %lt3A_1375 : i32 to vector<16xi32>
      %lt3A_1377 = arith.cmpi slt, %rem3A_1371, %lt3A_1376 : vector<16xi32>
      %lt3A_1378 = arith.constant 0 : i32
      %lt3A_1379 = arith.cmpi slt, %select_n3A_1369, %lt3A_1378 : i32
      %ne3A_1380 = vector.broadcast %lt3A_1379 : i1 to vector<16xi1>
      %ne3A_1381 = vector.broadcast %ne3A_1380 : vector<16xi1> to vector<16xi1>
      %ne3A_1382 = arith.xori %lt3A_1377, %ne3A_1381 : vector<16xi1>
      %and3A_1383 = arith.andi %ne3A_1382, %ne3A_1374 : vector<16xi1>
      %add3A_1384 = vector.broadcast %select_n3A_1369 : i32 to vector<16xi32>
      %add3A_1385 = arith.addi %rem3A_1371, %add3A_1384 : vector<16xi32>
      %select_n3A_1386 = arith.select %and3A_1383, %add3A_1385, %rem3A_1371 : vector<16xi1>, vector<16xi32>
      %mul3A_1387 = arith.constant 100 : i32
      %mul3A_1388 = vector.broadcast %mul3A_1387 : i32 to vector<16xi32>
      %mul3A_1389 = arith.muli %select_n3A_1386, %mul3A_1388 : vector<16xi32>
      %add3A_1390 = arith.addi %mul3A_1389, %get3A_1333 : vector<16xi32>
      tpu.vector_store_idx %arg5[%select_n3A_1364, %add3A_1390], %broadcast_in_dim3A_5 : memref<16x2600xi32, #tpu.memory_space<vmem>>[vector<16xi32>, vector<16xi32>], vector<16xi32>,
      %iota3A_1391 = tpu.iota {dimensions = array<i32: 0>} : vector<16xi32>
      %add3A_1392 = arith.constant 352 : i32
      %add3A_1393 = vector.broadcast %add3A_1392 : i32 to vector<16xi32>
      %add3A_1394 = arith.addi %add3A_1393, %iota3A_1391 : vector<16xi32>
      %get3A_1395 = arith.constant 352 : index
      %get3A_1396 = tpu.vector_load %arg6[%get3A_1395] {strides = array<i32>} : memref<416xi32, #tpu.memory_space<vmem>>, vector<16xi32>,
      %jit3A_1397 = arith.constant 26 : i32
      %div3A_1398 = vector.broadcast %jit3A_1397 : i32 to vector<16xi32>
      %div3A_1399 = arith.divsi %add3A_1394, %div3A_1398 : vector<16xi32>
      %sign3A_1400 = arith.constant 0 : i32
      %sign3A_1401 = vector.broadcast %sign3A_1400 : i32 to vector<16xi32>
      %sign3A_1402 = arith.cmpi sgt, %add3A_1394, %sign3A_1401 : vector<16xi32>
      %sign3A_1403 = arith.extui %sign3A_1402 : vector<16xi1> to vector<16xi32>
      %sign3A_1404 = arith.constant 0 : i32
      %sign3A_1405 = vector.broadcast %sign3A_1404 : i32 to vector<16xi32>
      %sign3A_1406 = arith.cmpi slt, %add3A_1394, %sign3A_1405 : vector<16xi32>
      %sign3A_1407 = arith.extui %sign3A_1406 : vector<16xi1> to vector<16xi32>
      %sign3A_1408 = arith.subi %sign3A_1403, %sign3A_1407 : vector<16xi32>
      %sign3A_1409 = arith.constant 0 : i32
      %sign3A_1410 = arith.cmpi sgt, %jit3A_1397, %sign3A_1409 : i32
      %sign3A_1411 = arith.extui %sign3A_1410 : i1 to i32
      %sign3A_1412 = arith.constant 0 : i32
      %sign3A_1413 = arith.cmpi slt, %jit3A_1397, %sign3A_1412 : i32
      %sign3A_1414 = arith.extui %sign3A_1413 : i1 to i32
      %sign3A_1415 = arith.subi %sign3A_1411, %sign3A_1414 : i32
      %ne3A_1416 = vector.broadcast %sign3A_1415 : i32 to vector<16xi32>
      %ne3A_1417 = arith.cmpi ne, %sign3A_1408, %ne3A_1416 : vector<16xi32>
      %rem3A_1418 = vector.broadcast %jit3A_1397 : i32 to vector<16xi32>
      %rem3A_1419 = arith.remsi %add3A_1394, %rem3A_1418 : vector<16xi32>
      %ne3A_1420 = arith.constant 0 : i32
      %ne3A_1421 = vector.broadcast %ne3A_1420 : i32 to vector<16xi32>
      %ne3A_1422 = arith.cmpi ne, %rem3A_1419, %ne3A_1421 : vector<16xi32>
      %and3A_1423 = arith.andi %ne3A_1417, %ne3A_1422 : vector<16xi1>
      %sub3A_1424 = arith.constant 1 : i32
      %sub3A_1425 = vector.broadcast %sub3A_1424 : i32 to vector<16xi32>
      %sub3A_1426 = arith.subi %div3A_1399, %sub3A_1425 : vector<16xi32>
      %select_n3A_1427 = arith.select %and3A_1423, %sub3A_1426, %div3A_1399 : vector<16xi1>, vector<16xi32>
      %jit3A_1428 = arith.constant 26 : i32
      %eq3A_1429 = arith.constant 0 : i32
      %eq3A_1430 = arith.cmpi eq, %jit3A_1428, %eq3A_1429 : i32
      %jit3A_1431 = arith.constant 1 : i32
      %select_n3A_1432 = arith.select %eq3A_1430, %jit3A_1431, %jit3A_1428 : i32
      %rem3A_1433 = vector.broadcast %select_n3A_1432 : i32 to vector<16xi32>
      %rem3A_1434 = arith.remsi %add3A_1394, %rem3A_1433 : vector<16xi32>
      %ne3A_1435 = arith.constant 0 : i32
      %ne3A_1436 = vector.broadcast %ne3A_1435 : i32 to vector<16xi32>
      %ne3A_1437 = arith.cmpi ne, %rem3A_1434, %ne3A_1436 : vector<16xi32>
      %lt3A_1438 = arith.constant 0 : i32
      %lt3A_1439 = vector.broadcast %lt3A_1438 : i32 to vector<16xi32>
      %lt3A_1440 = arith.cmpi slt, %rem3A_1434, %lt3A_1439 : vector<16xi32>
      %lt3A_1441 = arith.constant 0 : i32
      %lt3A_1442 = arith.cmpi slt, %select_n3A_1432, %lt3A_1441 : i32
      %ne3A_1443 = vector.broadcast %lt3A_1442 : i1 to vector<16xi1>
      %ne3A_1444 = vector.broadcast %ne3A_1443 : vector<16xi1> to vector<16xi1>
      %ne3A_1445 = arith.xori %lt3A_1440, %ne3A_1444 : vector<16xi1>
      %and3A_1446 = arith.andi %ne3A_1445, %ne3A_1437 : vector<16xi1>
      %add3A_1447 = vector.broadcast %select_n3A_1432 : i32 to vector<16xi32>
      %add3A_1448 = arith.addi %rem3A_1434, %add3A_1447 : vector<16xi32>
      %select_n3A_1449 = arith.select %and3A_1446, %add3A_1448, %rem3A_1434 : vector<16xi1>, vector<16xi32>
      %mul3A_1450 = arith.constant 100 : i32
      %mul3A_1451 = vector.broadcast %mul3A_1450 : i32 to vector<16xi32>
      %mul3A_1452 = arith.muli %select_n3A_1449, %mul3A_1451 : vector<16xi32>
      %add3A_1453 = arith.addi %mul3A_1452, %get3A_1396 : vector<16xi32>
      tpu.vector_store_idx %arg5[%select_n3A_1427, %add3A_1453], %broadcast_in_dim3A_5 : memref<16x2600xi32, #tpu.memory_space<vmem>>[vector<16xi32>, vector<16xi32>], vector<16xi32>,
      %iota3A_1454 = tpu.iota {dimensions = array<i32: 0>} : vector<16xi32>
      %add3A_1455 = arith.constant 368 : i32
      %add3A_1456 = vector.broadcast %add3A_1455 : i32 to vector<16xi32>
      %add3A_1457 = arith.addi %add3A_1456, %iota3A_1454 : vector<16xi32>
      %get3A_1458 = arith.constant 368 : index
      %get3A_1459 = tpu.vector_load %arg6[%get3A_1458] {strides = array<i32>} : memref<416xi32, #tpu.memory_space<vmem>>, vector<16xi32>,
      %jit3A_1460 = arith.constant 26 : i32
      %div3A_1461 = vector.broadcast %jit3A_1460 : i32 to vector<16xi32>
      %div3A_1462 = arith.divsi %add3A_1457, %div3A_1461 : vector<16xi32>
      %sign3A_1463 = arith.constant 0 : i32
      %sign3A_1464 = vector.broadcast %sign3A_1463 : i32 to vector<16xi32>
      %sign3A_1465 = arith.cmpi sgt, %add3A_1457, %sign3A_1464 : vector<16xi32>
      %sign3A_1466 = arith.extui %sign3A_1465 : vector<16xi1> to vector<16xi32>
      %sign3A_1467 = arith.constant 0 : i32
      %sign3A_1468 = vector.broadcast %sign3A_1467 : i32 to vector<16xi32>
      %sign3A_1469 = arith.cmpi slt, %add3A_1457, %sign3A_1468 : vector<16xi32>
      %sign3A_1470 = arith.extui %sign3A_1469 : vector<16xi1> to vector<16xi32>
      %sign3A_1471 = arith.subi %sign3A_1466, %sign3A_1470 : vector<16xi32>
      %sign3A_1472 = arith.constant 0 : i32
      %sign3A_1473 = arith.cmpi sgt, %jit3A_1460, %sign3A_1472 : i32
      %sign3A_1474 = arith.extui %sign3A_1473 : i1 to i32
      %sign3A_1475 = arith.constant 0 : i32
      %sign3A_1476 = arith.cmpi slt, %jit3A_1460, %sign3A_1475 : i32
      %sign3A_1477 = arith.extui %sign3A_1476 : i1 to i32
      %sign3A_1478 = arith.subi %sign3A_1474, %sign3A_1477 : i32
      %ne3A_1479 = vector.broadcast %sign3A_1478 : i32 to vector<16xi32>
      %ne3A_1480 = arith.cmpi ne, %sign3A_1471, %ne3A_1479 : vector<16xi32>
      %rem3A_1481 = vector.broadcast %jit3A_1460 : i32 to vector<16xi32>
      %rem3A_1482 = arith.remsi %add3A_1457, %rem3A_1481 : vector<16xi32>
      %ne3A_1483 = arith.constant 0 : i32
      %ne3A_1484 = vector.broadcast %ne3A_1483 : i32 to vector<16xi32>
      %ne3A_1485 = arith.cmpi ne, %rem3A_1482, %ne3A_1484 : vector<16xi32>
      %and3A_1486 = arith.andi %ne3A_1480, %ne3A_1485 : vector<16xi1>
      %sub3A_1487 = arith.constant 1 : i32
      %sub3A_1488 = vector.broadcast %sub3A_1487 : i32 to vector<16xi32>
      %sub3A_1489 = arith.subi %div3A_1462, %sub3A_1488 : vector<16xi32>
      %select_n3A_1490 = arith.select %and3A_1486, %sub3A_1489, %div3A_1462 : vector<16xi1>, vector<16xi32>
      %jit3A_1491 = arith.constant 26 : i32
      %eq3A_1492 = arith.constant 0 : i32
      %eq3A_1493 = arith.cmpi eq, %jit3A_1491, %eq3A_1492 : i32
      %jit3A_1494 = arith.constant 1 : i32
      %select_n3A_1495 = arith.select %eq3A_1493, %jit3A_1494, %jit3A_1491 : i32
      %rem3A_1496 = vector.broadcast %select_n3A_1495 : i32 to vector<16xi32>
      %rem3A_1497 = arith.remsi %add3A_1457, %rem3A_1496 : vector<16xi32>
      %ne3A_1498 = arith.constant 0 : i32
      %ne3A_1499 = vector.broadcast %ne3A_1498 : i32 to vector<16xi32>
      %ne3A_1500 = arith.cmpi ne, %rem3A_1497, %ne3A_1499 : vector<16xi32>
      %lt3A_1501 = arith.constant 0 : i32
      %lt3A_1502 = vector.broadcast %lt3A_1501 : i32 to vector<16xi32>
      %lt3A_1503 = arith.cmpi slt, %rem3A_1497, %lt3A_1502 : vector<16xi32>
      %lt3A_1504 = arith.constant 0 : i32
      %lt3A_1505 = arith.cmpi slt, %select_n3A_1495, %lt3A_1504 : i32
      %ne3A_1506 = vector.broadcast %lt3A_1505 : i1 to vector<16xi1>
      %ne3A_1507 = vector.broadcast %ne3A_1506 : vector<16xi1> to vector<16xi1>
      %ne3A_1508 = arith.xori %lt3A_1503, %ne3A_1507 : vector<16xi1>
      %and3A_1509 = arith.andi %ne3A_1508, %ne3A_1500 : vector<16xi1>
      %add3A_1510 = vector.broadcast %select_n3A_1495 : i32 to vector<16xi32>
      %add3A_1511 = arith.addi %rem3A_1497, %add3A_1510 : vector<16xi32>
      %select_n3A_1512 = arith.select %and3A_1509, %add3A_1511, %rem3A_1497 : vector<16xi1>, vector<16xi32>
      %mul3A_1513 = arith.constant 100 : i32
      %mul3A_1514 = vector.broadcast %mul3A_1513 : i32 to vector<16xi32>
      %mul3A_1515 = arith.muli %select_n3A_1512, %mul3A_1514 : vector<16xi32>
      %add3A_1516 = arith.addi %mul3A_1515, %get3A_1459 : vector<16xi32>
      tpu.vector_store_idx %arg5[%select_n3A_1490, %add3A_1516], %broadcast_in_dim3A_5 : memref<16x2600xi32, #tpu.memory_space<vmem>>[vector<16xi32>, vector<16xi32>], vector<16xi32>,
      %iota3A_1517 = tpu.iota {dimensions = array<i32: 0>} : vector<16xi32>
      %add3A_1518 = arith.constant 384 : i32
      %add3A_1519 = vector.broadcast %add3A_1518 : i32 to vector<16xi32>
      %add3A_1520 = arith.addi %add3A_1519, %iota3A_1517 : vector<16xi32>
      %get3A_1521 = arith.constant 384 : index
      %get3A_1522 = tpu.vector_load %arg6[%get3A_1521] {strides = array<i32>} : memref<416xi32, #tpu.memory_space<vmem>>, vector<16xi32>,
      %jit3A_1523 = arith.constant 26 : i32
      %div3A_1524 = vector.broadcast %jit3A_1523 : i32 to vector<16xi32>
      %div3A_1525 = arith.divsi %add3A_1520, %div3A_1524 : vector<16xi32>
      %sign3A_1526 = arith.constant 0 : i32
      %sign3A_1527 = vector.broadcast %sign3A_1526 : i32 to vector<16xi32>
      %sign3A_1528 = arith.cmpi sgt, %add3A_1520, %sign3A_1527 : vector<16xi32>
      %sign3A_1529 = arith.extui %sign3A_1528 : vector<16xi1> to vector<16xi32>
      %sign3A_1530 = arith.constant 0 : i32
      %sign3A_1531 = vector.broadcast %sign3A_1530 : i32 to vector<16xi32>
      %sign3A_1532 = arith.cmpi slt, %add3A_1520, %sign3A_1531 : vector<16xi32>
      %sign3A_1533 = arith.extui %sign3A_1532 : vector<16xi1> to vector<16xi32>
      %sign3A_1534 = arith.subi %sign3A_1529, %sign3A_1533 : vector<16xi32>
      %sign3A_1535 = arith.constant 0 : i32
      %sign3A_1536 = arith.cmpi sgt, %jit3A_1523, %sign3A_1535 : i32
      %sign3A_1537 = arith.extui %sign3A_1536 : i1 to i32
      %sign3A_1538 = arith.constant 0 : i32
      %sign3A_1539 = arith.cmpi slt, %jit3A_1523, %sign3A_1538 : i32
      %sign3A_1540 = arith.extui %sign3A_1539 : i1 to i32
      %sign3A_1541 = arith.subi %sign3A_1537, %sign3A_1540 : i32
      %ne3A_1542 = vector.broadcast %sign3A_1541 : i32 to vector<16xi32>
      %ne3A_1543 = arith.cmpi ne, %sign3A_1534, %ne3A_1542 : vector<16xi32>
      %rem3A_1544 = vector.broadcast %jit3A_1523 : i32 to vector<16xi32>
      %rem3A_1545 = arith.remsi %add3A_1520, %rem3A_1544 : vector<16xi32>
      %ne3A_1546 = arith.constant 0 : i32
      %ne3A_1547 = vector.broadcast %ne3A_1546 : i32 to vector<16xi32>
      %ne3A_1548 = arith.cmpi ne, %rem3A_1545, %ne3A_1547 : vector<16xi32>
      %and3A_1549 = arith.andi %ne3A_1543, %ne3A_1548 : vector<16xi1>
      %sub3A_1550 = arith.constant 1 : i32
      %sub3A_1551 = vector.broadcast %sub3A_1550 : i32 to vector<16xi32>
      %sub3A_1552 = arith.subi %div3A_1525, %sub3A_1551 : vector<16xi32>
      %select_n3A_1553 = arith.select %and3A_1549, %sub3A_1552, %div3A_1525 : vector<16xi1>, vector<16xi32>
      %jit3A_1554 = arith.constant 26 : i32
      %eq3A_1555 = arith.constant 0 : i32
      %eq3A_1556 = arith.cmpi eq, %jit3A_1554, %eq3A_1555 : i32
      %jit3A_1557 = arith.constant 1 : i32
      %select_n3A_1558 = arith.select %eq3A_1556, %jit3A_1557, %jit3A_1554 : i32
      %rem3A_1559 = vector.broadcast %select_n3A_1558 : i32 to vector<16xi32>
      %rem3A_1560 = arith.remsi %add3A_1520, %rem3A_1559 : vector<16xi32>
      %ne3A_1561 = arith.constant 0 : i32
      %ne3A_1562 = vector.broadcast %ne3A_1561 : i32 to vector<16xi32>
      %ne3A_1563 = arith.cmpi ne, %rem3A_1560, %ne3A_1562 : vector<16xi32>
      %lt3A_1564 = arith.constant 0 : i32
      %lt3A_1565 = vector.broadcast %lt3A_1564 : i32 to vector<16xi32>
      %lt3A_1566 = arith.cmpi slt, %rem3A_1560, %lt3A_1565 : vector<16xi32>
      %lt3A_1567 = arith.constant 0 : i32
      %lt3A_1568 = arith.cmpi slt, %select_n3A_1558, %lt3A_1567 : i32
      %ne3A_1569 = vector.broadcast %lt3A_1568 : i1 to vector<16xi1>
      %ne3A_1570 = vector.broadcast %ne3A_1569 : vector<16xi1> to vector<16xi1>
      %ne3A_1571 = arith.xori %lt3A_1566, %ne3A_1570 : vector<16xi1>
      %and3A_1572 = arith.andi %ne3A_1571, %ne3A_1563 : vector<16xi1>
      %add3A_1573 = vector.broadcast %select_n3A_1558 : i32 to vector<16xi32>
      %add3A_1574 = arith.addi %rem3A_1560, %add3A_1573 : vector<16xi32>
      %select_n3A_1575 = arith.select %and3A_1572, %add3A_1574, %rem3A_1560 : vector<16xi1>, vector<16xi32>
      %mul3A_1576 = arith.constant 100 : i32
      %mul3A_1577 = vector.broadcast %mul3A_1576 : i32 to vector<16xi32>
      %mul3A_1578 = arith.muli %select_n3A_1575, %mul3A_1577 : vector<16xi32>
      %add3A_1579 = arith.addi %mul3A_1578, %get3A_1522 : vector<16xi32>
      tpu.vector_store_idx %arg5[%select_n3A_1553, %add3A_1579], %broadcast_in_dim3A_5 : memref<16x2600xi32, #tpu.memory_space<vmem>>[vector<16xi32>, vector<16xi32>], vector<16xi32>,
      %iota3A_1580 = tpu.iota {dimensions = array<i32: 0>} : vector<16xi32>
      %add3A_1581 = arith.constant 400 : i32
      %add3A_1582 = vector.broadcast %add3A_1581 : i32 to vector<16xi32>
      %add3A_1583 = arith.addi %add3A_1582, %iota3A_1580 : vector<16xi32>
      %get3A_1584 = arith.constant 400 : index
      %get3A_1585 = tpu.vector_load %arg6[%get3A_1584] {strides = array<i32>} : memref<416xi32, #tpu.memory_space<vmem>>, vector<16xi32>,
      %jit3A_1586 = arith.constant 26 : i32
      %div3A_1587 = vector.broadcast %jit3A_1586 : i32 to vector<16xi32>
      %div3A_1588 = arith.divsi %add3A_1583, %div3A_1587 : vector<16xi32>
      %sign3A_1589 = arith.constant 0 : i32
      %sign3A_1590 = vector.broadcast %sign3A_1589 : i32 to vector<16xi32>
      %sign3A_1591 = arith.cmpi sgt, %add3A_1583, %sign3A_1590 : vector<16xi32>
      %sign3A_1592 = arith.extui %sign3A_1591 : vector<16xi1> to vector<16xi32>
      %sign3A_1593 = arith.constant 0 : i32
      %sign3A_1594 = vector.broadcast %sign3A_1593 : i32 to vector<16xi32>
      %sign3A_1595 = arith.cmpi slt, %add3A_1583, %sign3A_1594 : vector<16xi32>
      %sign3A_1596 = arith.extui %sign3A_1595 : vector<16xi1> to vector<16xi32>
      %sign3A_1597 = arith.subi %sign3A_1592, %sign3A_1596 : vector<16xi32>
      %sign3A_1598 = arith.constant 0 : i32
      %sign3A_1599 = arith.cmpi sgt, %jit3A_1586, %sign3A_1598 : i32
      %sign3A_1600 = arith.extui %sign3A_1599 : i1 to i32
      %sign3A_1601 = arith.constant 0 : i32
      %sign3A_1602 = arith.cmpi slt, %jit3A_1586, %sign3A_1601 : i32
      %sign3A_1603 = arith.extui %sign3A_1602 : i1 to i32
      %sign3A_1604 = arith.subi %sign3A_1600, %sign3A_1603 : i32
      %ne3A_1605 = vector.broadcast %sign3A_1604 : i32 to vector<16xi32>
      %ne3A_1606 = arith.cmpi ne, %sign3A_1597, %ne3A_1605 : vector<16xi32>
      %rem3A_1607 = vector.broadcast %jit3A_1586 : i32 to vector<16xi32>
      %rem3A_1608 = arith.remsi %add3A_1583, %rem3A_1607 : vector<16xi32>
      %ne3A_1609 = arith.constant 0 : i32
      %ne3A_1610 = vector.broadcast %ne3A_1609 : i32 to vector<16xi32>
      %ne3A_1611 = arith.cmpi ne, %rem3A_1608, %ne3A_1610 : vector<16xi32>
      %and3A_1612 = arith.andi %ne3A_1606, %ne3A_1611 : vector<16xi1>
      %sub3A_1613 = arith.constant 1 : i32
      %sub3A_1614 = vector.broadcast %sub3A_1613 : i32 to vector<16xi32>
      %sub3A_1615 = arith.subi %div3A_1588, %sub3A_1614 : vector<16xi32>
      %select_n3A_1616 = arith.select %and3A_1612, %sub3A_1615, %div3A_1588 : vector<16xi1>, vector<16xi32>
      %jit3A_1617 = arith.constant 26 : i32
      %eq3A_1618 = arith.constant 0 : i32
      %eq3A_1619 = arith.cmpi eq, %jit3A_1617, %eq3A_1618 : i32
      %jit3A_1620 = arith.constant 1 : i32
      %select_n3A_1621 = arith.select %eq3A_1619, %jit3A_1620, %jit3A_1617 : i32
      %rem3A_1622 = vector.broadcast %select_n3A_1621 : i32 to vector<16xi32>
      %rem3A_1623 = arith.remsi %add3A_1583, %rem3A_1622 : vector<16xi32>
      %ne3A_1624 = arith.constant 0 : i32
      %ne3A_1625 = vector.broadcast %ne3A_1624 : i32 to vector<16xi32>
      %ne3A_1626 = arith.cmpi ne, %rem3A_1623, %ne3A_1625 : vector<16xi32>
      %lt3A_1627 = arith.constant 0 : i32
      %lt3A_1628 = vector.broadcast %lt3A_1627 : i32 to vector<16xi32>
      %lt3A_1629 = arith.cmpi slt, %rem3A_1623, %lt3A_1628 : vector<16xi32>
      %lt3A_1630 = arith.constant 0 : i32
      %lt3A_1631 = arith.cmpi slt, %select_n3A_1621, %lt3A_1630 : i32
      %ne3A_1632 = vector.broadcast %lt3A_1631 : i1 to vector<16xi1>
      %ne3A_1633 = vector.broadcast %ne3A_1632 : vector<16xi1> to vector<16xi1>
      %ne3A_1634 = arith.xori %lt3A_1629, %ne3A_1633 : vector<16xi1>
      %and3A_1635 = arith.andi %ne3A_1634, %ne3A_1626 : vector<16xi1>
      %add3A_1636 = vector.broadcast %select_n3A_1621 : i32 to vector<16xi32>
      %add3A_1637 = arith.addi %rem3A_1623, %add3A_1636 : vector<16xi32>
      %select_n3A_1638 = arith.select %and3A_1635, %add3A_1637, %rem3A_1623 : vector<16xi1>, vector<16xi32>
      %mul3A_1639 = arith.constant 100 : i32
      %mul3A_1640 = vector.broadcast %mul3A_1639 : i32 to vector<16xi32>
      %mul3A_1641 = arith.muli %select_n3A_1638, %mul3A_1640 : vector<16xi32>
      %add3A_1642 = arith.addi %mul3A_1641, %get3A_1585 : vector<16xi32>
      tpu.vector_store_idx %arg5[%select_n3A_1616, %add3A_1642], %broadcast_in_dim3A_5 : memref<16x2600xi32, #tpu.memory_space<vmem>>[vector<16xi32>, vector<16xi32>], vector<16xi32>,
      %mul3A_1643 = arith.constant 16 : i32
      %mul3A_1644 = arith.muli %add3A_16, %mul3A_1643 : i32
      %add3A_1645 = arith.addi %mul3A_2, %mul3A_1644 : i32
      %mul3A_1646 = arith.constant 26 : i32
      %mul3A_1647 = arith.muli %add3A_1645, %mul3A_1646 : i32
      "tpu.region"() ({
        %run_scoped3A = tpu.sem_alloc : memref<!tpu.dma_semaphore, #tpu.memory_space<semaphore_mem>>
        %dma_start3A = tpu.memref_slice %arg3[%mul3A_1647] : memref<106496xi32, #tpu.memory_space<hbm>> -> memref<416xi32, #tpu.memory_space<hbm>>
        %dma_start3A_3289 = tpu.memref_slice %arg3[%mul3A_1647] : memref<106496xi32, #tpu.memory_space<hbm>> -> memref<416xi32, #tpu.memory_space<hbm>>
        tpu.enqueue_dma source(%dma_start3A_3289 : memref<416xi32, #tpu.memory_space<hbm>>) target(%arg6 : memref<416xi32, #tpu.memory_space<vmem>>) target_semaphore(%run_scoped3A : memref<!tpu.dma_semaphore, #tpu.memory_space<semaphore_mem>>)
        %dma_wait3A = tpu.memref_slice %arg3[%mul3A_1647] : memref<106496xi32, #tpu.memory_space<hbm>> -> memref<416xi32, #tpu.memory_space<hbm>>
        %dma_wait3A_3290 = tpu.memref_slice %arg3[%mul3A_1647] : memref<106496xi32, #tpu.memory_space<hbm>> -> memref<416xi32, #tpu.memory_space<hbm>>
        tpu.wait_dma2 semaphore(%run_scoped3A : memref<!tpu.dma_semaphore, #tpu.memory_space<semaphore_mem>>) src(%dma_wait3A_3290 : memref<416xi32, #tpu.memory_space<hbm>>) dst(%arg6 : memref<416xi32, #tpu.memory_space<vmem>>)
        tpu.yield
      }) : () -> ()
      %iota3A_1648 = tpu.iota {dimensions = array<i32: 0>} : vector<16xi32>
      %add3A_1649 = arith.constant 0 : i32
      %add3A_1650 = vector.broadcast %add3A_1649 : i32 to vector<16xi32>
      %add3A_1651 = arith.addi %add3A_1650, %iota3A_1648 : vector<16xi32>
      %get3A_1652 = arith.constant 0 : index
      %get3A_1653 = tpu.vector_load %arg6[%get3A_1652] {strides = array<i32>} : memref<416xi32, #tpu.memory_space<vmem>>, vector<16xi32>,
      %jit3A_1654 = arith.constant 26 : i32
      %div3A_1655 = vector.broadcast %jit3A_1654 : i32 to vector<16xi32>
      %div3A_1656 = arith.divsi %add3A_1651, %div3A_1655 : vector<16xi32>
      %sign3A_1657 = arith.constant 0 : i32
      %sign3A_1658 = vector.broadcast %sign3A_1657 : i32 to vector<16xi32>
      %sign3A_1659 = arith.cmpi sgt, %add3A_1651, %sign3A_1658 : vector<16xi32>
      %sign3A_1660 = arith.extui %sign3A_1659 : vector<16xi1> to vector<16xi32>
      %sign3A_1661 = arith.constant 0 : i32
      %sign3A_1662 = vector.broadcast %sign3A_1661 : i32 to vector<16xi32>
      %sign3A_1663 = arith.cmpi slt, %add3A_1651, %sign3A_1662 : vector<16xi32>
      %sign3A_1664 = arith.extui %sign3A_1663 : vector<16xi1> to vector<16xi32>
      %sign3A_1665 = arith.subi %sign3A_1660, %sign3A_1664 : vector<16xi32>
      %sign3A_1666 = arith.constant 0 : i32
      %sign3A_1667 = arith.cmpi sgt, %jit3A_1654, %sign3A_1666 : i32
      %sign3A_1668 = arith.extui %sign3A_1667 : i1 to i32
      %sign3A_1669 = arith.constant 0 : i32
      %sign3A_1670 = arith.cmpi slt, %jit3A_1654, %sign3A_1669 : i32
      %sign3A_1671 = arith.extui %sign3A_1670 : i1 to i32
      %sign3A_1672 = arith.subi %sign3A_1668, %sign3A_1671 : i32
      %ne3A_1673 = vector.broadcast %sign3A_1672 : i32 to vector<16xi32>
      %ne3A_1674 = arith.cmpi ne, %sign3A_1665, %ne3A_1673 : vector<16xi32>
      %rem3A_1675 = vector.broadcast %jit3A_1654 : i32 to vector<16xi32>
      %rem3A_1676 = arith.remsi %add3A_1651, %rem3A_1675 : vector<16xi32>
      %ne3A_1677 = arith.constant 0 : i32
      %ne3A_1678 = vector.broadcast %ne3A_1677 : i32 to vector<16xi32>
      %ne3A_1679 = arith.cmpi ne, %rem3A_1676, %ne3A_1678 : vector<16xi32>
      %and3A_1680 = arith.andi %ne3A_1674, %ne3A_1679 : vector<16xi1>
      %sub3A_1681 = arith.constant 1 : i32
      %sub3A_1682 = vector.broadcast %sub3A_1681 : i32 to vector<16xi32>
      %sub3A_1683 = arith.subi %div3A_1656, %sub3A_1682 : vector<16xi32>
      %select_n3A_1684 = arith.select %and3A_1680, %sub3A_1683, %div3A_1656 : vector<16xi1>, vector<16xi32>
      %jit3A_1685 = arith.constant 26 : i32
      %eq3A_1686 = arith.constant 0 : i32
      %eq3A_1687 = arith.cmpi eq, %jit3A_1685, %eq3A_1686 : i32
      %jit3A_1688 = arith.constant 1 : i32
      %select_n3A_1689 = arith.select %eq3A_1687, %jit3A_1688, %jit3A_1685 : i32
      %rem3A_1690 = vector.broadcast %select_n3A_1689 : i32 to vector<16xi32>
      %rem3A_1691 = arith.remsi %add3A_1651, %rem3A_1690 : vector<16xi32>
      %ne3A_1692 = arith.constant 0 : i32
      %ne3A_1693 = vector.broadcast %ne3A_1692 : i32 to vector<16xi32>
      %ne3A_1694 = arith.cmpi ne, %rem3A_1691, %ne3A_1693 : vector<16xi32>
      %lt3A_1695 = arith.constant 0 : i32
      %lt3A_1696 = vector.broadcast %lt3A_1695 : i32 to vector<16xi32>
      %lt3A_1697 = arith.cmpi slt, %rem3A_1691, %lt3A_1696 : vector<16xi32>
      %lt3A_1698 = arith.constant 0 : i32
      %lt3A_1699 = arith.cmpi slt, %select_n3A_1689, %lt3A_1698 : i32
      %ne3A_1700 = vector.broadcast %lt3A_1699 : i1 to vector<16xi1>
      %ne3A_1701 = vector.broadcast %ne3A_1700 : vector<16xi1> to vector<16xi1>
      %ne3A_1702 = arith.xori %lt3A_1697, %ne3A_1701 : vector<16xi1>
      %and3A_1703 = arith.andi %ne3A_1702, %ne3A_1694 : vector<16xi1>
      %add3A_1704 = vector.broadcast %select_n3A_1689 : i32 to vector<16xi32>
      %add3A_1705 = arith.addi %rem3A_1691, %add3A_1704 : vector<16xi32>
      %select_n3A_1706 = arith.select %and3A_1703, %add3A_1705, %rem3A_1691 : vector<16xi1>, vector<16xi32>
      %mul3A_1707 = arith.constant 100 : i32
      %mul3A_1708 = vector.broadcast %mul3A_1707 : i32 to vector<16xi32>
      %mul3A_1709 = arith.muli %select_n3A_1706, %mul3A_1708 : vector<16xi32>
      %add3A_1710 = arith.addi %mul3A_1709, %get3A_1653 : vector<16xi32>
      tpu.vector_store_idx %arg5[%select_n3A_1684, %add3A_1710], %broadcast_in_dim3A_3 : memref<16x2600xi32, #tpu.memory_space<vmem>>[vector<16xi32>, vector<16xi32>], vector<16xi32>,
      %iota3A_1711 = tpu.iota {dimensions = array<i32: 0>} : vector<16xi32>
      %add3A_1712 = arith.constant 16 : i32
      %add3A_1713 = vector.broadcast %add3A_1712 : i32 to vector<16xi32>
      %add3A_1714 = arith.addi %add3A_1713, %iota3A_1711 : vector<16xi32>
      %get3A_1715 = arith.constant 16 : index
      %get3A_1716 = tpu.vector_load %arg6[%get3A_1715] {strides = array<i32>} : memref<416xi32, #tpu.memory_space<vmem>>, vector<16xi32>,
      %jit3A_1717 = arith.constant 26 : i32
      %div3A_1718 = vector.broadcast %jit3A_1717 : i32 to vector<16xi32>
      %div3A_1719 = arith.divsi %add3A_1714, %div3A_1718 : vector<16xi32>
      %sign3A_1720 = arith.constant 0 : i32
      %sign3A_1721 = vector.broadcast %sign3A_1720 : i32 to vector<16xi32>
      %sign3A_1722 = arith.cmpi sgt, %add3A_1714, %sign3A_1721 : vector<16xi32>
      %sign3A_1723 = arith.extui %sign3A_1722 : vector<16xi1> to vector<16xi32>
      %sign3A_1724 = arith.constant 0 : i32
      %sign3A_1725 = vector.broadcast %sign3A_1724 : i32 to vector<16xi32>
      %sign3A_1726 = arith.cmpi slt, %add3A_1714, %sign3A_1725 : vector<16xi32>
      %sign3A_1727 = arith.extui %sign3A_1726 : vector<16xi1> to vector<16xi32>
      %sign3A_1728 = arith.subi %sign3A_1723, %sign3A_1727 : vector<16xi32>
      %sign3A_1729 = arith.constant 0 : i32
      %sign3A_1730 = arith.cmpi sgt, %jit3A_1717, %sign3A_1729 : i32
      %sign3A_1731 = arith.extui %sign3A_1730 : i1 to i32
      %sign3A_1732 = arith.constant 0 : i32
      %sign3A_1733 = arith.cmpi slt, %jit3A_1717, %sign3A_1732 : i32
      %sign3A_1734 = arith.extui %sign3A_1733 : i1 to i32
      %sign3A_1735 = arith.subi %sign3A_1731, %sign3A_1734 : i32
      %ne3A_1736 = vector.broadcast %sign3A_1735 : i32 to vector<16xi32>
      %ne3A_1737 = arith.cmpi ne, %sign3A_1728, %ne3A_1736 : vector<16xi32>
      %rem3A_1738 = vector.broadcast %jit3A_1717 : i32 to vector<16xi32>
      %rem3A_1739 = arith.remsi %add3A_1714, %rem3A_1738 : vector<16xi32>
      %ne3A_1740 = arith.constant 0 : i32
      %ne3A_1741 = vector.broadcast %ne3A_1740 : i32 to vector<16xi32>
      %ne3A_1742 = arith.cmpi ne, %rem3A_1739, %ne3A_1741 : vector<16xi32>
      %and3A_1743 = arith.andi %ne3A_1737, %ne3A_1742 : vector<16xi1>
      %sub3A_1744 = arith.constant 1 : i32
      %sub3A_1745 = vector.broadcast %sub3A_1744 : i32 to vector<16xi32>
      %sub3A_1746 = arith.subi %div3A_1719, %sub3A_1745 : vector<16xi32>
      %select_n3A_1747 = arith.select %and3A_1743, %sub3A_1746, %div3A_1719 : vector<16xi1>, vector<16xi32>
      %jit3A_1748 = arith.constant 26 : i32
      %eq3A_1749 = arith.constant 0 : i32
      %eq3A_1750 = arith.cmpi eq, %jit3A_1748, %eq3A_1749 : i32
      %jit3A_1751 = arith.constant 1 : i32
      %select_n3A_1752 = arith.select %eq3A_1750, %jit3A_1751, %jit3A_1748 : i32
      %rem3A_1753 = vector.broadcast %select_n3A_1752 : i32 to vector<16xi32>
      %rem3A_1754 = arith.remsi %add3A_1714, %rem3A_1753 : vector<16xi32>
      %ne3A_1755 = arith.constant 0 : i32
      %ne3A_1756 = vector.broadcast %ne3A_1755 : i32 to vector<16xi32>
      %ne3A_1757 = arith.cmpi ne, %rem3A_1754, %ne3A_1756 : vector<16xi32>
      %lt3A_1758 = arith.constant 0 : i32
      %lt3A_1759 = vector.broadcast %lt3A_1758 : i32 to vector<16xi32>
      %lt3A_1760 = arith.cmpi slt, %rem3A_1754, %lt3A_1759 : vector<16xi32>
      %lt3A_1761 = arith.constant 0 : i32
      %lt3A_1762 = arith.cmpi slt, %select_n3A_1752, %lt3A_1761 : i32
      %ne3A_1763 = vector.broadcast %lt3A_1762 : i1 to vector<16xi1>
      %ne3A_1764 = vector.broadcast %ne3A_1763 : vector<16xi1> to vector<16xi1>
      %ne3A_1765 = arith.xori %lt3A_1760, %ne3A_1764 : vector<16xi1>
      %and3A_1766 = arith.andi %ne3A_1765, %ne3A_1757 : vector<16xi1>
      %add3A_1767 = vector.broadcast %select_n3A_1752 : i32 to vector<16xi32>
      %add3A_1768 = arith.addi %rem3A_1754, %add3A_1767 : vector<16xi32>
      %select_n3A_1769 = arith.select %and3A_1766, %add3A_1768, %rem3A_1754 : vector<16xi1>, vector<16xi32>
      %mul3A_1770 = arith.constant 100 : i32
      %mul3A_1771 = vector.broadcast %mul3A_1770 : i32 to vector<16xi32>
      %mul3A_1772 = arith.muli %select_n3A_1769, %mul3A_1771 : vector<16xi32>
      %add3A_1773 = arith.addi %mul3A_1772, %get3A_1716 : vector<16xi32>
      tpu.vector_store_idx %arg5[%select_n3A_1747, %add3A_1773], %broadcast_in_dim3A_3 : memref<16x2600xi32, #tpu.memory_space<vmem>>[vector<16xi32>, vector<16xi32>], vector<16xi32>,
      %iota3A_1774 = tpu.iota {dimensions = array<i32: 0>} : vector<16xi32>
      %add3A_1775 = arith.constant 32 : i32
      %add3A_1776 = vector.broadcast %add3A_1775 : i32 to vector<16xi32>
      %add3A_1777 = arith.addi %add3A_1776, %iota3A_1774 : vector<16xi32>
      %get3A_1778 = arith.constant 32 : index
      %get3A_1779 = tpu.vector_load %arg6[%get3A_1778] {strides = array<i32>} : memref<416xi32, #tpu.memory_space<vmem>>, vector<16xi32>,
      %jit3A_1780 = arith.constant 26 : i32
      %div3A_1781 = vector.broadcast %jit3A_1780 : i32 to vector<16xi32>
      %div3A_1782 = arith.divsi %add3A_1777, %div3A_1781 : vector<16xi32>
      %sign3A_1783 = arith.constant 0 : i32
      %sign3A_1784 = vector.broadcast %sign3A_1783 : i32 to vector<16xi32>
      %sign3A_1785 = arith.cmpi sgt, %add3A_1777, %sign3A_1784 : vector<16xi32>
      %sign3A_1786 = arith.extui %sign3A_1785 : vector<16xi1> to vector<16xi32>
      %sign3A_1787 = arith.constant 0 : i32
      %sign3A_1788 = vector.broadcast %sign3A_1787 : i32 to vector<16xi32>
      %sign3A_1789 = arith.cmpi slt, %add3A_1777, %sign3A_1788 : vector<16xi32>
      %sign3A_1790 = arith.extui %sign3A_1789 : vector<16xi1> to vector<16xi32>
      %sign3A_1791 = arith.subi %sign3A_1786, %sign3A_1790 : vector<16xi32>
      %sign3A_1792 = arith.constant 0 : i32
      %sign3A_1793 = arith.cmpi sgt, %jit3A_1780, %sign3A_1792 : i32
      %sign3A_1794 = arith.extui %sign3A_1793 : i1 to i32
      %sign3A_1795 = arith.constant 0 : i32
      %sign3A_1796 = arith.cmpi slt, %jit3A_1780, %sign3A_1795 : i32
      %sign3A_1797 = arith.extui %sign3A_1796 : i1 to i32
      %sign3A_1798 = arith.subi %sign3A_1794, %sign3A_1797 : i32
      %ne3A_1799 = vector.broadcast %sign3A_1798 : i32 to vector<16xi32>
      %ne3A_1800 = arith.cmpi ne, %sign3A_1791, %ne3A_1799 : vector<16xi32>
      %rem3A_1801 = vector.broadcast %jit3A_1780 : i32 to vector<16xi32>
      %rem3A_1802 = arith.remsi %add3A_1777, %rem3A_1801 : vector<16xi32>
      %ne3A_1803 = arith.constant 0 : i32
      %ne3A_1804 = vector.broadcast %ne3A_1803 : i32 to vector<16xi32>
      %ne3A_1805 = arith.cmpi ne, %rem3A_1802, %ne3A_1804 : vector<16xi32>
      %and3A_1806 = arith.andi %ne3A_1800, %ne3A_1805 : vector<16xi1>
      %sub3A_1807 = arith.constant 1 : i32
      %sub3A_1808 = vector.broadcast %sub3A_1807 : i32 to vector<16xi32>
      %sub3A_1809 = arith.subi %div3A_1782, %sub3A_1808 : vector<16xi32>
      %select_n3A_1810 = arith.select %and3A_1806, %sub3A_1809, %div3A_1782 : vector<16xi1>, vector<16xi32>
      %jit3A_1811 = arith.constant 26 : i32
      %eq3A_1812 = arith.constant 0 : i32
      %eq3A_1813 = arith.cmpi eq, %jit3A_1811, %eq3A_1812 : i32
      %jit3A_1814 = arith.constant 1 : i32
      %select_n3A_1815 = arith.select %eq3A_1813, %jit3A_1814, %jit3A_1811 : i32
      %rem3A_1816 = vector.broadcast %select_n3A_1815 : i32 to vector<16xi32>
      %rem3A_1817 = arith.remsi %add3A_1777, %rem3A_1816 : vector<16xi32>
      %ne3A_1818 = arith.constant 0 : i32
      %ne3A_1819 = vector.broadcast %ne3A_1818 : i32 to vector<16xi32>
      %ne3A_1820 = arith.cmpi ne, %rem3A_1817, %ne3A_1819 : vector<16xi32>
      %lt3A_1821 = arith.constant 0 : i32
      %lt3A_1822 = vector.broadcast %lt3A_1821 : i32 to vector<16xi32>
      %lt3A_1823 = arith.cmpi slt, %rem3A_1817, %lt3A_1822 : vector<16xi32>
      %lt3A_1824 = arith.constant 0 : i32
      %lt3A_1825 = arith.cmpi slt, %select_n3A_1815, %lt3A_1824 : i32
      %ne3A_1826 = vector.broadcast %lt3A_1825 : i1 to vector<16xi1>
      %ne3A_1827 = vector.broadcast %ne3A_1826 : vector<16xi1> to vector<16xi1>
      %ne3A_1828 = arith.xori %lt3A_1823, %ne3A_1827 : vector<16xi1>
      %and3A_1829 = arith.andi %ne3A_1828, %ne3A_1820 : vector<16xi1>
      %add3A_1830 = vector.broadcast %select_n3A_1815 : i32 to vector<16xi32>
      %add3A_1831 = arith.addi %rem3A_1817, %add3A_1830 : vector<16xi32>
      %select_n3A_1832 = arith.select %and3A_1829, %add3A_1831, %rem3A_1817 : vector<16xi1>, vector<16xi32>
      %mul3A_1833 = arith.constant 100 : i32
      %mul3A_1834 = vector.broadcast %mul3A_1833 : i32 to vector<16xi32>
      %mul3A_1835 = arith.muli %select_n3A_1832, %mul3A_1834 : vector<16xi32>
      %add3A_1836 = arith.addi %mul3A_1835, %get3A_1779 : vector<16xi32>
      tpu.vector_store_idx %arg5[%select_n3A_1810, %add3A_1836], %broadcast_in_dim3A_3 : memref<16x2600xi32, #tpu.memory_space<vmem>>[vector<16xi32>, vector<16xi32>], vector<16xi32>,
      %iota3A_1837 = tpu.iota {dimensions = array<i32: 0>} : vector<16xi32>
      %add3A_1838 = arith.constant 48 : i32
      %add3A_1839 = vector.broadcast %add3A_1838 : i32 to vector<16xi32>
      %add3A_1840 = arith.addi %add3A_1839, %iota3A_1837 : vector<16xi32>
      %get3A_1841 = arith.constant 48 : index
      %get3A_1842 = tpu.vector_load %arg6[%get3A_1841] {strides = array<i32>} : memref<416xi32, #tpu.memory_space<vmem>>, vector<16xi32>,
      %jit3A_1843 = arith.constant 26 : i32
      %div3A_1844 = vector.broadcast %jit3A_1843 : i32 to vector<16xi32>
      %div3A_1845 = arith.divsi %add3A_1840, %div3A_1844 : vector<16xi32>
      %sign3A_1846 = arith.constant 0 : i32
      %sign3A_1847 = vector.broadcast %sign3A_1846 : i32 to vector<16xi32>
      %sign3A_1848 = arith.cmpi sgt, %add3A_1840, %sign3A_1847 : vector<16xi32>
      %sign3A_1849 = arith.extui %sign3A_1848 : vector<16xi1> to vector<16xi32>
      %sign3A_1850 = arith.constant 0 : i32
      %sign3A_1851 = vector.broadcast %sign3A_1850 : i32 to vector<16xi32>
      %sign3A_1852 = arith.cmpi slt, %add3A_1840, %sign3A_1851 : vector<16xi32>
      %sign3A_1853 = arith.extui %sign3A_1852 : vector<16xi1> to vector<16xi32>
      %sign3A_1854 = arith.subi %sign3A_1849, %sign3A_1853 : vector<16xi32>
      %sign3A_1855 = arith.constant 0 : i32
      %sign3A_1856 = arith.cmpi sgt, %jit3A_1843, %sign3A_1855 : i32
      %sign3A_1857 = arith.extui %sign3A_1856 : i1 to i32
      %sign3A_1858 = arith.constant 0 : i32
      %sign3A_1859 = arith.cmpi slt, %jit3A_1843, %sign3A_1858 : i32
      %sign3A_1860 = arith.extui %sign3A_1859 : i1 to i32
      %sign3A_1861 = arith.subi %sign3A_1857, %sign3A_1860 : i32
      %ne3A_1862 = vector.broadcast %sign3A_1861 : i32 to vector<16xi32>
      %ne3A_1863 = arith.cmpi ne, %sign3A_1854, %ne3A_1862 : vector<16xi32>
      %rem3A_1864 = vector.broadcast %jit3A_1843 : i32 to vector<16xi32>
      %rem3A_1865 = arith.remsi %add3A_1840, %rem3A_1864 : vector<16xi32>
      %ne3A_1866 = arith.constant 0 : i32
      %ne3A_1867 = vector.broadcast %ne3A_1866 : i32 to vector<16xi32>
      %ne3A_1868 = arith.cmpi ne, %rem3A_1865, %ne3A_1867 : vector<16xi32>
      %and3A_1869 = arith.andi %ne3A_1863, %ne3A_1868 : vector<16xi1>
      %sub3A_1870 = arith.constant 1 : i32
      %sub3A_1871 = vector.broadcast %sub3A_1870 : i32 to vector<16xi32>
      %sub3A_1872 = arith.subi %div3A_1845, %sub3A_1871 : vector<16xi32>
      %select_n3A_1873 = arith.select %and3A_1869, %sub3A_1872, %div3A_1845 : vector<16xi1>, vector<16xi32>
      %jit3A_1874 = arith.constant 26 : i32
      %eq3A_1875 = arith.constant 0 : i32
      %eq3A_1876 = arith.cmpi eq, %jit3A_1874, %eq3A_1875 : i32
      %jit3A_1877 = arith.constant 1 : i32
      %select_n3A_1878 = arith.select %eq3A_1876, %jit3A_1877, %jit3A_1874 : i32
      %rem3A_1879 = vector.broadcast %select_n3A_1878 : i32 to vector<16xi32>
      %rem3A_1880 = arith.remsi %add3A_1840, %rem3A_1879 : vector<16xi32>
      %ne3A_1881 = arith.constant 0 : i32
      %ne3A_1882 = vector.broadcast %ne3A_1881 : i32 to vector<16xi32>
      %ne3A_1883 = arith.cmpi ne, %rem3A_1880, %ne3A_1882 : vector<16xi32>
      %lt3A_1884 = arith.constant 0 : i32
      %lt3A_1885 = vector.broadcast %lt3A_1884 : i32 to vector<16xi32>
      %lt3A_1886 = arith.cmpi slt, %rem3A_1880, %lt3A_1885 : vector<16xi32>
      %lt3A_1887 = arith.constant 0 : i32
      %lt3A_1888 = arith.cmpi slt, %select_n3A_1878, %lt3A_1887 : i32
      %ne3A_1889 = vector.broadcast %lt3A_1888 : i1 to vector<16xi1>
      %ne3A_1890 = vector.broadcast %ne3A_1889 : vector<16xi1> to vector<16xi1>
      %ne3A_1891 = arith.xori %lt3A_1886, %ne3A_1890 : vector<16xi1>
      %and3A_1892 = arith.andi %ne3A_1891, %ne3A_1883 : vector<16xi1>
      %add3A_1893 = vector.broadcast %select_n3A_1878 : i32 to vector<16xi32>
      %add3A_1894 = arith.addi %rem3A_1880, %add3A_1893 : vector<16xi32>
      %select_n3A_1895 = arith.select %and3A_1892, %add3A_1894, %rem3A_1880 : vector<16xi1>, vector<16xi32>
      %mul3A_1896 = arith.constant 100 : i32
      %mul3A_1897 = vector.broadcast %mul3A_1896 : i32 to vector<16xi32>
      %mul3A_1898 = arith.muli %select_n3A_1895, %mul3A_1897 : vector<16xi32>
      %add3A_1899 = arith.addi %mul3A_1898, %get3A_1842 : vector<16xi32>
      tpu.vector_store_idx %arg5[%select_n3A_1873, %add3A_1899], %broadcast_in_dim3A_3 : memref<16x2600xi32, #tpu.memory_space<vmem>>[vector<16xi32>, vector<16xi32>], vector<16xi32>,
      %iota3A_1900 = tpu.iota {dimensions = array<i32: 0>} : vector<16xi32>
      %add3A_1901 = arith.constant 64 : i32
      %add3A_1902 = vector.broadcast %add3A_1901 : i32 to vector<16xi32>
      %add3A_1903 = arith.addi %add3A_1902, %iota3A_1900 : vector<16xi32>
      %get3A_1904 = arith.constant 64 : index
      %get3A_1905 = tpu.vector_load %arg6[%get3A_1904] {strides = array<i32>} : memref<416xi32, #tpu.memory_space<vmem>>, vector<16xi32>,
      %jit3A_1906 = arith.constant 26 : i32
      %div3A_1907 = vector.broadcast %jit3A_1906 : i32 to vector<16xi32>
      %div3A_1908 = arith.divsi %add3A_1903, %div3A_1907 : vector<16xi32>
      %sign3A_1909 = arith.constant 0 : i32
      %sign3A_1910 = vector.broadcast %sign3A_1909 : i32 to vector<16xi32>
      %sign3A_1911 = arith.cmpi sgt, %add3A_1903, %sign3A_1910 : vector<16xi32>
      %sign3A_1912 = arith.extui %sign3A_1911 : vector<16xi1> to vector<16xi32>
      %sign3A_1913 = arith.constant 0 : i32
      %sign3A_1914 = vector.broadcast %sign3A_1913 : i32 to vector<16xi32>
      %sign3A_1915 = arith.cmpi slt, %add3A_1903, %sign3A_1914 : vector<16xi32>
      %sign3A_1916 = arith.extui %sign3A_1915 : vector<16xi1> to vector<16xi32>
      %sign3A_1917 = arith.subi %sign3A_1912, %sign3A_1916 : vector<16xi32>
      %sign3A_1918 = arith.constant 0 : i32
      %sign3A_1919 = arith.cmpi sgt, %jit3A_1906, %sign3A_1918 : i32
      %sign3A_1920 = arith.extui %sign3A_1919 : i1 to i32
      %sign3A_1921 = arith.constant 0 : i32
      %sign3A_1922 = arith.cmpi slt, %jit3A_1906, %sign3A_1921 : i32
      %sign3A_1923 = arith.extui %sign3A_1922 : i1 to i32
      %sign3A_1924 = arith.subi %sign3A_1920, %sign3A_1923 : i32
      %ne3A_1925 = vector.broadcast %sign3A_1924 : i32 to vector<16xi32>
      %ne3A_1926 = arith.cmpi ne, %sign3A_1917, %ne3A_1925 : vector<16xi32>
      %rem3A_1927 = vector.broadcast %jit3A_1906 : i32 to vector<16xi32>
      %rem3A_1928 = arith.remsi %add3A_1903, %rem3A_1927 : vector<16xi32>
      %ne3A_1929 = arith.constant 0 : i32
      %ne3A_1930 = vector.broadcast %ne3A_1929 : i32 to vector<16xi32>
      %ne3A_1931 = arith.cmpi ne, %rem3A_1928, %ne3A_1930 : vector<16xi32>
      %and3A_1932 = arith.andi %ne3A_1926, %ne3A_1931 : vector<16xi1>
      %sub3A_1933 = arith.constant 1 : i32
      %sub3A_1934 = vector.broadcast %sub3A_1933 : i32 to vector<16xi32>
      %sub3A_1935 = arith.subi %div3A_1908, %sub3A_1934 : vector<16xi32>
      %select_n3A_1936 = arith.select %and3A_1932, %sub3A_1935, %div3A_1908 : vector<16xi1>, vector<16xi32>
      %jit3A_1937 = arith.constant 26 : i32
      %eq3A_1938 = arith.constant 0 : i32
      %eq3A_1939 = arith.cmpi eq, %jit3A_1937, %eq3A_1938 : i32
      %jit3A_1940 = arith.constant 1 : i32
      %select_n3A_1941 = arith.select %eq3A_1939, %jit3A_1940, %jit3A_1937 : i32
      %rem3A_1942 = vector.broadcast %select_n3A_1941 : i32 to vector<16xi32>
      %rem3A_1943 = arith.remsi %add3A_1903, %rem3A_1942 : vector<16xi32>
      %ne3A_1944 = arith.constant 0 : i32
      %ne3A_1945 = vector.broadcast %ne3A_1944 : i32 to vector<16xi32>
      %ne3A_1946 = arith.cmpi ne, %rem3A_1943, %ne3A_1945 : vector<16xi32>
      %lt3A_1947 = arith.constant 0 : i32
      %lt3A_1948 = vector.broadcast %lt3A_1947 : i32 to vector<16xi32>
      %lt3A_1949 = arith.cmpi slt, %rem3A_1943, %lt3A_1948 : vector<16xi32>
      %lt3A_1950 = arith.constant 0 : i32
      %lt3A_1951 = arith.cmpi slt, %select_n3A_1941, %lt3A_1950 : i32
      %ne3A_1952 = vector.broadcast %lt3A_1951 : i1 to vector<16xi1>
      %ne3A_1953 = vector.broadcast %ne3A_1952 : vector<16xi1> to vector<16xi1>
      %ne3A_1954 = arith.xori %lt3A_1949, %ne3A_1953 : vector<16xi1>
      %and3A_1955 = arith.andi %ne3A_1954, %ne3A_1946 : vector<16xi1>
      %add3A_1956 = vector.broadcast %select_n3A_1941 : i32 to vector<16xi32>
      %add3A_1957 = arith.addi %rem3A_1943, %add3A_1956 : vector<16xi32>
      %select_n3A_1958 = arith.select %and3A_1955, %add3A_1957, %rem3A_1943 : vector<16xi1>, vector<16xi32>
      %mul3A_1959 = arith.constant 100 : i32
      %mul3A_1960 = vector.broadcast %mul3A_1959 : i32 to vector<16xi32>
      %mul3A_1961 = arith.muli %select_n3A_1958, %mul3A_1960 : vector<16xi32>
      %add3A_1962 = arith.addi %mul3A_1961, %get3A_1905 : vector<16xi32>
      tpu.vector_store_idx %arg5[%select_n3A_1936, %add3A_1962], %broadcast_in_dim3A_3 : memref<16x2600xi32, #tpu.memory_space<vmem>>[vector<16xi32>, vector<16xi32>], vector<16xi32>,
      %iota3A_1963 = tpu.iota {dimensions = array<i32: 0>} : vector<16xi32>
      %add3A_1964 = arith.constant 80 : i32
      %add3A_1965 = vector.broadcast %add3A_1964 : i32 to vector<16xi32>
      %add3A_1966 = arith.addi %add3A_1965, %iota3A_1963 : vector<16xi32>
      %get3A_1967 = arith.constant 80 : index
      %get3A_1968 = tpu.vector_load %arg6[%get3A_1967] {strides = array<i32>} : memref<416xi32, #tpu.memory_space<vmem>>, vector<16xi32>,
      %jit3A_1969 = arith.constant 26 : i32
      %div3A_1970 = vector.broadcast %jit3A_1969 : i32 to vector<16xi32>
      %div3A_1971 = arith.divsi %add3A_1966, %div3A_1970 : vector<16xi32>
      %sign3A_1972 = arith.constant 0 : i32
      %sign3A_1973 = vector.broadcast %sign3A_1972 : i32 to vector<16xi32>
      %sign3A_1974 = arith.cmpi sgt, %add3A_1966, %sign3A_1973 : vector<16xi32>
      %sign3A_1975 = arith.extui %sign3A_1974 : vector<16xi1> to vector<16xi32>
      %sign3A_1976 = arith.constant 0 : i32
      %sign3A_1977 = vector.broadcast %sign3A_1976 : i32 to vector<16xi32>
      %sign3A_1978 = arith.cmpi slt, %add3A_1966, %sign3A_1977 : vector<16xi32>
      %sign3A_1979 = arith.extui %sign3A_1978 : vector<16xi1> to vector<16xi32>
      %sign3A_1980 = arith.subi %sign3A_1975, %sign3A_1979 : vector<16xi32>
      %sign3A_1981 = arith.constant 0 : i32
      %sign3A_1982 = arith.cmpi sgt, %jit3A_1969, %sign3A_1981 : i32
      %sign3A_1983 = arith.extui %sign3A_1982 : i1 to i32
      %sign3A_1984 = arith.constant 0 : i32
      %sign3A_1985 = arith.cmpi slt, %jit3A_1969, %sign3A_1984 : i32
      %sign3A_1986 = arith.extui %sign3A_1985 : i1 to i32
      %sign3A_1987 = arith.subi %sign3A_1983, %sign3A_1986 : i32
      %ne3A_1988 = vector.broadcast %sign3A_1987 : i32 to vector<16xi32>
      %ne3A_1989 = arith.cmpi ne, %sign3A_1980, %ne3A_1988 : vector<16xi32>
      %rem3A_1990 = vector.broadcast %jit3A_1969 : i32 to vector<16xi32>
      %rem3A_1991 = arith.remsi %add3A_1966, %rem3A_1990 : vector<16xi32>
      %ne3A_1992 = arith.constant 0 : i32
      %ne3A_1993 = vector.broadcast %ne3A_1992 : i32 to vector<16xi32>
      %ne3A_1994 = arith.cmpi ne, %rem3A_1991, %ne3A_1993 : vector<16xi32>
      %and3A_1995 = arith.andi %ne3A_1989, %ne3A_1994 : vector<16xi1>
      %sub3A_1996 = arith.constant 1 : i32
      %sub3A_1997 = vector.broadcast %sub3A_1996 : i32 to vector<16xi32>
      %sub3A_1998 = arith.subi %div3A_1971, %sub3A_1997 : vector<16xi32>
      %select_n3A_1999 = arith.select %and3A_1995, %sub3A_1998, %div3A_1971 : vector<16xi1>, vector<16xi32>
      %jit3A_2000 = arith.constant 26 : i32
      %eq3A_2001 = arith.constant 0 : i32
      %eq3A_2002 = arith.cmpi eq, %jit3A_2000, %eq3A_2001 : i32
      %jit3A_2003 = arith.constant 1 : i32
      %select_n3A_2004 = arith.select %eq3A_2002, %jit3A_2003, %jit3A_2000 : i32
      %rem3A_2005 = vector.broadcast %select_n3A_2004 : i32 to vector<16xi32>
      %rem3A_2006 = arith.remsi %add3A_1966, %rem3A_2005 : vector<16xi32>
      %ne3A_2007 = arith.constant 0 : i32
      %ne3A_2008 = vector.broadcast %ne3A_2007 : i32 to vector<16xi32>
      %ne3A_2009 = arith.cmpi ne, %rem3A_2006, %ne3A_2008 : vector<16xi32>
      %lt3A_2010 = arith.constant 0 : i32
      %lt3A_2011 = vector.broadcast %lt3A_2010 : i32 to vector<16xi32>
      %lt3A_2012 = arith.cmpi slt, %rem3A_2006, %lt3A_2011 : vector<16xi32>
      %lt3A_2013 = arith.constant 0 : i32
      %lt3A_2014 = arith.cmpi slt, %select_n3A_2004, %lt3A_2013 : i32
      %ne3A_2015 = vector.broadcast %lt3A_2014 : i1 to vector<16xi1>
      %ne3A_2016 = vector.broadcast %ne3A_2015 : vector<16xi1> to vector<16xi1>
      %ne3A_2017 = arith.xori %lt3A_2012, %ne3A_2016 : vector<16xi1>
      %and3A_2018 = arith.andi %ne3A_2017, %ne3A_2009 : vector<16xi1>
      %add3A_2019 = vector.broadcast %select_n3A_2004 : i32 to vector<16xi32>
      %add3A_2020 = arith.addi %rem3A_2006, %add3A_2019 : vector<16xi32>
      %select_n3A_2021 = arith.select %and3A_2018, %add3A_2020, %rem3A_2006 : vector<16xi1>, vector<16xi32>
      %mul3A_2022 = arith.constant 100 : i32
      %mul3A_2023 = vector.broadcast %mul3A_2022 : i32 to vector<16xi32>
      %mul3A_2024 = arith.muli %select_n3A_2021, %mul3A_2023 : vector<16xi32>
      %add3A_2025 = arith.addi %mul3A_2024, %get3A_1968 : vector<16xi32>
      tpu.vector_store_idx %arg5[%select_n3A_1999, %add3A_2025], %broadcast_in_dim3A_3 : memref<16x2600xi32, #tpu.memory_space<vmem>>[vector<16xi32>, vector<16xi32>], vector<16xi32>,
      %iota3A_2026 = tpu.iota {dimensions = array<i32: 0>} : vector<16xi32>
      %add3A_2027 = arith.constant 96 : i32
      %add3A_2028 = vector.broadcast %add3A_2027 : i32 to vector<16xi32>
      %add3A_2029 = arith.addi %add3A_2028, %iota3A_2026 : vector<16xi32>
      %get3A_2030 = arith.constant 96 : index
      %get3A_2031 = tpu.vector_load %arg6[%get3A_2030] {strides = array<i32>} : memref<416xi32, #tpu.memory_space<vmem>>, vector<16xi32>,
      %jit3A_2032 = arith.constant 26 : i32
      %div3A_2033 = vector.broadcast %jit3A_2032 : i32 to vector<16xi32>
      %div3A_2034 = arith.divsi %add3A_2029, %div3A_2033 : vector<16xi32>
      %sign3A_2035 = arith.constant 0 : i32
      %sign3A_2036 = vector.broadcast %sign3A_2035 : i32 to vector<16xi32>
      %sign3A_2037 = arith.cmpi sgt, %add3A_2029, %sign3A_2036 : vector<16xi32>
      %sign3A_2038 = arith.extui %sign3A_2037 : vector<16xi1> to vector<16xi32>
      %sign3A_2039 = arith.constant 0 : i32
      %sign3A_2040 = vector.broadcast %sign3A_2039 : i32 to vector<16xi32>
      %sign3A_2041 = arith.cmpi slt, %add3A_2029, %sign3A_2040 : vector<16xi32>
      %sign3A_2042 = arith.extui %sign3A_2041 : vector<16xi1> to vector<16xi32>
      %sign3A_2043 = arith.subi %sign3A_2038, %sign3A_2042 : vector<16xi32>
      %sign3A_2044 = arith.constant 0 : i32
      %sign3A_2045 = arith.cmpi sgt, %jit3A_2032, %sign3A_2044 : i32
      %sign3A_2046 = arith.extui %sign3A_2045 : i1 to i32
      %sign3A_2047 = arith.constant 0 : i32
      %sign3A_2048 = arith.cmpi slt, %jit3A_2032, %sign3A_2047 : i32
      %sign3A_2049 = arith.extui %sign3A_2048 : i1 to i32
      %sign3A_2050 = arith.subi %sign3A_2046, %sign3A_2049 : i32
      %ne3A_2051 = vector.broadcast %sign3A_2050 : i32 to vector<16xi32>
      %ne3A_2052 = arith.cmpi ne, %sign3A_2043, %ne3A_2051 : vector<16xi32>
      %rem3A_2053 = vector.broadcast %jit3A_2032 : i32 to vector<16xi32>
      %rem3A_2054 = arith.remsi %add3A_2029, %rem3A_2053 : vector<16xi32>
      %ne3A_2055 = arith.constant 0 : i32
      %ne3A_2056 = vector.broadcast %ne3A_2055 : i32 to vector<16xi32>
      %ne3A_2057 = arith.cmpi ne, %rem3A_2054, %ne3A_2056 : vector<16xi32>
      %and3A_2058 = arith.andi %ne3A_2052, %ne3A_2057 : vector<16xi1>
      %sub3A_2059 = arith.constant 1 : i32
      %sub3A_2060 = vector.broadcast %sub3A_2059 : i32 to vector<16xi32>
      %sub3A_2061 = arith.subi %div3A_2034, %sub3A_2060 : vector<16xi32>
      %select_n3A_2062 = arith.select %and3A_2058, %sub3A_2061, %div3A_2034 : vector<16xi1>, vector<16xi32>
      %jit3A_2063 = arith.constant 26 : i32
      %eq3A_2064 = arith.constant 0 : i32
      %eq3A_2065 = arith.cmpi eq, %jit3A_2063, %eq3A_2064 : i32
      %jit3A_2066 = arith.constant 1 : i32
      %select_n3A_2067 = arith.select %eq3A_2065, %jit3A_2066, %jit3A_2063 : i32
      %rem3A_2068 = vector.broadcast %select_n3A_2067 : i32 to vector<16xi32>
      %rem3A_2069 = arith.remsi %add3A_2029, %rem3A_2068 : vector<16xi32>
      %ne3A_2070 = arith.constant 0 : i32
      %ne3A_2071 = vector.broadcast %ne3A_2070 : i32 to vector<16xi32>
      %ne3A_2072 = arith.cmpi ne, %rem3A_2069, %ne3A_2071 : vector<16xi32>
      %lt3A_2073 = arith.constant 0 : i32
      %lt3A_2074 = vector.broadcast %lt3A_2073 : i32 to vector<16xi32>
      %lt3A_2075 = arith.cmpi slt, %rem3A_2069, %lt3A_2074 : vector<16xi32>
      %lt3A_2076 = arith.constant 0 : i32
      %lt3A_2077 = arith.cmpi slt, %select_n3A_2067, %lt3A_2076 : i32
      %ne3A_2078 = vector.broadcast %lt3A_2077 : i1 to vector<16xi1>
      %ne3A_2079 = vector.broadcast %ne3A_2078 : vector<16xi1> to vector<16xi1>
      %ne3A_2080 = arith.xori %lt3A_2075, %ne3A_2079 : vector<16xi1>
      %and3A_2081 = arith.andi %ne3A_2080, %ne3A_2072 : vector<16xi1>
      %add3A_2082 = vector.broadcast %select_n3A_2067 : i32 to vector<16xi32>
      %add3A_2083 = arith.addi %rem3A_2069, %add3A_2082 : vector<16xi32>
      %select_n3A_2084 = arith.select %and3A_2081, %add3A_2083, %rem3A_2069 : vector<16xi1>, vector<16xi32>
      %mul3A_2085 = arith.constant 100 : i32
      %mul3A_2086 = vector.broadcast %mul3A_2085 : i32 to vector<16xi32>
      %mul3A_2087 = arith.muli %select_n3A_2084, %mul3A_2086 : vector<16xi32>
      %add3A_2088 = arith.addi %mul3A_2087, %get3A_2031 : vector<16xi32>
      tpu.vector_store_idx %arg5[%select_n3A_2062, %add3A_2088], %broadcast_in_dim3A_3 : memref<16x2600xi32, #tpu.memory_space<vmem>>[vector<16xi32>, vector<16xi32>], vector<16xi32>,
      %iota3A_2089 = tpu.iota {dimensions = array<i32: 0>} : vector<16xi32>
      %add3A_2090 = arith.constant 112 : i32
      %add3A_2091 = vector.broadcast %add3A_2090 : i32 to vector<16xi32>
      %add3A_2092 = arith.addi %add3A_2091, %iota3A_2089 : vector<16xi32>
      %get3A_2093 = arith.constant 112 : index
      %get3A_2094 = tpu.vector_load %arg6[%get3A_2093] {strides = array<i32>} : memref<416xi32, #tpu.memory_space<vmem>>, vector<16xi32>,
      %jit3A_2095 = arith.constant 26 : i32
      %div3A_2096 = vector.broadcast %jit3A_2095 : i32 to vector<16xi32>
      %div3A_2097 = arith.divsi %add3A_2092, %div3A_2096 : vector<16xi32>
      %sign3A_2098 = arith.constant 0 : i32
      %sign3A_2099 = vector.broadcast %sign3A_2098 : i32 to vector<16xi32>
      %sign3A_2100 = arith.cmpi sgt, %add3A_2092, %sign3A_2099 : vector<16xi32>
      %sign3A_2101 = arith.extui %sign3A_2100 : vector<16xi1> to vector<16xi32>
      %sign3A_2102 = arith.constant 0 : i32
      %sign3A_2103 = vector.broadcast %sign3A_2102 : i32 to vector<16xi32>
      %sign3A_2104 = arith.cmpi slt, %add3A_2092, %sign3A_2103 : vector<16xi32>
      %sign3A_2105 = arith.extui %sign3A_2104 : vector<16xi1> to vector<16xi32>
      %sign3A_2106 = arith.subi %sign3A_2101, %sign3A_2105 : vector<16xi32>
      %sign3A_2107 = arith.constant 0 : i32
      %sign3A_2108 = arith.cmpi sgt, %jit3A_2095, %sign3A_2107 : i32
      %sign3A_2109 = arith.extui %sign3A_2108 : i1 to i32
      %sign3A_2110 = arith.constant 0 : i32
      %sign3A_2111 = arith.cmpi slt, %jit3A_2095, %sign3A_2110 : i32
      %sign3A_2112 = arith.extui %sign3A_2111 : i1 to i32
      %sign3A_2113 = arith.subi %sign3A_2109, %sign3A_2112 : i32
      %ne3A_2114 = vector.broadcast %sign3A_2113 : i32 to vector<16xi32>
      %ne3A_2115 = arith.cmpi ne, %sign3A_2106, %ne3A_2114 : vector<16xi32>
      %rem3A_2116 = vector.broadcast %jit3A_2095 : i32 to vector<16xi32>
      %rem3A_2117 = arith.remsi %add3A_2092, %rem3A_2116 : vector<16xi32>
      %ne3A_2118 = arith.constant 0 : i32
      %ne3A_2119 = vector.broadcast %ne3A_2118 : i32 to vector<16xi32>
      %ne3A_2120 = arith.cmpi ne, %rem3A_2117, %ne3A_2119 : vector<16xi32>
      %and3A_2121 = arith.andi %ne3A_2115, %ne3A_2120 : vector<16xi1>
      %sub3A_2122 = arith.constant 1 : i32
      %sub3A_2123 = vector.broadcast %sub3A_2122 : i32 to vector<16xi32>
      %sub3A_2124 = arith.subi %div3A_2097, %sub3A_2123 : vector<16xi32>
      %select_n3A_2125 = arith.select %and3A_2121, %sub3A_2124, %div3A_2097 : vector<16xi1>, vector<16xi32>
      %jit3A_2126 = arith.constant 26 : i32
      %eq3A_2127 = arith.constant 0 : i32
      %eq3A_2128 = arith.cmpi eq, %jit3A_2126, %eq3A_2127 : i32
      %jit3A_2129 = arith.constant 1 : i32
      %select_n3A_2130 = arith.select %eq3A_2128, %jit3A_2129, %jit3A_2126 : i32
      %rem3A_2131 = vector.broadcast %select_n3A_2130 : i32 to vector<16xi32>
      %rem3A_2132 = arith.remsi %add3A_2092, %rem3A_2131 : vector<16xi32>
      %ne3A_2133 = arith.constant 0 : i32
      %ne3A_2134 = vector.broadcast %ne3A_2133 : i32 to vector<16xi32>
      %ne3A_2135 = arith.cmpi ne, %rem3A_2132, %ne3A_2134 : vector<16xi32>
      %lt3A_2136 = arith.constant 0 : i32
      %lt3A_2137 = vector.broadcast %lt3A_2136 : i32 to vector<16xi32>
      %lt3A_2138 = arith.cmpi slt, %rem3A_2132, %lt3A_2137 : vector<16xi32>
      %lt3A_2139 = arith.constant 0 : i32
      %lt3A_2140 = arith.cmpi slt, %select_n3A_2130, %lt3A_2139 : i32
      %ne3A_2141 = vector.broadcast %lt3A_2140 : i1 to vector<16xi1>
      %ne3A_2142 = vector.broadcast %ne3A_2141 : vector<16xi1> to vector<16xi1>
      %ne3A_2143 = arith.xori %lt3A_2138, %ne3A_2142 : vector<16xi1>
      %and3A_2144 = arith.andi %ne3A_2143, %ne3A_2135 : vector<16xi1>
      %add3A_2145 = vector.broadcast %select_n3A_2130 : i32 to vector<16xi32>
      %add3A_2146 = arith.addi %rem3A_2132, %add3A_2145 : vector<16xi32>
      %select_n3A_2147 = arith.select %and3A_2144, %add3A_2146, %rem3A_2132 : vector<16xi1>, vector<16xi32>
      %mul3A_2148 = arith.constant 100 : i32
      %mul3A_2149 = vector.broadcast %mul3A_2148 : i32 to vector<16xi32>
      %mul3A_2150 = arith.muli %select_n3A_2147, %mul3A_2149 : vector<16xi32>
      %add3A_2151 = arith.addi %mul3A_2150, %get3A_2094 : vector<16xi32>
      tpu.vector_store_idx %arg5[%select_n3A_2125, %add3A_2151], %broadcast_in_dim3A_3 : memref<16x2600xi32, #tpu.memory_space<vmem>>[vector<16xi32>, vector<16xi32>], vector<16xi32>,
      %iota3A_2152 = tpu.iota {dimensions = array<i32: 0>} : vector<16xi32>
      %add3A_2153 = arith.constant 128 : i32
      %add3A_2154 = vector.broadcast %add3A_2153 : i32 to vector<16xi32>
      %add3A_2155 = arith.addi %add3A_2154, %iota3A_2152 : vector<16xi32>
      %get3A_2156 = arith.constant 128 : index
      %get3A_2157 = tpu.vector_load %arg6[%get3A_2156] {strides = array<i32>} : memref<416xi32, #tpu.memory_space<vmem>>, vector<16xi32>,
      %jit3A_2158 = arith.constant 26 : i32
      %div3A_2159 = vector.broadcast %jit3A_2158 : i32 to vector<16xi32>
      %div3A_2160 = arith.divsi %add3A_2155, %div3A_2159 : vector<16xi32>
      %sign3A_2161 = arith.constant 0 : i32
      %sign3A_2162 = vector.broadcast %sign3A_2161 : i32 to vector<16xi32>
      %sign3A_2163 = arith.cmpi sgt, %add3A_2155, %sign3A_2162 : vector<16xi32>
      %sign3A_2164 = arith.extui %sign3A_2163 : vector<16xi1> to vector<16xi32>
      %sign3A_2165 = arith.constant 0 : i32
      %sign3A_2166 = vector.broadcast %sign3A_2165 : i32 to vector<16xi32>
      %sign3A_2167 = arith.cmpi slt, %add3A_2155, %sign3A_2166 : vector<16xi32>
      %sign3A_2168 = arith.extui %sign3A_2167 : vector<16xi1> to vector<16xi32>
      %sign3A_2169 = arith.subi %sign3A_2164, %sign3A_2168 : vector<16xi32>
      %sign3A_2170 = arith.constant 0 : i32
      %sign3A_2171 = arith.cmpi sgt, %jit3A_2158, %sign3A_2170 : i32
      %sign3A_2172 = arith.extui %sign3A_2171 : i1 to i32
      %sign3A_2173 = arith.constant 0 : i32
      %sign3A_2174 = arith.cmpi slt, %jit3A_2158, %sign3A_2173 : i32
      %sign3A_2175 = arith.extui %sign3A_2174 : i1 to i32
      %sign3A_2176 = arith.subi %sign3A_2172, %sign3A_2175 : i32
      %ne3A_2177 = vector.broadcast %sign3A_2176 : i32 to vector<16xi32>
      %ne3A_2178 = arith.cmpi ne, %sign3A_2169, %ne3A_2177 : vector<16xi32>
      %rem3A_2179 = vector.broadcast %jit3A_2158 : i32 to vector<16xi32>
      %rem3A_2180 = arith.remsi %add3A_2155, %rem3A_2179 : vector<16xi32>
      %ne3A_2181 = arith.constant 0 : i32
      %ne3A_2182 = vector.broadcast %ne3A_2181 : i32 to vector<16xi32>
      %ne3A_2183 = arith.cmpi ne, %rem3A_2180, %ne3A_2182 : vector<16xi32>
      %and3A_2184 = arith.andi %ne3A_2178, %ne3A_2183 : vector<16xi1>
      %sub3A_2185 = arith.constant 1 : i32
      %sub3A_2186 = vector.broadcast %sub3A_2185 : i32 to vector<16xi32>
      %sub3A_2187 = arith.subi %div3A_2160, %sub3A_2186 : vector<16xi32>
      %select_n3A_2188 = arith.select %and3A_2184, %sub3A_2187, %div3A_2160 : vector<16xi1>, vector<16xi32>
      %jit3A_2189 = arith.constant 26 : i32
      %eq3A_2190 = arith.constant 0 : i32
      %eq3A_2191 = arith.cmpi eq, %jit3A_2189, %eq3A_2190 : i32
      %jit3A_2192 = arith.constant 1 : i32
      %select_n3A_2193 = arith.select %eq3A_2191, %jit3A_2192, %jit3A_2189 : i32
      %rem3A_2194 = vector.broadcast %select_n3A_2193 : i32 to vector<16xi32>
      %rem3A_2195 = arith.remsi %add3A_2155, %rem3A_2194 : vector<16xi32>
      %ne3A_2196 = arith.constant 0 : i32
      %ne3A_2197 = vector.broadcast %ne3A_2196 : i32 to vector<16xi32>
      %ne3A_2198 = arith.cmpi ne, %rem3A_2195, %ne3A_2197 : vector<16xi32>
      %lt3A_2199 = arith.constant 0 : i32
      %lt3A_2200 = vector.broadcast %lt3A_2199 : i32 to vector<16xi32>
      %lt3A_2201 = arith.cmpi slt, %rem3A_2195, %lt3A_2200 : vector<16xi32>
      %lt3A_2202 = arith.constant 0 : i32
      %lt3A_2203 = arith.cmpi slt, %select_n3A_2193, %lt3A_2202 : i32
      %ne3A_2204 = vector.broadcast %lt3A_2203 : i1 to vector<16xi1>
      %ne3A_2205 = vector.broadcast %ne3A_2204 : vector<16xi1> to vector<16xi1>
      %ne3A_2206 = arith.xori %lt3A_2201, %ne3A_2205 : vector<16xi1>
      %and3A_2207 = arith.andi %ne3A_2206, %ne3A_2198 : vector<16xi1>
      %add3A_2208 = vector.broadcast %select_n3A_2193 : i32 to vector<16xi32>
      %add3A_2209 = arith.addi %rem3A_2195, %add3A_2208 : vector<16xi32>
      %select_n3A_2210 = arith.select %and3A_2207, %add3A_2209, %rem3A_2195 : vector<16xi1>, vector<16xi32>
      %mul3A_2211 = arith.constant 100 : i32
      %mul3A_2212 = vector.broadcast %mul3A_2211 : i32 to vector<16xi32>
      %mul3A_2213 = arith.muli %select_n3A_2210, %mul3A_2212 : vector<16xi32>
      %add3A_2214 = arith.addi %mul3A_2213, %get3A_2157 : vector<16xi32>
      tpu.vector_store_idx %arg5[%select_n3A_2188, %add3A_2214], %broadcast_in_dim3A_3 : memref<16x2600xi32, #tpu.memory_space<vmem>>[vector<16xi32>, vector<16xi32>], vector<16xi32>,
      %iota3A_2215 = tpu.iota {dimensions = array<i32: 0>} : vector<16xi32>
      %add3A_2216 = arith.constant 144 : i32
      %add3A_2217 = vector.broadcast %add3A_2216 : i32 to vector<16xi32>
      %add3A_2218 = arith.addi %add3A_2217, %iota3A_2215 : vector<16xi32>
      %get3A_2219 = arith.constant 144 : index
      %get3A_2220 = tpu.vector_load %arg6[%get3A_2219] {strides = array<i32>} : memref<416xi32, #tpu.memory_space<vmem>>, vector<16xi32>,
      %jit3A_2221 = arith.constant 26 : i32
      %div3A_2222 = vector.broadcast %jit3A_2221 : i32 to vector<16xi32>
      %div3A_2223 = arith.divsi %add3A_2218, %div3A_2222 : vector<16xi32>
      %sign3A_2224 = arith.constant 0 : i32
      %sign3A_2225 = vector.broadcast %sign3A_2224 : i32 to vector<16xi32>
      %sign3A_2226 = arith.cmpi sgt, %add3A_2218, %sign3A_2225 : vector<16xi32>
      %sign3A_2227 = arith.extui %sign3A_2226 : vector<16xi1> to vector<16xi32>
      %sign3A_2228 = arith.constant 0 : i32
      %sign3A_2229 = vector.broadcast %sign3A_2228 : i32 to vector<16xi32>
      %sign3A_2230 = arith.cmpi slt, %add3A_2218, %sign3A_2229 : vector<16xi32>
      %sign3A_2231 = arith.extui %sign3A_2230 : vector<16xi1> to vector<16xi32>
      %sign3A_2232 = arith.subi %sign3A_2227, %sign3A_2231 : vector<16xi32>
      %sign3A_2233 = arith.constant 0 : i32
      %sign3A_2234 = arith.cmpi sgt, %jit3A_2221, %sign3A_2233 : i32
      %sign3A_2235 = arith.extui %sign3A_2234 : i1 to i32
      %sign3A_2236 = arith.constant 0 : i32
      %sign3A_2237 = arith.cmpi slt, %jit3A_2221, %sign3A_2236 : i32
      %sign3A_2238 = arith.extui %sign3A_2237 : i1 to i32
      %sign3A_2239 = arith.subi %sign3A_2235, %sign3A_2238 : i32
      %ne3A_2240 = vector.broadcast %sign3A_2239 : i32 to vector<16xi32>
      %ne3A_2241 = arith.cmpi ne, %sign3A_2232, %ne3A_2240 : vector<16xi32>
      %rem3A_2242 = vector.broadcast %jit3A_2221 : i32 to vector<16xi32>
      %rem3A_2243 = arith.remsi %add3A_2218, %rem3A_2242 : vector<16xi32>
      %ne3A_2244 = arith.constant 0 : i32
      %ne3A_2245 = vector.broadcast %ne3A_2244 : i32 to vector<16xi32>
      %ne3A_2246 = arith.cmpi ne, %rem3A_2243, %ne3A_2245 : vector<16xi32>
      %and3A_2247 = arith.andi %ne3A_2241, %ne3A_2246 : vector<16xi1>
      %sub3A_2248 = arith.constant 1 : i32
      %sub3A_2249 = vector.broadcast %sub3A_2248 : i32 to vector<16xi32>
      %sub3A_2250 = arith.subi %div3A_2223, %sub3A_2249 : vector<16xi32>
      %select_n3A_2251 = arith.select %and3A_2247, %sub3A_2250, %div3A_2223 : vector<16xi1>, vector<16xi32>
      %jit3A_2252 = arith.constant 26 : i32
      %eq3A_2253 = arith.constant 0 : i32
      %eq3A_2254 = arith.cmpi eq, %jit3A_2252, %eq3A_2253 : i32
      %jit3A_2255 = arith.constant 1 : i32
      %select_n3A_2256 = arith.select %eq3A_2254, %jit3A_2255, %jit3A_2252 : i32
      %rem3A_2257 = vector.broadcast %select_n3A_2256 : i32 to vector<16xi32>
      %rem3A_2258 = arith.remsi %add3A_2218, %rem3A_2257 : vector<16xi32>
      %ne3A_2259 = arith.constant 0 : i32
      %ne3A_2260 = vector.broadcast %ne3A_2259 : i32 to vector<16xi32>
      %ne3A_2261 = arith.cmpi ne, %rem3A_2258, %ne3A_2260 : vector<16xi32>
      %lt3A_2262 = arith.constant 0 : i32
      %lt3A_2263 = vector.broadcast %lt3A_2262 : i32 to vector<16xi32>
      %lt3A_2264 = arith.cmpi slt, %rem3A_2258, %lt3A_2263 : vector<16xi32>
      %lt3A_2265 = arith.constant 0 : i32
      %lt3A_2266 = arith.cmpi slt, %select_n3A_2256, %lt3A_2265 : i32
      %ne3A_2267 = vector.broadcast %lt3A_2266 : i1 to vector<16xi1>
      %ne3A_2268 = vector.broadcast %ne3A_2267 : vector<16xi1> to vector<16xi1>
      %ne3A_2269 = arith.xori %lt3A_2264, %ne3A_2268 : vector<16xi1>
      %and3A_2270 = arith.andi %ne3A_2269, %ne3A_2261 : vector<16xi1>
      %add3A_2271 = vector.broadcast %select_n3A_2256 : i32 to vector<16xi32>
      %add3A_2272 = arith.addi %rem3A_2258, %add3A_2271 : vector<16xi32>
      %select_n3A_2273 = arith.select %and3A_2270, %add3A_2272, %rem3A_2258 : vector<16xi1>, vector<16xi32>
      %mul3A_2274 = arith.constant 100 : i32
      %mul3A_2275 = vector.broadcast %mul3A_2274 : i32 to vector<16xi32>
      %mul3A_2276 = arith.muli %select_n3A_2273, %mul3A_2275 : vector<16xi32>
      %add3A_2277 = arith.addi %mul3A_2276, %get3A_2220 : vector<16xi32>
      tpu.vector_store_idx %arg5[%select_n3A_2251, %add3A_2277], %broadcast_in_dim3A_3 : memref<16x2600xi32, #tpu.memory_space<vmem>>[vector<16xi32>, vector<16xi32>], vector<16xi32>,
      %iota3A_2278 = tpu.iota {dimensions = array<i32: 0>} : vector<16xi32>
      %add3A_2279 = arith.constant 160 : i32
      %add3A_2280 = vector.broadcast %add3A_2279 : i32 to vector<16xi32>
      %add3A_2281 = arith.addi %add3A_2280, %iota3A_2278 : vector<16xi32>
      %get3A_2282 = arith.constant 160 : index
      %get3A_2283 = tpu.vector_load %arg6[%get3A_2282] {strides = array<i32>} : memref<416xi32, #tpu.memory_space<vmem>>, vector<16xi32>,
      %jit3A_2284 = arith.constant 26 : i32
      %div3A_2285 = vector.broadcast %jit3A_2284 : i32 to vector<16xi32>
      %div3A_2286 = arith.divsi %add3A_2281, %div3A_2285 : vector<16xi32>
      %sign3A_2287 = arith.constant 0 : i32
      %sign3A_2288 = vector.broadcast %sign3A_2287 : i32 to vector<16xi32>
      %sign3A_2289 = arith.cmpi sgt, %add3A_2281, %sign3A_2288 : vector<16xi32>
      %sign3A_2290 = arith.extui %sign3A_2289 : vector<16xi1> to vector<16xi32>
      %sign3A_2291 = arith.constant 0 : i32
      %sign3A_2292 = vector.broadcast %sign3A_2291 : i32 to vector<16xi32>
      %sign3A_2293 = arith.cmpi slt, %add3A_2281, %sign3A_2292 : vector<16xi32>
      %sign3A_2294 = arith.extui %sign3A_2293 : vector<16xi1> to vector<16xi32>
      %sign3A_2295 = arith.subi %sign3A_2290, %sign3A_2294 : vector<16xi32>
      %sign3A_2296 = arith.constant 0 : i32
      %sign3A_2297 = arith.cmpi sgt, %jit3A_2284, %sign3A_2296 : i32
      %sign3A_2298 = arith.extui %sign3A_2297 : i1 to i32
      %sign3A_2299 = arith.constant 0 : i32
      %sign3A_2300 = arith.cmpi slt, %jit3A_2284, %sign3A_2299 : i32
      %sign3A_2301 = arith.extui %sign3A_2300 : i1 to i32
      %sign3A_2302 = arith.subi %sign3A_2298, %sign3A_2301 : i32
      %ne3A_2303 = vector.broadcast %sign3A_2302 : i32 to vector<16xi32>
      %ne3A_2304 = arith.cmpi ne, %sign3A_2295, %ne3A_2303 : vector<16xi32>
      %rem3A_2305 = vector.broadcast %jit3A_2284 : i32 to vector<16xi32>
      %rem3A_2306 = arith.remsi %add3A_2281, %rem3A_2305 : vector<16xi32>
      %ne3A_2307 = arith.constant 0 : i32
      %ne3A_2308 = vector.broadcast %ne3A_2307 : i32 to vector<16xi32>
      %ne3A_2309 = arith.cmpi ne, %rem3A_2306, %ne3A_2308 : vector<16xi32>
      %and3A_2310 = arith.andi %ne3A_2304, %ne3A_2309 : vector<16xi1>
      %sub3A_2311 = arith.constant 1 : i32
      %sub3A_2312 = vector.broadcast %sub3A_2311 : i32 to vector<16xi32>
      %sub3A_2313 = arith.subi %div3A_2286, %sub3A_2312 : vector<16xi32>
      %select_n3A_2314 = arith.select %and3A_2310, %sub3A_2313, %div3A_2286 : vector<16xi1>, vector<16xi32>
      %jit3A_2315 = arith.constant 26 : i32
      %eq3A_2316 = arith.constant 0 : i32
      %eq3A_2317 = arith.cmpi eq, %jit3A_2315, %eq3A_2316 : i32
      %jit3A_2318 = arith.constant 1 : i32
      %select_n3A_2319 = arith.select %eq3A_2317, %jit3A_2318, %jit3A_2315 : i32
      %rem3A_2320 = vector.broadcast %select_n3A_2319 : i32 to vector<16xi32>
      %rem3A_2321 = arith.remsi %add3A_2281, %rem3A_2320 : vector<16xi32>
      %ne3A_2322 = arith.constant 0 : i32
      %ne3A_2323 = vector.broadcast %ne3A_2322 : i32 to vector<16xi32>
      %ne3A_2324 = arith.cmpi ne, %rem3A_2321, %ne3A_2323 : vector<16xi32>
      %lt3A_2325 = arith.constant 0 : i32
      %lt3A_2326 = vector.broadcast %lt3A_2325 : i32 to vector<16xi32>
      %lt3A_2327 = arith.cmpi slt, %rem3A_2321, %lt3A_2326 : vector<16xi32>
      %lt3A_2328 = arith.constant 0 : i32
      %lt3A_2329 = arith.cmpi slt, %select_n3A_2319, %lt3A_2328 : i32
      %ne3A_2330 = vector.broadcast %lt3A_2329 : i1 to vector<16xi1>
      %ne3A_2331 = vector.broadcast %ne3A_2330 : vector<16xi1> to vector<16xi1>
      %ne3A_2332 = arith.xori %lt3A_2327, %ne3A_2331 : vector<16xi1>
      %and3A_2333 = arith.andi %ne3A_2332, %ne3A_2324 : vector<16xi1>
      %add3A_2334 = vector.broadcast %select_n3A_2319 : i32 to vector<16xi32>
      %add3A_2335 = arith.addi %rem3A_2321, %add3A_2334 : vector<16xi32>
      %select_n3A_2336 = arith.select %and3A_2333, %add3A_2335, %rem3A_2321 : vector<16xi1>, vector<16xi32>
      %mul3A_2337 = arith.constant 100 : i32
      %mul3A_2338 = vector.broadcast %mul3A_2337 : i32 to vector<16xi32>
      %mul3A_2339 = arith.muli %select_n3A_2336, %mul3A_2338 : vector<16xi32>
      %add3A_2340 = arith.addi %mul3A_2339, %get3A_2283 : vector<16xi32>
      tpu.vector_store_idx %arg5[%select_n3A_2314, %add3A_2340], %broadcast_in_dim3A_3 : memref<16x2600xi32, #tpu.memory_space<vmem>>[vector<16xi32>, vector<16xi32>], vector<16xi32>,
      %iota3A_2341 = tpu.iota {dimensions = array<i32: 0>} : vector<16xi32>
      %add3A_2342 = arith.constant 176 : i32
      %add3A_2343 = vector.broadcast %add3A_2342 : i32 to vector<16xi32>
      %add3A_2344 = arith.addi %add3A_2343, %iota3A_2341 : vector<16xi32>
      %get3A_2345 = arith.constant 176 : index
      %get3A_2346 = tpu.vector_load %arg6[%get3A_2345] {strides = array<i32>} : memref<416xi32, #tpu.memory_space<vmem>>, vector<16xi32>,
      %jit3A_2347 = arith.constant 26 : i32
      %div3A_2348 = vector.broadcast %jit3A_2347 : i32 to vector<16xi32>
      %div3A_2349 = arith.divsi %add3A_2344, %div3A_2348 : vector<16xi32>
      %sign3A_2350 = arith.constant 0 : i32
      %sign3A_2351 = vector.broadcast %sign3A_2350 : i32 to vector<16xi32>
      %sign3A_2352 = arith.cmpi sgt, %add3A_2344, %sign3A_2351 : vector<16xi32>
      %sign3A_2353 = arith.extui %sign3A_2352 : vector<16xi1> to vector<16xi32>
      %sign3A_2354 = arith.constant 0 : i32
      %sign3A_2355 = vector.broadcast %sign3A_2354 : i32 to vector<16xi32>
      %sign3A_2356 = arith.cmpi slt, %add3A_2344, %sign3A_2355 : vector<16xi32>
      %sign3A_2357 = arith.extui %sign3A_2356 : vector<16xi1> to vector<16xi32>
      %sign3A_2358 = arith.subi %sign3A_2353, %sign3A_2357 : vector<16xi32>
      %sign3A_2359 = arith.constant 0 : i32
      %sign3A_2360 = arith.cmpi sgt, %jit3A_2347, %sign3A_2359 : i32
      %sign3A_2361 = arith.extui %sign3A_2360 : i1 to i32
      %sign3A_2362 = arith.constant 0 : i32
      %sign3A_2363 = arith.cmpi slt, %jit3A_2347, %sign3A_2362 : i32
      %sign3A_2364 = arith.extui %sign3A_2363 : i1 to i32
      %sign3A_2365 = arith.subi %sign3A_2361, %sign3A_2364 : i32
      %ne3A_2366 = vector.broadcast %sign3A_2365 : i32 to vector<16xi32>
      %ne3A_2367 = arith.cmpi ne, %sign3A_2358, %ne3A_2366 : vector<16xi32>
      %rem3A_2368 = vector.broadcast %jit3A_2347 : i32 to vector<16xi32>
      %rem3A_2369 = arith.remsi %add3A_2344, %rem3A_2368 : vector<16xi32>
      %ne3A_2370 = arith.constant 0 : i32
      %ne3A_2371 = vector.broadcast %ne3A_2370 : i32 to vector<16xi32>
      %ne3A_2372 = arith.cmpi ne, %rem3A_2369, %ne3A_2371 : vector<16xi32>
      %and3A_2373 = arith.andi %ne3A_2367, %ne3A_2372 : vector<16xi1>
      %sub3A_2374 = arith.constant 1 : i32
      %sub3A_2375 = vector.broadcast %sub3A_2374 : i32 to vector<16xi32>
      %sub3A_2376 = arith.subi %div3A_2349, %sub3A_2375 : vector<16xi32>
      %select_n3A_2377 = arith.select %and3A_2373, %sub3A_2376, %div3A_2349 : vector<16xi1>, vector<16xi32>
      %jit3A_2378 = arith.constant 26 : i32
      %eq3A_2379 = arith.constant 0 : i32
      %eq3A_2380 = arith.cmpi eq, %jit3A_2378, %eq3A_2379 : i32
      %jit3A_2381 = arith.constant 1 : i32
      %select_n3A_2382 = arith.select %eq3A_2380, %jit3A_2381, %jit3A_2378 : i32
      %rem3A_2383 = vector.broadcast %select_n3A_2382 : i32 to vector<16xi32>
      %rem3A_2384 = arith.remsi %add3A_2344, %rem3A_2383 : vector<16xi32>
      %ne3A_2385 = arith.constant 0 : i32
      %ne3A_2386 = vector.broadcast %ne3A_2385 : i32 to vector<16xi32>
      %ne3A_2387 = arith.cmpi ne, %rem3A_2384, %ne3A_2386 : vector<16xi32>
      %lt3A_2388 = arith.constant 0 : i32
      %lt3A_2389 = vector.broadcast %lt3A_2388 : i32 to vector<16xi32>
      %lt3A_2390 = arith.cmpi slt, %rem3A_2384, %lt3A_2389 : vector<16xi32>
      %lt3A_2391 = arith.constant 0 : i32
      %lt3A_2392 = arith.cmpi slt, %select_n3A_2382, %lt3A_2391 : i32
      %ne3A_2393 = vector.broadcast %lt3A_2392 : i1 to vector<16xi1>
      %ne3A_2394 = vector.broadcast %ne3A_2393 : vector<16xi1> to vector<16xi1>
      %ne3A_2395 = arith.xori %lt3A_2390, %ne3A_2394 : vector<16xi1>
      %and3A_2396 = arith.andi %ne3A_2395, %ne3A_2387 : vector<16xi1>
      %add3A_2397 = vector.broadcast %select_n3A_2382 : i32 to vector<16xi32>
      %add3A_2398 = arith.addi %rem3A_2384, %add3A_2397 : vector<16xi32>
      %select_n3A_2399 = arith.select %and3A_2396, %add3A_2398, %rem3A_2384 : vector<16xi1>, vector<16xi32>
      %mul3A_2400 = arith.constant 100 : i32
      %mul3A_2401 = vector.broadcast %mul3A_2400 : i32 to vector<16xi32>
      %mul3A_2402 = arith.muli %select_n3A_2399, %mul3A_2401 : vector<16xi32>
      %add3A_2403 = arith.addi %mul3A_2402, %get3A_2346 : vector<16xi32>
      tpu.vector_store_idx %arg5[%select_n3A_2377, %add3A_2403], %broadcast_in_dim3A_3 : memref<16x2600xi32, #tpu.memory_space<vmem>>[vector<16xi32>, vector<16xi32>], vector<16xi32>,
      %iota3A_2404 = tpu.iota {dimensions = array<i32: 0>} : vector<16xi32>
      %add3A_2405 = arith.constant 192 : i32
      %add3A_2406 = vector.broadcast %add3A_2405 : i32 to vector<16xi32>
      %add3A_2407 = arith.addi %add3A_2406, %iota3A_2404 : vector<16xi32>
      %get3A_2408 = arith.constant 192 : index
      %get3A_2409 = tpu.vector_load %arg6[%get3A_2408] {strides = array<i32>} : memref<416xi32, #tpu.memory_space<vmem>>, vector<16xi32>,
      %jit3A_2410 = arith.constant 26 : i32
      %div3A_2411 = vector.broadcast %jit3A_2410 : i32 to vector<16xi32>
      %div3A_2412 = arith.divsi %add3A_2407, %div3A_2411 : vector<16xi32>
      %sign3A_2413 = arith.constant 0 : i32
      %sign3A_2414 = vector.broadcast %sign3A_2413 : i32 to vector<16xi32>
      %sign3A_2415 = arith.cmpi sgt, %add3A_2407, %sign3A_2414 : vector<16xi32>
      %sign3A_2416 = arith.extui %sign3A_2415 : vector<16xi1> to vector<16xi32>
      %sign3A_2417 = arith.constant 0 : i32
      %sign3A_2418 = vector.broadcast %sign3A_2417 : i32 to vector<16xi32>
      %sign3A_2419 = arith.cmpi slt, %add3A_2407, %sign3A_2418 : vector<16xi32>
      %sign3A_2420 = arith.extui %sign3A_2419 : vector<16xi1> to vector<16xi32>
      %sign3A_2421 = arith.subi %sign3A_2416, %sign3A_2420 : vector<16xi32>
      %sign3A_2422 = arith.constant 0 : i32
      %sign3A_2423 = arith.cmpi sgt, %jit3A_2410, %sign3A_2422 : i32
      %sign3A_2424 = arith.extui %sign3A_2423 : i1 to i32
      %sign3A_2425 = arith.constant 0 : i32
      %sign3A_2426 = arith.cmpi slt, %jit3A_2410, %sign3A_2425 : i32
      %sign3A_2427 = arith.extui %sign3A_2426 : i1 to i32
      %sign3A_2428 = arith.subi %sign3A_2424, %sign3A_2427 : i32
      %ne3A_2429 = vector.broadcast %sign3A_2428 : i32 to vector<16xi32>
      %ne3A_2430 = arith.cmpi ne, %sign3A_2421, %ne3A_2429 : vector<16xi32>
      %rem3A_2431 = vector.broadcast %jit3A_2410 : i32 to vector<16xi32>
      %rem3A_2432 = arith.remsi %add3A_2407, %rem3A_2431 : vector<16xi32>
      %ne3A_2433 = arith.constant 0 : i32
      %ne3A_2434 = vector.broadcast %ne3A_2433 : i32 to vector<16xi32>
      %ne3A_2435 = arith.cmpi ne, %rem3A_2432, %ne3A_2434 : vector<16xi32>
      %and3A_2436 = arith.andi %ne3A_2430, %ne3A_2435 : vector<16xi1>
      %sub3A_2437 = arith.constant 1 : i32
      %sub3A_2438 = vector.broadcast %sub3A_2437 : i32 to vector<16xi32>
      %sub3A_2439 = arith.subi %div3A_2412, %sub3A_2438 : vector<16xi32>
      %select_n3A_2440 = arith.select %and3A_2436, %sub3A_2439, %div3A_2412 : vector<16xi1>, vector<16xi32>
      %jit3A_2441 = arith.constant 26 : i32
      %eq3A_2442 = arith.constant 0 : i32
      %eq3A_2443 = arith.cmpi eq, %jit3A_2441, %eq3A_2442 : i32
      %jit3A_2444 = arith.constant 1 : i32
      %select_n3A_2445 = arith.select %eq3A_2443, %jit3A_2444, %jit3A_2441 : i32
      %rem3A_2446 = vector.broadcast %select_n3A_2445 : i32 to vector<16xi32>
      %rem3A_2447 = arith.remsi %add3A_2407, %rem3A_2446 : vector<16xi32>
      %ne3A_2448 = arith.constant 0 : i32
      %ne3A_2449 = vector.broadcast %ne3A_2448 : i32 to vector<16xi32>
      %ne3A_2450 = arith.cmpi ne, %rem3A_2447, %ne3A_2449 : vector<16xi32>
      %lt3A_2451 = arith.constant 0 : i32
      %lt3A_2452 = vector.broadcast %lt3A_2451 : i32 to vector<16xi32>
      %lt3A_2453 = arith.cmpi slt, %rem3A_2447, %lt3A_2452 : vector<16xi32>
      %lt3A_2454 = arith.constant 0 : i32
      %lt3A_2455 = arith.cmpi slt, %select_n3A_2445, %lt3A_2454 : i32
      %ne3A_2456 = vector.broadcast %lt3A_2455 : i1 to vector<16xi1>
      %ne3A_2457 = vector.broadcast %ne3A_2456 : vector<16xi1> to vector<16xi1>
      %ne3A_2458 = arith.xori %lt3A_2453, %ne3A_2457 : vector<16xi1>
      %and3A_2459 = arith.andi %ne3A_2458, %ne3A_2450 : vector<16xi1>
      %add3A_2460 = vector.broadcast %select_n3A_2445 : i32 to vector<16xi32>
      %add3A_2461 = arith.addi %rem3A_2447, %add3A_2460 : vector<16xi32>
      %select_n3A_2462 = arith.select %and3A_2459, %add3A_2461, %rem3A_2447 : vector<16xi1>, vector<16xi32>
      %mul3A_2463 = arith.constant 100 : i32
      %mul3A_2464 = vector.broadcast %mul3A_2463 : i32 to vector<16xi32>
      %mul3A_2465 = arith.muli %select_n3A_2462, %mul3A_2464 : vector<16xi32>
      %add3A_2466 = arith.addi %mul3A_2465, %get3A_2409 : vector<16xi32>
      tpu.vector_store_idx %arg5[%select_n3A_2440, %add3A_2466], %broadcast_in_dim3A_3 : memref<16x2600xi32, #tpu.memory_space<vmem>>[vector<16xi32>, vector<16xi32>], vector<16xi32>,
      %iota3A_2467 = tpu.iota {dimensions = array<i32: 0>} : vector<16xi32>
      %add3A_2468 = arith.constant 208 : i32
      %add3A_2469 = vector.broadcast %add3A_2468 : i32 to vector<16xi32>
      %add3A_2470 = arith.addi %add3A_2469, %iota3A_2467 : vector<16xi32>
      %get3A_2471 = arith.constant 208 : index
      %get3A_2472 = tpu.vector_load %arg6[%get3A_2471] {strides = array<i32>} : memref<416xi32, #tpu.memory_space<vmem>>, vector<16xi32>,
      %jit3A_2473 = arith.constant 26 : i32
      %div3A_2474 = vector.broadcast %jit3A_2473 : i32 to vector<16xi32>
      %div3A_2475 = arith.divsi %add3A_2470, %div3A_2474 : vector<16xi32>
      %sign3A_2476 = arith.constant 0 : i32
      %sign3A_2477 = vector.broadcast %sign3A_2476 : i32 to vector<16xi32>
      %sign3A_2478 = arith.cmpi sgt, %add3A_2470, %sign3A_2477 : vector<16xi32>
      %sign3A_2479 = arith.extui %sign3A_2478 : vector<16xi1> to vector<16xi32>
      %sign3A_2480 = arith.constant 0 : i32
      %sign3A_2481 = vector.broadcast %sign3A_2480 : i32 to vector<16xi32>
      %sign3A_2482 = arith.cmpi slt, %add3A_2470, %sign3A_2481 : vector<16xi32>
      %sign3A_2483 = arith.extui %sign3A_2482 : vector<16xi1> to vector<16xi32>
      %sign3A_2484 = arith.subi %sign3A_2479, %sign3A_2483 : vector<16xi32>
      %sign3A_2485 = arith.constant 0 : i32
      %sign3A_2486 = arith.cmpi sgt, %jit3A_2473, %sign3A_2485 : i32
      %sign3A_2487 = arith.extui %sign3A_2486 : i1 to i32
      %sign3A_2488 = arith.constant 0 : i32
      %sign3A_2489 = arith.cmpi slt, %jit3A_2473, %sign3A_2488 : i32
      %sign3A_2490 = arith.extui %sign3A_2489 : i1 to i32
      %sign3A_2491 = arith.subi %sign3A_2487, %sign3A_2490 : i32
      %ne3A_2492 = vector.broadcast %sign3A_2491 : i32 to vector<16xi32>
      %ne3A_2493 = arith.cmpi ne, %sign3A_2484, %ne3A_2492 : vector<16xi32>
      %rem3A_2494 = vector.broadcast %jit3A_2473 : i32 to vector<16xi32>
      %rem3A_2495 = arith.remsi %add3A_2470, %rem3A_2494 : vector<16xi32>
      %ne3A_2496 = arith.constant 0 : i32
      %ne3A_2497 = vector.broadcast %ne3A_2496 : i32 to vector<16xi32>
      %ne3A_2498 = arith.cmpi ne, %rem3A_2495, %ne3A_2497 : vector<16xi32>
      %and3A_2499 = arith.andi %ne3A_2493, %ne3A_2498 : vector<16xi1>
      %sub3A_2500 = arith.constant 1 : i32
      %sub3A_2501 = vector.broadcast %sub3A_2500 : i32 to vector<16xi32>
      %sub3A_2502 = arith.subi %div3A_2475, %sub3A_2501 : vector<16xi32>
      %select_n3A_2503 = arith.select %and3A_2499, %sub3A_2502, %div3A_2475 : vector<16xi1>, vector<16xi32>
      %jit3A_2504 = arith.constant 26 : i32
      %eq3A_2505 = arith.constant 0 : i32
      %eq3A_2506 = arith.cmpi eq, %jit3A_2504, %eq3A_2505 : i32
      %jit3A_2507 = arith.constant 1 : i32
      %select_n3A_2508 = arith.select %eq3A_2506, %jit3A_2507, %jit3A_2504 : i32
      %rem3A_2509 = vector.broadcast %select_n3A_2508 : i32 to vector<16xi32>
      %rem3A_2510 = arith.remsi %add3A_2470, %rem3A_2509 : vector<16xi32>
      %ne3A_2511 = arith.constant 0 : i32
      %ne3A_2512 = vector.broadcast %ne3A_2511 : i32 to vector<16xi32>
      %ne3A_2513 = arith.cmpi ne, %rem3A_2510, %ne3A_2512 : vector<16xi32>
      %lt3A_2514 = arith.constant 0 : i32
      %lt3A_2515 = vector.broadcast %lt3A_2514 : i32 to vector<16xi32>
      %lt3A_2516 = arith.cmpi slt, %rem3A_2510, %lt3A_2515 : vector<16xi32>
      %lt3A_2517 = arith.constant 0 : i32
      %lt3A_2518 = arith.cmpi slt, %select_n3A_2508, %lt3A_2517 : i32
      %ne3A_2519 = vector.broadcast %lt3A_2518 : i1 to vector<16xi1>
      %ne3A_2520 = vector.broadcast %ne3A_2519 : vector<16xi1> to vector<16xi1>
      %ne3A_2521 = arith.xori %lt3A_2516, %ne3A_2520 : vector<16xi1>
      %and3A_2522 = arith.andi %ne3A_2521, %ne3A_2513 : vector<16xi1>
      %add3A_2523 = vector.broadcast %select_n3A_2508 : i32 to vector<16xi32>
      %add3A_2524 = arith.addi %rem3A_2510, %add3A_2523 : vector<16xi32>
      %select_n3A_2525 = arith.select %and3A_2522, %add3A_2524, %rem3A_2510 : vector<16xi1>, vector<16xi32>
      %mul3A_2526 = arith.constant 100 : i32
      %mul3A_2527 = vector.broadcast %mul3A_2526 : i32 to vector<16xi32>
      %mul3A_2528 = arith.muli %select_n3A_2525, %mul3A_2527 : vector<16xi32>
      %add3A_2529 = arith.addi %mul3A_2528, %get3A_2472 : vector<16xi32>
      tpu.vector_store_idx %arg5[%select_n3A_2503, %add3A_2529], %broadcast_in_dim3A_3 : memref<16x2600xi32, #tpu.memory_space<vmem>>[vector<16xi32>, vector<16xi32>], vector<16xi32>,
      %iota3A_2530 = tpu.iota {dimensions = array<i32: 0>} : vector<16xi32>
      %add3A_2531 = arith.constant 224 : i32
      %add3A_2532 = vector.broadcast %add3A_2531 : i32 to vector<16xi32>
      %add3A_2533 = arith.addi %add3A_2532, %iota3A_2530 : vector<16xi32>
      %get3A_2534 = arith.constant 224 : index
      %get3A_2535 = tpu.vector_load %arg6[%get3A_2534] {strides = array<i32>} : memref<416xi32, #tpu.memory_space<vmem>>, vector<16xi32>,
      %jit3A_2536 = arith.constant 26 : i32
      %div3A_2537 = vector.broadcast %jit3A_2536 : i32 to vector<16xi32>
      %div3A_2538 = arith.divsi %add3A_2533, %div3A_2537 : vector<16xi32>
      %sign3A_2539 = arith.constant 0 : i32
      %sign3A_2540 = vector.broadcast %sign3A_2539 : i32 to vector<16xi32>
      %sign3A_2541 = arith.cmpi sgt, %add3A_2533, %sign3A_2540 : vector<16xi32>
      %sign3A_2542 = arith.extui %sign3A_2541 : vector<16xi1> to vector<16xi32>
      %sign3A_2543 = arith.constant 0 : i32
      %sign3A_2544 = vector.broadcast %sign3A_2543 : i32 to vector<16xi32>
      %sign3A_2545 = arith.cmpi slt, %add3A_2533, %sign3A_2544 : vector<16xi32>
      %sign3A_2546 = arith.extui %sign3A_2545 : vector<16xi1> to vector<16xi32>
      %sign3A_2547 = arith.subi %sign3A_2542, %sign3A_2546 : vector<16xi32>
      %sign3A_2548 = arith.constant 0 : i32
      %sign3A_2549 = arith.cmpi sgt, %jit3A_2536, %sign3A_2548 : i32
      %sign3A_2550 = arith.extui %sign3A_2549 : i1 to i32
      %sign3A_2551 = arith.constant 0 : i32
      %sign3A_2552 = arith.cmpi slt, %jit3A_2536, %sign3A_2551 : i32
      %sign3A_2553 = arith.extui %sign3A_2552 : i1 to i32
      %sign3A_2554 = arith.subi %sign3A_2550, %sign3A_2553 : i32
      %ne3A_2555 = vector.broadcast %sign3A_2554 : i32 to vector<16xi32>
      %ne3A_2556 = arith.cmpi ne, %sign3A_2547, %ne3A_2555 : vector<16xi32>
      %rem3A_2557 = vector.broadcast %jit3A_2536 : i32 to vector<16xi32>
      %rem3A_2558 = arith.remsi %add3A_2533, %rem3A_2557 : vector<16xi32>
      %ne3A_2559 = arith.constant 0 : i32
      %ne3A_2560 = vector.broadcast %ne3A_2559 : i32 to vector<16xi32>
      %ne3A_2561 = arith.cmpi ne, %rem3A_2558, %ne3A_2560 : vector<16xi32>
      %and3A_2562 = arith.andi %ne3A_2556, %ne3A_2561 : vector<16xi1>
      %sub3A_2563 = arith.constant 1 : i32
      %sub3A_2564 = vector.broadcast %sub3A_2563 : i32 to vector<16xi32>
      %sub3A_2565 = arith.subi %div3A_2538, %sub3A_2564 : vector<16xi32>
      %select_n3A_2566 = arith.select %and3A_2562, %sub3A_2565, %div3A_2538 : vector<16xi1>, vector<16xi32>
      %jit3A_2567 = arith.constant 26 : i32
      %eq3A_2568 = arith.constant 0 : i32
      %eq3A_2569 = arith.cmpi eq, %jit3A_2567, %eq3A_2568 : i32
      %jit3A_2570 = arith.constant 1 : i32
      %select_n3A_2571 = arith.select %eq3A_2569, %jit3A_2570, %jit3A_2567 : i32
      %rem3A_2572 = vector.broadcast %select_n3A_2571 : i32 to vector<16xi32>
      %rem3A_2573 = arith.remsi %add3A_2533, %rem3A_2572 : vector<16xi32>
      %ne3A_2574 = arith.constant 0 : i32
      %ne3A_2575 = vector.broadcast %ne3A_2574 : i32 to vector<16xi32>
      %ne3A_2576 = arith.cmpi ne, %rem3A_2573, %ne3A_2575 : vector<16xi32>
      %lt3A_2577 = arith.constant 0 : i32
      %lt3A_2578 = vector.broadcast %lt3A_2577 : i32 to vector<16xi32>
      %lt3A_2579 = arith.cmpi slt, %rem3A_2573, %lt3A_2578 : vector<16xi32>
      %lt3A_2580 = arith.constant 0 : i32
      %lt3A_2581 = arith.cmpi slt, %select_n3A_2571, %lt3A_2580 : i32
      %ne3A_2582 = vector.broadcast %lt3A_2581 : i1 to vector<16xi1>
      %ne3A_2583 = vector.broadcast %ne3A_2582 : vector<16xi1> to vector<16xi1>
      %ne3A_2584 = arith.xori %lt3A_2579, %ne3A_2583 : vector<16xi1>
      %and3A_2585 = arith.andi %ne3A_2584, %ne3A_2576 : vector<16xi1>
      %add3A_2586 = vector.broadcast %select_n3A_2571 : i32 to vector<16xi32>
      %add3A_2587 = arith.addi %rem3A_2573, %add3A_2586 : vector<16xi32>
      %select_n3A_2588 = arith.select %and3A_2585, %add3A_2587, %rem3A_2573 : vector<16xi1>, vector<16xi32>
      %mul3A_2589 = arith.constant 100 : i32
      %mul3A_2590 = vector.broadcast %mul3A_2589 : i32 to vector<16xi32>
      %mul3A_2591 = arith.muli %select_n3A_2588, %mul3A_2590 : vector<16xi32>
      %add3A_2592 = arith.addi %mul3A_2591, %get3A_2535 : vector<16xi32>
      tpu.vector_store_idx %arg5[%select_n3A_2566, %add3A_2592], %broadcast_in_dim3A_3 : memref<16x2600xi32, #tpu.memory_space<vmem>>[vector<16xi32>, vector<16xi32>], vector<16xi32>,
      %iota3A_2593 = tpu.iota {dimensions = array<i32: 0>} : vector<16xi32>
      %add3A_2594 = arith.constant 240 : i32
      %add3A_2595 = vector.broadcast %add3A_2594 : i32 to vector<16xi32>
      %add3A_2596 = arith.addi %add3A_2595, %iota3A_2593 : vector<16xi32>
      %get3A_2597 = arith.constant 240 : index
      %get3A_2598 = tpu.vector_load %arg6[%get3A_2597] {strides = array<i32>} : memref<416xi32, #tpu.memory_space<vmem>>, vector<16xi32>,
      %jit3A_2599 = arith.constant 26 : i32
      %div3A_2600 = vector.broadcast %jit3A_2599 : i32 to vector<16xi32>
      %div3A_2601 = arith.divsi %add3A_2596, %div3A_2600 : vector<16xi32>
      %sign3A_2602 = arith.constant 0 : i32
      %sign3A_2603 = vector.broadcast %sign3A_2602 : i32 to vector<16xi32>
      %sign3A_2604 = arith.cmpi sgt, %add3A_2596, %sign3A_2603 : vector<16xi32>
      %sign3A_2605 = arith.extui %sign3A_2604 : vector<16xi1> to vector<16xi32>
      %sign3A_2606 = arith.constant 0 : i32
      %sign3A_2607 = vector.broadcast %sign3A_2606 : i32 to vector<16xi32>
      %sign3A_2608 = arith.cmpi slt, %add3A_2596, %sign3A_2607 : vector<16xi32>
      %sign3A_2609 = arith.extui %sign3A_2608 : vector<16xi1> to vector<16xi32>
      %sign3A_2610 = arith.subi %sign3A_2605, %sign3A_2609 : vector<16xi32>
      %sign3A_2611 = arith.constant 0 : i32
      %sign3A_2612 = arith.cmpi sgt, %jit3A_2599, %sign3A_2611 : i32
      %sign3A_2613 = arith.extui %sign3A_2612 : i1 to i32
      %sign3A_2614 = arith.constant 0 : i32
      %sign3A_2615 = arith.cmpi slt, %jit3A_2599, %sign3A_2614 : i32
      %sign3A_2616 = arith.extui %sign3A_2615 : i1 to i32
      %sign3A_2617 = arith.subi %sign3A_2613, %sign3A_2616 : i32
      %ne3A_2618 = vector.broadcast %sign3A_2617 : i32 to vector<16xi32>
      %ne3A_2619 = arith.cmpi ne, %sign3A_2610, %ne3A_2618 : vector<16xi32>
      %rem3A_2620 = vector.broadcast %jit3A_2599 : i32 to vector<16xi32>
      %rem3A_2621 = arith.remsi %add3A_2596, %rem3A_2620 : vector<16xi32>
      %ne3A_2622 = arith.constant 0 : i32
      %ne3A_2623 = vector.broadcast %ne3A_2622 : i32 to vector<16xi32>
      %ne3A_2624 = arith.cmpi ne, %rem3A_2621, %ne3A_2623 : vector<16xi32>
      %and3A_2625 = arith.andi %ne3A_2619, %ne3A_2624 : vector<16xi1>
      %sub3A_2626 = arith.constant 1 : i32
      %sub3A_2627 = vector.broadcast %sub3A_2626 : i32 to vector<16xi32>
      %sub3A_2628 = arith.subi %div3A_2601, %sub3A_2627 : vector<16xi32>
      %select_n3A_2629 = arith.select %and3A_2625, %sub3A_2628, %div3A_2601 : vector<16xi1>, vector<16xi32>
      %jit3A_2630 = arith.constant 26 : i32
      %eq3A_2631 = arith.constant 0 : i32
      %eq3A_2632 = arith.cmpi eq, %jit3A_2630, %eq3A_2631 : i32
      %jit3A_2633 = arith.constant 1 : i32
      %select_n3A_2634 = arith.select %eq3A_2632, %jit3A_2633, %jit3A_2630 : i32
      %rem3A_2635 = vector.broadcast %select_n3A_2634 : i32 to vector<16xi32>
      %rem3A_2636 = arith.remsi %add3A_2596, %rem3A_2635 : vector<16xi32>
      %ne3A_2637 = arith.constant 0 : i32
      %ne3A_2638 = vector.broadcast %ne3A_2637 : i32 to vector<16xi32>
      %ne3A_2639 = arith.cmpi ne, %rem3A_2636, %ne3A_2638 : vector<16xi32>
      %lt3A_2640 = arith.constant 0 : i32
      %lt3A_2641 = vector.broadcast %lt3A_2640 : i32 to vector<16xi32>
      %lt3A_2642 = arith.cmpi slt, %rem3A_2636, %lt3A_2641 : vector<16xi32>
      %lt3A_2643 = arith.constant 0 : i32
      %lt3A_2644 = arith.cmpi slt, %select_n3A_2634, %lt3A_2643 : i32
      %ne3A_2645 = vector.broadcast %lt3A_2644 : i1 to vector<16xi1>
      %ne3A_2646 = vector.broadcast %ne3A_2645 : vector<16xi1> to vector<16xi1>
      %ne3A_2647 = arith.xori %lt3A_2642, %ne3A_2646 : vector<16xi1>
      %and3A_2648 = arith.andi %ne3A_2647, %ne3A_2639 : vector<16xi1>
      %add3A_2649 = vector.broadcast %select_n3A_2634 : i32 to vector<16xi32>
      %add3A_2650 = arith.addi %rem3A_2636, %add3A_2649 : vector<16xi32>
      %select_n3A_2651 = arith.select %and3A_2648, %add3A_2650, %rem3A_2636 : vector<16xi1>, vector<16xi32>
      %mul3A_2652 = arith.constant 100 : i32
      %mul3A_2653 = vector.broadcast %mul3A_2652 : i32 to vector<16xi32>
      %mul3A_2654 = arith.muli %select_n3A_2651, %mul3A_2653 : vector<16xi32>
      %add3A_2655 = arith.addi %mul3A_2654, %get3A_2598 : vector<16xi32>
      tpu.vector_store_idx %arg5[%select_n3A_2629, %add3A_2655], %broadcast_in_dim3A_3 : memref<16x2600xi32, #tpu.memory_space<vmem>>[vector<16xi32>, vector<16xi32>], vector<16xi32>,
      %iota3A_2656 = tpu.iota {dimensions = array<i32: 0>} : vector<16xi32>
      %add3A_2657 = arith.constant 256 : i32
      %add3A_2658 = vector.broadcast %add3A_2657 : i32 to vector<16xi32>
      %add3A_2659 = arith.addi %add3A_2658, %iota3A_2656 : vector<16xi32>
      %get3A_2660 = arith.constant 256 : index
      %get3A_2661 = tpu.vector_load %arg6[%get3A_2660] {strides = array<i32>} : memref<416xi32, #tpu.memory_space<vmem>>, vector<16xi32>,
      %jit3A_2662 = arith.constant 26 : i32
      %div3A_2663 = vector.broadcast %jit3A_2662 : i32 to vector<16xi32>
      %div3A_2664 = arith.divsi %add3A_2659, %div3A_2663 : vector<16xi32>
      %sign3A_2665 = arith.constant 0 : i32
      %sign3A_2666 = vector.broadcast %sign3A_2665 : i32 to vector<16xi32>
      %sign3A_2667 = arith.cmpi sgt, %add3A_2659, %sign3A_2666 : vector<16xi32>
      %sign3A_2668 = arith.extui %sign3A_2667 : vector<16xi1> to vector<16xi32>
      %sign3A_2669 = arith.constant 0 : i32
      %sign3A_2670 = vector.broadcast %sign3A_2669 : i32 to vector<16xi32>
      %sign3A_2671 = arith.cmpi slt, %add3A_2659, %sign3A_2670 : vector<16xi32>
      %sign3A_2672 = arith.extui %sign3A_2671 : vector<16xi1> to vector<16xi32>
      %sign3A_2673 = arith.subi %sign3A_2668, %sign3A_2672 : vector<16xi32>
      %sign3A_2674 = arith.constant 0 : i32
      %sign3A_2675 = arith.cmpi sgt, %jit3A_2662, %sign3A_2674 : i32
      %sign3A_2676 = arith.extui %sign3A_2675 : i1 to i32
      %sign3A_2677 = arith.constant 0 : i32
      %sign3A_2678 = arith.cmpi slt, %jit3A_2662, %sign3A_2677 : i32
      %sign3A_2679 = arith.extui %sign3A_2678 : i1 to i32
      %sign3A_2680 = arith.subi %sign3A_2676, %sign3A_2679 : i32
      %ne3A_2681 = vector.broadcast %sign3A_2680 : i32 to vector<16xi32>
      %ne3A_2682 = arith.cmpi ne, %sign3A_2673, %ne3A_2681 : vector<16xi32>
      %rem3A_2683 = vector.broadcast %jit3A_2662 : i32 to vector<16xi32>
      %rem3A_2684 = arith.remsi %add3A_2659, %rem3A_2683 : vector<16xi32>
      %ne3A_2685 = arith.constant 0 : i32
      %ne3A_2686 = vector.broadcast %ne3A_2685 : i32 to vector<16xi32>
      %ne3A_2687 = arith.cmpi ne, %rem3A_2684, %ne3A_2686 : vector<16xi32>
      %and3A_2688 = arith.andi %ne3A_2682, %ne3A_2687 : vector<16xi1>
      %sub3A_2689 = arith.constant 1 : i32
      %sub3A_2690 = vector.broadcast %sub3A_2689 : i32 to vector<16xi32>
      %sub3A_2691 = arith.subi %div3A_2664, %sub3A_2690 : vector<16xi32>
      %select_n3A_2692 = arith.select %and3A_2688, %sub3A_2691, %div3A_2664 : vector<16xi1>, vector<16xi32>
      %jit3A_2693 = arith.constant 26 : i32
      %eq3A_2694 = arith.constant 0 : i32
      %eq3A_2695 = arith.cmpi eq, %jit3A_2693, %eq3A_2694 : i32
      %jit3A_2696 = arith.constant 1 : i32
      %select_n3A_2697 = arith.select %eq3A_2695, %jit3A_2696, %jit3A_2693 : i32
      %rem3A_2698 = vector.broadcast %select_n3A_2697 : i32 to vector<16xi32>
      %rem3A_2699 = arith.remsi %add3A_2659, %rem3A_2698 : vector<16xi32>
      %ne3A_2700 = arith.constant 0 : i32
      %ne3A_2701 = vector.broadcast %ne3A_2700 : i32 to vector<16xi32>
      %ne3A_2702 = arith.cmpi ne, %rem3A_2699, %ne3A_2701 : vector<16xi32>
      %lt3A_2703 = arith.constant 0 : i32
      %lt3A_2704 = vector.broadcast %lt3A_2703 : i32 to vector<16xi32>
      %lt3A_2705 = arith.cmpi slt, %rem3A_2699, %lt3A_2704 : vector<16xi32>
      %lt3A_2706 = arith.constant 0 : i32
      %lt3A_2707 = arith.cmpi slt, %select_n3A_2697, %lt3A_2706 : i32
      %ne3A_2708 = vector.broadcast %lt3A_2707 : i1 to vector<16xi1>
      %ne3A_2709 = vector.broadcast %ne3A_2708 : vector<16xi1> to vector<16xi1>
      %ne3A_2710 = arith.xori %lt3A_2705, %ne3A_2709 : vector<16xi1>
      %and3A_2711 = arith.andi %ne3A_2710, %ne3A_2702 : vector<16xi1>
      %add3A_2712 = vector.broadcast %select_n3A_2697 : i32 to vector<16xi32>
      %add3A_2713 = arith.addi %rem3A_2699, %add3A_2712 : vector<16xi32>
      %select_n3A_2714 = arith.select %and3A_2711, %add3A_2713, %rem3A_2699 : vector<16xi1>, vector<16xi32>
      %mul3A_2715 = arith.constant 100 : i32
      %mul3A_2716 = vector.broadcast %mul3A_2715 : i32 to vector<16xi32>
      %mul3A_2717 = arith.muli %select_n3A_2714, %mul3A_2716 : vector<16xi32>
      %add3A_2718 = arith.addi %mul3A_2717, %get3A_2661 : vector<16xi32>
      tpu.vector_store_idx %arg5[%select_n3A_2692, %add3A_2718], %broadcast_in_dim3A_3 : memref<16x2600xi32, #tpu.memory_space<vmem>>[vector<16xi32>, vector<16xi32>], vector<16xi32>,
      %iota3A_2719 = tpu.iota {dimensions = array<i32: 0>} : vector<16xi32>
      %add3A_2720 = arith.constant 272 : i32
      %add3A_2721 = vector.broadcast %add3A_2720 : i32 to vector<16xi32>
      %add3A_2722 = arith.addi %add3A_2721, %iota3A_2719 : vector<16xi32>
      %get3A_2723 = arith.constant 272 : index
      %get3A_2724 = tpu.vector_load %arg6[%get3A_2723] {strides = array<i32>} : memref<416xi32, #tpu.memory_space<vmem>>, vector<16xi32>,
      %jit3A_2725 = arith.constant 26 : i32
      %div3A_2726 = vector.broadcast %jit3A_2725 : i32 to vector<16xi32>
      %div3A_2727 = arith.divsi %add3A_2722, %div3A_2726 : vector<16xi32>
      %sign3A_2728 = arith.constant 0 : i32
      %sign3A_2729 = vector.broadcast %sign3A_2728 : i32 to vector<16xi32>
      %sign3A_2730 = arith.cmpi sgt, %add3A_2722, %sign3A_2729 : vector<16xi32>
      %sign3A_2731 = arith.extui %sign3A_2730 : vector<16xi1> to vector<16xi32>
      %sign3A_2732 = arith.constant 0 : i32
      %sign3A_2733 = vector.broadcast %sign3A_2732 : i32 to vector<16xi32>
      %sign3A_2734 = arith.cmpi slt, %add3A_2722, %sign3A_2733 : vector<16xi32>
      %sign3A_2735 = arith.extui %sign3A_2734 : vector<16xi1> to vector<16xi32>
      %sign3A_2736 = arith.subi %sign3A_2731, %sign3A_2735 : vector<16xi32>
      %sign3A_2737 = arith.constant 0 : i32
      %sign3A_2738 = arith.cmpi sgt, %jit3A_2725, %sign3A_2737 : i32
      %sign3A_2739 = arith.extui %sign3A_2738 : i1 to i32
      %sign3A_2740 = arith.constant 0 : i32
      %sign3A_2741 = arith.cmpi slt, %jit3A_2725, %sign3A_2740 : i32
      %sign3A_2742 = arith.extui %sign3A_2741 : i1 to i32
      %sign3A_2743 = arith.subi %sign3A_2739, %sign3A_2742 : i32
      %ne3A_2744 = vector.broadcast %sign3A_2743 : i32 to vector<16xi32>
      %ne3A_2745 = arith.cmpi ne, %sign3A_2736, %ne3A_2744 : vector<16xi32>
      %rem3A_2746 = vector.broadcast %jit3A_2725 : i32 to vector<16xi32>
      %rem3A_2747 = arith.remsi %add3A_2722, %rem3A_2746 : vector<16xi32>
      %ne3A_2748 = arith.constant 0 : i32
      %ne3A_2749 = vector.broadcast %ne3A_2748 : i32 to vector<16xi32>
      %ne3A_2750 = arith.cmpi ne, %rem3A_2747, %ne3A_2749 : vector<16xi32>
      %and3A_2751 = arith.andi %ne3A_2745, %ne3A_2750 : vector<16xi1>
      %sub3A_2752 = arith.constant 1 : i32
      %sub3A_2753 = vector.broadcast %sub3A_2752 : i32 to vector<16xi32>
      %sub3A_2754 = arith.subi %div3A_2727, %sub3A_2753 : vector<16xi32>
      %select_n3A_2755 = arith.select %and3A_2751, %sub3A_2754, %div3A_2727 : vector<16xi1>, vector<16xi32>
      %jit3A_2756 = arith.constant 26 : i32
      %eq3A_2757 = arith.constant 0 : i32
      %eq3A_2758 = arith.cmpi eq, %jit3A_2756, %eq3A_2757 : i32
      %jit3A_2759 = arith.constant 1 : i32
      %select_n3A_2760 = arith.select %eq3A_2758, %jit3A_2759, %jit3A_2756 : i32
      %rem3A_2761 = vector.broadcast %select_n3A_2760 : i32 to vector<16xi32>
      %rem3A_2762 = arith.remsi %add3A_2722, %rem3A_2761 : vector<16xi32>
      %ne3A_2763 = arith.constant 0 : i32
      %ne3A_2764 = vector.broadcast %ne3A_2763 : i32 to vector<16xi32>
      %ne3A_2765 = arith.cmpi ne, %rem3A_2762, %ne3A_2764 : vector<16xi32>
      %lt3A_2766 = arith.constant 0 : i32
      %lt3A_2767 = vector.broadcast %lt3A_2766 : i32 to vector<16xi32>
      %lt3A_2768 = arith.cmpi slt, %rem3A_2762, %lt3A_2767 : vector<16xi32>
      %lt3A_2769 = arith.constant 0 : i32
      %lt3A_2770 = arith.cmpi slt, %select_n3A_2760, %lt3A_2769 : i32
      %ne3A_2771 = vector.broadcast %lt3A_2770 : i1 to vector<16xi1>
      %ne3A_2772 = vector.broadcast %ne3A_2771 : vector<16xi1> to vector<16xi1>
      %ne3A_2773 = arith.xori %lt3A_2768, %ne3A_2772 : vector<16xi1>
      %and3A_2774 = arith.andi %ne3A_2773, %ne3A_2765 : vector<16xi1>
      %add3A_2775 = vector.broadcast %select_n3A_2760 : i32 to vector<16xi32>
      %add3A_2776 = arith.addi %rem3A_2762, %add3A_2775 : vector<16xi32>
      %select_n3A_2777 = arith.select %and3A_2774, %add3A_2776, %rem3A_2762 : vector<16xi1>, vector<16xi32>
      %mul3A_2778 = arith.constant 100 : i32
      %mul3A_2779 = vector.broadcast %mul3A_2778 : i32 to vector<16xi32>
      %mul3A_2780 = arith.muli %select_n3A_2777, %mul3A_2779 : vector<16xi32>
      %add3A_2781 = arith.addi %mul3A_2780, %get3A_2724 : vector<16xi32>
      tpu.vector_store_idx %arg5[%select_n3A_2755, %add3A_2781], %broadcast_in_dim3A_3 : memref<16x2600xi32, #tpu.memory_space<vmem>>[vector<16xi32>, vector<16xi32>], vector<16xi32>,
      %iota3A_2782 = tpu.iota {dimensions = array<i32: 0>} : vector<16xi32>
      %add3A_2783 = arith.constant 288 : i32
      %add3A_2784 = vector.broadcast %add3A_2783 : i32 to vector<16xi32>
      %add3A_2785 = arith.addi %add3A_2784, %iota3A_2782 : vector<16xi32>
      %get3A_2786 = arith.constant 288 : index
      %get3A_2787 = tpu.vector_load %arg6[%get3A_2786] {strides = array<i32>} : memref<416xi32, #tpu.memory_space<vmem>>, vector<16xi32>,
      %jit3A_2788 = arith.constant 26 : i32
      %div3A_2789 = vector.broadcast %jit3A_2788 : i32 to vector<16xi32>
      %div3A_2790 = arith.divsi %add3A_2785, %div3A_2789 : vector<16xi32>
      %sign3A_2791 = arith.constant 0 : i32
      %sign3A_2792 = vector.broadcast %sign3A_2791 : i32 to vector<16xi32>
      %sign3A_2793 = arith.cmpi sgt, %add3A_2785, %sign3A_2792 : vector<16xi32>
      %sign3A_2794 = arith.extui %sign3A_2793 : vector<16xi1> to vector<16xi32>
      %sign3A_2795 = arith.constant 0 : i32
      %sign3A_2796 = vector.broadcast %sign3A_2795 : i32 to vector<16xi32>
      %sign3A_2797 = arith.cmpi slt, %add3A_2785, %sign3A_2796 : vector<16xi32>
      %sign3A_2798 = arith.extui %sign3A_2797 : vector<16xi1> to vector<16xi32>
      %sign3A_2799 = arith.subi %sign3A_2794, %sign3A_2798 : vector<16xi32>
      %sign3A_2800 = arith.constant 0 : i32
      %sign3A_2801 = arith.cmpi sgt, %jit3A_2788, %sign3A_2800 : i32
      %sign3A_2802 = arith.extui %sign3A_2801 : i1 to i32
      %sign3A_2803 = arith.constant 0 : i32
      %sign3A_2804 = arith.cmpi slt, %jit3A_2788, %sign3A_2803 : i32
      %sign3A_2805 = arith.extui %sign3A_2804 : i1 to i32
      %sign3A_2806 = arith.subi %sign3A_2802, %sign3A_2805 : i32
      %ne3A_2807 = vector.broadcast %sign3A_2806 : i32 to vector<16xi32>
      %ne3A_2808 = arith.cmpi ne, %sign3A_2799, %ne3A_2807 : vector<16xi32>
      %rem3A_2809 = vector.broadcast %jit3A_2788 : i32 to vector<16xi32>
      %rem3A_2810 = arith.remsi %add3A_2785, %rem3A_2809 : vector<16xi32>
      %ne3A_2811 = arith.constant 0 : i32
      %ne3A_2812 = vector.broadcast %ne3A_2811 : i32 to vector<16xi32>
      %ne3A_2813 = arith.cmpi ne, %rem3A_2810, %ne3A_2812 : vector<16xi32>
      %and3A_2814 = arith.andi %ne3A_2808, %ne3A_2813 : vector<16xi1>
      %sub3A_2815 = arith.constant 1 : i32
      %sub3A_2816 = vector.broadcast %sub3A_2815 : i32 to vector<16xi32>
      %sub3A_2817 = arith.subi %div3A_2790, %sub3A_2816 : vector<16xi32>
      %select_n3A_2818 = arith.select %and3A_2814, %sub3A_2817, %div3A_2790 : vector<16xi1>, vector<16xi32>
      %jit3A_2819 = arith.constant 26 : i32
      %eq3A_2820 = arith.constant 0 : i32
      %eq3A_2821 = arith.cmpi eq, %jit3A_2819, %eq3A_2820 : i32
      %jit3A_2822 = arith.constant 1 : i32
      %select_n3A_2823 = arith.select %eq3A_2821, %jit3A_2822, %jit3A_2819 : i32
      %rem3A_2824 = vector.broadcast %select_n3A_2823 : i32 to vector<16xi32>
      %rem3A_2825 = arith.remsi %add3A_2785, %rem3A_2824 : vector<16xi32>
      %ne3A_2826 = arith.constant 0 : i32
      %ne3A_2827 = vector.broadcast %ne3A_2826 : i32 to vector<16xi32>
      %ne3A_2828 = arith.cmpi ne, %rem3A_2825, %ne3A_2827 : vector<16xi32>
      %lt3A_2829 = arith.constant 0 : i32
      %lt3A_2830 = vector.broadcast %lt3A_2829 : i32 to vector<16xi32>
      %lt3A_2831 = arith.cmpi slt, %rem3A_2825, %lt3A_2830 : vector<16xi32>
      %lt3A_2832 = arith.constant 0 : i32
      %lt3A_2833 = arith.cmpi slt, %select_n3A_2823, %lt3A_2832 : i32
      %ne3A_2834 = vector.broadcast %lt3A_2833 : i1 to vector<16xi1>
      %ne3A_2835 = vector.broadcast %ne3A_2834 : vector<16xi1> to vector<16xi1>
      %ne3A_2836 = arith.xori %lt3A_2831, %ne3A_2835 : vector<16xi1>
      %and3A_2837 = arith.andi %ne3A_2836, %ne3A_2828 : vector<16xi1>
      %add3A_2838 = vector.broadcast %select_n3A_2823 : i32 to vector<16xi32>
      %add3A_2839 = arith.addi %rem3A_2825, %add3A_2838 : vector<16xi32>
      %select_n3A_2840 = arith.select %and3A_2837, %add3A_2839, %rem3A_2825 : vector<16xi1>, vector<16xi32>
      %mul3A_2841 = arith.constant 100 : i32
      %mul3A_2842 = vector.broadcast %mul3A_2841 : i32 to vector<16xi32>
      %mul3A_2843 = arith.muli %select_n3A_2840, %mul3A_2842 : vector<16xi32>
      %add3A_2844 = arith.addi %mul3A_2843, %get3A_2787 : vector<16xi32>
      tpu.vector_store_idx %arg5[%select_n3A_2818, %add3A_2844], %broadcast_in_dim3A_3 : memref<16x2600xi32, #tpu.memory_space<vmem>>[vector<16xi32>, vector<16xi32>], vector<16xi32>,
      %iota3A_2845 = tpu.iota {dimensions = array<i32: 0>} : vector<16xi32>
      %add3A_2846 = arith.constant 304 : i32
      %add3A_2847 = vector.broadcast %add3A_2846 : i32 to vector<16xi32>
      %add3A_2848 = arith.addi %add3A_2847, %iota3A_2845 : vector<16xi32>
      %get3A_2849 = arith.constant 304 : index
      %get3A_2850 = tpu.vector_load %arg6[%get3A_2849] {strides = array<i32>} : memref<416xi32, #tpu.memory_space<vmem>>, vector<16xi32>,
      %jit3A_2851 = arith.constant 26 : i32
      %div3A_2852 = vector.broadcast %jit3A_2851 : i32 to vector<16xi32>
      %div3A_2853 = arith.divsi %add3A_2848, %div3A_2852 : vector<16xi32>
      %sign3A_2854 = arith.constant 0 : i32
      %sign3A_2855 = vector.broadcast %sign3A_2854 : i32 to vector<16xi32>
      %sign3A_2856 = arith.cmpi sgt, %add3A_2848, %sign3A_2855 : vector<16xi32>
      %sign3A_2857 = arith.extui %sign3A_2856 : vector<16xi1> to vector<16xi32>
      %sign3A_2858 = arith.constant 0 : i32
      %sign3A_2859 = vector.broadcast %sign3A_2858 : i32 to vector<16xi32>
      %sign3A_2860 = arith.cmpi slt, %add3A_2848, %sign3A_2859 : vector<16xi32>
      %sign3A_2861 = arith.extui %sign3A_2860 : vector<16xi1> to vector<16xi32>
      %sign3A_2862 = arith.subi %sign3A_2857, %sign3A_2861 : vector<16xi32>
      %sign3A_2863 = arith.constant 0 : i32
      %sign3A_2864 = arith.cmpi sgt, %jit3A_2851, %sign3A_2863 : i32
      %sign3A_2865 = arith.extui %sign3A_2864 : i1 to i32
      %sign3A_2866 = arith.constant 0 : i32
      %sign3A_2867 = arith.cmpi slt, %jit3A_2851, %sign3A_2866 : i32
      %sign3A_2868 = arith.extui %sign3A_2867 : i1 to i32
      %sign3A_2869 = arith.subi %sign3A_2865, %sign3A_2868 : i32
      %ne3A_2870 = vector.broadcast %sign3A_2869 : i32 to vector<16xi32>
      %ne3A_2871 = arith.cmpi ne, %sign3A_2862, %ne3A_2870 : vector<16xi32>
      %rem3A_2872 = vector.broadcast %jit3A_2851 : i32 to vector<16xi32>
      %rem3A_2873 = arith.remsi %add3A_2848, %rem3A_2872 : vector<16xi32>
      %ne3A_2874 = arith.constant 0 : i32
      %ne3A_2875 = vector.broadcast %ne3A_2874 : i32 to vector<16xi32>
      %ne3A_2876 = arith.cmpi ne, %rem3A_2873, %ne3A_2875 : vector<16xi32>
      %and3A_2877 = arith.andi %ne3A_2871, %ne3A_2876 : vector<16xi1>
      %sub3A_2878 = arith.constant 1 : i32
      %sub3A_2879 = vector.broadcast %sub3A_2878 : i32 to vector<16xi32>
      %sub3A_2880 = arith.subi %div3A_2853, %sub3A_2879 : vector<16xi32>
      %select_n3A_2881 = arith.select %and3A_2877, %sub3A_2880, %div3A_2853 : vector<16xi1>, vector<16xi32>
      %jit3A_2882 = arith.constant 26 : i32
      %eq3A_2883 = arith.constant 0 : i32
      %eq3A_2884 = arith.cmpi eq, %jit3A_2882, %eq3A_2883 : i32
      %jit3A_2885 = arith.constant 1 : i32
      %select_n3A_2886 = arith.select %eq3A_2884, %jit3A_2885, %jit3A_2882 : i32
      %rem3A_2887 = vector.broadcast %select_n3A_2886 : i32 to vector<16xi32>
      %rem3A_2888 = arith.remsi %add3A_2848, %rem3A_2887 : vector<16xi32>
      %ne3A_2889 = arith.constant 0 : i32
      %ne3A_2890 = vector.broadcast %ne3A_2889 : i32 to vector<16xi32>
      %ne3A_2891 = arith.cmpi ne, %rem3A_2888, %ne3A_2890 : vector<16xi32>
      %lt3A_2892 = arith.constant 0 : i32
      %lt3A_2893 = vector.broadcast %lt3A_2892 : i32 to vector<16xi32>
      %lt3A_2894 = arith.cmpi slt, %rem3A_2888, %lt3A_2893 : vector<16xi32>
      %lt3A_2895 = arith.constant 0 : i32
      %lt3A_2896 = arith.cmpi slt, %select_n3A_2886, %lt3A_2895 : i32
      %ne3A_2897 = vector.broadcast %lt3A_2896 : i1 to vector<16xi1>
      %ne3A_2898 = vector.broadcast %ne3A_2897 : vector<16xi1> to vector<16xi1>
      %ne3A_2899 = arith.xori %lt3A_2894, %ne3A_2898 : vector<16xi1>
      %and3A_2900 = arith.andi %ne3A_2899, %ne3A_2891 : vector<16xi1>
      %add3A_2901 = vector.broadcast %select_n3A_2886 : i32 to vector<16xi32>
      %add3A_2902 = arith.addi %rem3A_2888, %add3A_2901 : vector<16xi32>
      %select_n3A_2903 = arith.select %and3A_2900, %add3A_2902, %rem3A_2888 : vector<16xi1>, vector<16xi32>
      %mul3A_2904 = arith.constant 100 : i32
      %mul3A_2905 = vector.broadcast %mul3A_2904 : i32 to vector<16xi32>
      %mul3A_2906 = arith.muli %select_n3A_2903, %mul3A_2905 : vector<16xi32>
      %add3A_2907 = arith.addi %mul3A_2906, %get3A_2850 : vector<16xi32>
      tpu.vector_store_idx %arg5[%select_n3A_2881, %add3A_2907], %broadcast_in_dim3A_3 : memref<16x2600xi32, #tpu.memory_space<vmem>>[vector<16xi32>, vector<16xi32>], vector<16xi32>,
      %iota3A_2908 = tpu.iota {dimensions = array<i32: 0>} : vector<16xi32>
      %add3A_2909 = arith.constant 320 : i32
      %add3A_2910 = vector.broadcast %add3A_2909 : i32 to vector<16xi32>
      %add3A_2911 = arith.addi %add3A_2910, %iota3A_2908 : vector<16xi32>
      %get3A_2912 = arith.constant 320 : index
      %get3A_2913 = tpu.vector_load %arg6[%get3A_2912] {strides = array<i32>} : memref<416xi32, #tpu.memory_space<vmem>>, vector<16xi32>,
      %jit3A_2914 = arith.constant 26 : i32
      %div3A_2915 = vector.broadcast %jit3A_2914 : i32 to vector<16xi32>
      %div3A_2916 = arith.divsi %add3A_2911, %div3A_2915 : vector<16xi32>
      %sign3A_2917 = arith.constant 0 : i32
      %sign3A_2918 = vector.broadcast %sign3A_2917 : i32 to vector<16xi32>
      %sign3A_2919 = arith.cmpi sgt, %add3A_2911, %sign3A_2918 : vector<16xi32>
      %sign3A_2920 = arith.extui %sign3A_2919 : vector<16xi1> to vector<16xi32>
      %sign3A_2921 = arith.constant 0 : i32
      %sign3A_2922 = vector.broadcast %sign3A_2921 : i32 to vector<16xi32>
      %sign3A_2923 = arith.cmpi slt, %add3A_2911, %sign3A_2922 : vector<16xi32>
      %sign3A_2924 = arith.extui %sign3A_2923 : vector<16xi1> to vector<16xi32>
      %sign3A_2925 = arith.subi %sign3A_2920, %sign3A_2924 : vector<16xi32>
      %sign3A_2926 = arith.constant 0 : i32
      %sign3A_2927 = arith.cmpi sgt, %jit3A_2914, %sign3A_2926 : i32
      %sign3A_2928 = arith.extui %sign3A_2927 : i1 to i32
      %sign3A_2929 = arith.constant 0 : i32
      %sign3A_2930 = arith.cmpi slt, %jit3A_2914, %sign3A_2929 : i32
      %sign3A_2931 = arith.extui %sign3A_2930 : i1 to i32
      %sign3A_2932 = arith.subi %sign3A_2928, %sign3A_2931 : i32
      %ne3A_2933 = vector.broadcast %sign3A_2932 : i32 to vector<16xi32>
      %ne3A_2934 = arith.cmpi ne, %sign3A_2925, %ne3A_2933 : vector<16xi32>
      %rem3A_2935 = vector.broadcast %jit3A_2914 : i32 to vector<16xi32>
      %rem3A_2936 = arith.remsi %add3A_2911, %rem3A_2935 : vector<16xi32>
      %ne3A_2937 = arith.constant 0 : i32
      %ne3A_2938 = vector.broadcast %ne3A_2937 : i32 to vector<16xi32>
      %ne3A_2939 = arith.cmpi ne, %rem3A_2936, %ne3A_2938 : vector<16xi32>
      %and3A_2940 = arith.andi %ne3A_2934, %ne3A_2939 : vector<16xi1>
      %sub3A_2941 = arith.constant 1 : i32
      %sub3A_2942 = vector.broadcast %sub3A_2941 : i32 to vector<16xi32>
      %sub3A_2943 = arith.subi %div3A_2916, %sub3A_2942 : vector<16xi32>
      %select_n3A_2944 = arith.select %and3A_2940, %sub3A_2943, %div3A_2916 : vector<16xi1>, vector<16xi32>
      %jit3A_2945 = arith.constant 26 : i32
      %eq3A_2946 = arith.constant 0 : i32
      %eq3A_2947 = arith.cmpi eq, %jit3A_2945, %eq3A_2946 : i32
      %jit3A_2948 = arith.constant 1 : i32
      %select_n3A_2949 = arith.select %eq3A_2947, %jit3A_2948, %jit3A_2945 : i32
      %rem3A_2950 = vector.broadcast %select_n3A_2949 : i32 to vector<16xi32>
      %rem3A_2951 = arith.remsi %add3A_2911, %rem3A_2950 : vector<16xi32>
      %ne3A_2952 = arith.constant 0 : i32
      %ne3A_2953 = vector.broadcast %ne3A_2952 : i32 to vector<16xi32>
      %ne3A_2954 = arith.cmpi ne, %rem3A_2951, %ne3A_2953 : vector<16xi32>
      %lt3A_2955 = arith.constant 0 : i32
      %lt3A_2956 = vector.broadcast %lt3A_2955 : i32 to vector<16xi32>
      %lt3A_2957 = arith.cmpi slt, %rem3A_2951, %lt3A_2956 : vector<16xi32>
      %lt3A_2958 = arith.constant 0 : i32
      %lt3A_2959 = arith.cmpi slt, %select_n3A_2949, %lt3A_2958 : i32
      %ne3A_2960 = vector.broadcast %lt3A_2959 : i1 to vector<16xi1>
      %ne3A_2961 = vector.broadcast %ne3A_2960 : vector<16xi1> to vector<16xi1>
      %ne3A_2962 = arith.xori %lt3A_2957, %ne3A_2961 : vector<16xi1>
      %and3A_2963 = arith.andi %ne3A_2962, %ne3A_2954 : vector<16xi1>
      %add3A_2964 = vector.broadcast %select_n3A_2949 : i32 to vector<16xi32>
      %add3A_2965 = arith.addi %rem3A_2951, %add3A_2964 : vector<16xi32>
      %select_n3A_2966 = arith.select %and3A_2963, %add3A_2965, %rem3A_2951 : vector<16xi1>, vector<16xi32>
      %mul3A_2967 = arith.constant 100 : i32
      %mul3A_2968 = vector.broadcast %mul3A_2967 : i32 to vector<16xi32>
      %mul3A_2969 = arith.muli %select_n3A_2966, %mul3A_2968 : vector<16xi32>
      %add3A_2970 = arith.addi %mul3A_2969, %get3A_2913 : vector<16xi32>
      tpu.vector_store_idx %arg5[%select_n3A_2944, %add3A_2970], %broadcast_in_dim3A_3 : memref<16x2600xi32, #tpu.memory_space<vmem>>[vector<16xi32>, vector<16xi32>], vector<16xi32>,
      %iota3A_2971 = tpu.iota {dimensions = array<i32: 0>} : vector<16xi32>
      %add3A_2972 = arith.constant 336 : i32
      %add3A_2973 = vector.broadcast %add3A_2972 : i32 to vector<16xi32>
      %add3A_2974 = arith.addi %add3A_2973, %iota3A_2971 : vector<16xi32>
      %get3A_2975 = arith.constant 336 : index
      %get3A_2976 = tpu.vector_load %arg6[%get3A_2975] {strides = array<i32>} : memref<416xi32, #tpu.memory_space<vmem>>, vector<16xi32>,
      %jit3A_2977 = arith.constant 26 : i32
      %div3A_2978 = vector.broadcast %jit3A_2977 : i32 to vector<16xi32>
      %div3A_2979 = arith.divsi %add3A_2974, %div3A_2978 : vector<16xi32>
      %sign3A_2980 = arith.constant 0 : i32
      %sign3A_2981 = vector.broadcast %sign3A_2980 : i32 to vector<16xi32>
      %sign3A_2982 = arith.cmpi sgt, %add3A_2974, %sign3A_2981 : vector<16xi32>
      %sign3A_2983 = arith.extui %sign3A_2982 : vector<16xi1> to vector<16xi32>
      %sign3A_2984 = arith.constant 0 : i32
      %sign3A_2985 = vector.broadcast %sign3A_2984 : i32 to vector<16xi32>
      %sign3A_2986 = arith.cmpi slt, %add3A_2974, %sign3A_2985 : vector<16xi32>
      %sign3A_2987 = arith.extui %sign3A_2986 : vector<16xi1> to vector<16xi32>
      %sign3A_2988 = arith.subi %sign3A_2983, %sign3A_2987 : vector<16xi32>
      %sign3A_2989 = arith.constant 0 : i32
      %sign3A_2990 = arith.cmpi sgt, %jit3A_2977, %sign3A_2989 : i32
      %sign3A_2991 = arith.extui %sign3A_2990 : i1 to i32
      %sign3A_2992 = arith.constant 0 : i32
      %sign3A_2993 = arith.cmpi slt, %jit3A_2977, %sign3A_2992 : i32
      %sign3A_2994 = arith.extui %sign3A_2993 : i1 to i32
      %sign3A_2995 = arith.subi %sign3A_2991, %sign3A_2994 : i32
      %ne3A_2996 = vector.broadcast %sign3A_2995 : i32 to vector<16xi32>
      %ne3A_2997 = arith.cmpi ne, %sign3A_2988, %ne3A_2996 : vector<16xi32>
      %rem3A_2998 = vector.broadcast %jit3A_2977 : i32 to vector<16xi32>
      %rem3A_2999 = arith.remsi %add3A_2974, %rem3A_2998 : vector<16xi32>
      %ne3A_3000 = arith.constant 0 : i32
      %ne3A_3001 = vector.broadcast %ne3A_3000 : i32 to vector<16xi32>
      %ne3A_3002 = arith.cmpi ne, %rem3A_2999, %ne3A_3001 : vector<16xi32>
      %and3A_3003 = arith.andi %ne3A_2997, %ne3A_3002 : vector<16xi1>
      %sub3A_3004 = arith.constant 1 : i32
      %sub3A_3005 = vector.broadcast %sub3A_3004 : i32 to vector<16xi32>
      %sub3A_3006 = arith.subi %div3A_2979, %sub3A_3005 : vector<16xi32>
      %select_n3A_3007 = arith.select %and3A_3003, %sub3A_3006, %div3A_2979 : vector<16xi1>, vector<16xi32>
      %jit3A_3008 = arith.constant 26 : i32
      %eq3A_3009 = arith.constant 0 : i32
      %eq3A_3010 = arith.cmpi eq, %jit3A_3008, %eq3A_3009 : i32
      %jit3A_3011 = arith.constant 1 : i32
      %select_n3A_3012 = arith.select %eq3A_3010, %jit3A_3011, %jit3A_3008 : i32
      %rem3A_3013 = vector.broadcast %select_n3A_3012 : i32 to vector<16xi32>
      %rem3A_3014 = arith.remsi %add3A_2974, %rem3A_3013 : vector<16xi32>
      %ne3A_3015 = arith.constant 0 : i32
      %ne3A_3016 = vector.broadcast %ne3A_3015 : i32 to vector<16xi32>
      %ne3A_3017 = arith.cmpi ne, %rem3A_3014, %ne3A_3016 : vector<16xi32>
      %lt3A_3018 = arith.constant 0 : i32
      %lt3A_3019 = vector.broadcast %lt3A_3018 : i32 to vector<16xi32>
      %lt3A_3020 = arith.cmpi slt, %rem3A_3014, %lt3A_3019 : vector<16xi32>
      %lt3A_3021 = arith.constant 0 : i32
      %lt3A_3022 = arith.cmpi slt, %select_n3A_3012, %lt3A_3021 : i32
      %ne3A_3023 = vector.broadcast %lt3A_3022 : i1 to vector<16xi1>
      %ne3A_3024 = vector.broadcast %ne3A_3023 : vector<16xi1> to vector<16xi1>
      %ne3A_3025 = arith.xori %lt3A_3020, %ne3A_3024 : vector<16xi1>
      %and3A_3026 = arith.andi %ne3A_3025, %ne3A_3017 : vector<16xi1>
      %add3A_3027 = vector.broadcast %select_n3A_3012 : i32 to vector<16xi32>
      %add3A_3028 = arith.addi %rem3A_3014, %add3A_3027 : vector<16xi32>
      %select_n3A_3029 = arith.select %and3A_3026, %add3A_3028, %rem3A_3014 : vector<16xi1>, vector<16xi32>
      %mul3A_3030 = arith.constant 100 : i32
      %mul3A_3031 = vector.broadcast %mul3A_3030 : i32 to vector<16xi32>
      %mul3A_3032 = arith.muli %select_n3A_3029, %mul3A_3031 : vector<16xi32>
      %add3A_3033 = arith.addi %mul3A_3032, %get3A_2976 : vector<16xi32>
      tpu.vector_store_idx %arg5[%select_n3A_3007, %add3A_3033], %broadcast_in_dim3A_3 : memref<16x2600xi32, #tpu.memory_space<vmem>>[vector<16xi32>, vector<16xi32>], vector<16xi32>,
      %iota3A_3034 = tpu.iota {dimensions = array<i32: 0>} : vector<16xi32>
      %add3A_3035 = arith.constant 352 : i32
      %add3A_3036 = vector.broadcast %add3A_3035 : i32 to vector<16xi32>
      %add3A_3037 = arith.addi %add3A_3036, %iota3A_3034 : vector<16xi32>
      %get3A_3038 = arith.constant 352 : index
      %get3A_3039 = tpu.vector_load %arg6[%get3A_3038] {strides = array<i32>} : memref<416xi32, #tpu.memory_space<vmem>>, vector<16xi32>,
      %jit3A_3040 = arith.constant 26 : i32
      %div3A_3041 = vector.broadcast %jit3A_3040 : i32 to vector<16xi32>
      %div3A_3042 = arith.divsi %add3A_3037, %div3A_3041 : vector<16xi32>
      %sign3A_3043 = arith.constant 0 : i32
      %sign3A_3044 = vector.broadcast %sign3A_3043 : i32 to vector<16xi32>
      %sign3A_3045 = arith.cmpi sgt, %add3A_3037, %sign3A_3044 : vector<16xi32>
      %sign3A_3046 = arith.extui %sign3A_3045 : vector<16xi1> to vector<16xi32>
      %sign3A_3047 = arith.constant 0 : i32
      %sign3A_3048 = vector.broadcast %sign3A_3047 : i32 to vector<16xi32>
      %sign3A_3049 = arith.cmpi slt, %add3A_3037, %sign3A_3048 : vector<16xi32>
      %sign3A_3050 = arith.extui %sign3A_3049 : vector<16xi1> to vector<16xi32>
      %sign3A_3051 = arith.subi %sign3A_3046, %sign3A_3050 : vector<16xi32>
      %sign3A_3052 = arith.constant 0 : i32
      %sign3A_3053 = arith.cmpi sgt, %jit3A_3040, %sign3A_3052 : i32
      %sign3A_3054 = arith.extui %sign3A_3053 : i1 to i32
      %sign3A_3055 = arith.constant 0 : i32
      %sign3A_3056 = arith.cmpi slt, %jit3A_3040, %sign3A_3055 : i32
      %sign3A_3057 = arith.extui %sign3A_3056 : i1 to i32
      %sign3A_3058 = arith.subi %sign3A_3054, %sign3A_3057 : i32
      %ne3A_3059 = vector.broadcast %sign3A_3058 : i32 to vector<16xi32>
      %ne3A_3060 = arith.cmpi ne, %sign3A_3051, %ne3A_3059 : vector<16xi32>
      %rem3A_3061 = vector.broadcast %jit3A_3040 : i32 to vector<16xi32>
      %rem3A_3062 = arith.remsi %add3A_3037, %rem3A_3061 : vector<16xi32>
      %ne3A_3063 = arith.constant 0 : i32
      %ne3A_3064 = vector.broadcast %ne3A_3063 : i32 to vector<16xi32>
      %ne3A_3065 = arith.cmpi ne, %rem3A_3062, %ne3A_3064 : vector<16xi32>
      %and3A_3066 = arith.andi %ne3A_3060, %ne3A_3065 : vector<16xi1>
      %sub3A_3067 = arith.constant 1 : i32
      %sub3A_3068 = vector.broadcast %sub3A_3067 : i32 to vector<16xi32>
      %sub3A_3069 = arith.subi %div3A_3042, %sub3A_3068 : vector<16xi32>
      %select_n3A_3070 = arith.select %and3A_3066, %sub3A_3069, %div3A_3042 : vector<16xi1>, vector<16xi32>
      %jit3A_3071 = arith.constant 26 : i32
      %eq3A_3072 = arith.constant 0 : i32
      %eq3A_3073 = arith.cmpi eq, %jit3A_3071, %eq3A_3072 : i32
      %jit3A_3074 = arith.constant 1 : i32
      %select_n3A_3075 = arith.select %eq3A_3073, %jit3A_3074, %jit3A_3071 : i32
      %rem3A_3076 = vector.broadcast %select_n3A_3075 : i32 to vector<16xi32>
      %rem3A_3077 = arith.remsi %add3A_3037, %rem3A_3076 : vector<16xi32>
      %ne3A_3078 = arith.constant 0 : i32
      %ne3A_3079 = vector.broadcast %ne3A_3078 : i32 to vector<16xi32>
      %ne3A_3080 = arith.cmpi ne, %rem3A_3077, %ne3A_3079 : vector<16xi32>
      %lt3A_3081 = arith.constant 0 : i32
      %lt3A_3082 = vector.broadcast %lt3A_3081 : i32 to vector<16xi32>
      %lt3A_3083 = arith.cmpi slt, %rem3A_3077, %lt3A_3082 : vector<16xi32>
      %lt3A_3084 = arith.constant 0 : i32
      %lt3A_3085 = arith.cmpi slt, %select_n3A_3075, %lt3A_3084 : i32
      %ne3A_3086 = vector.broadcast %lt3A_3085 : i1 to vector<16xi1>
      %ne3A_3087 = vector.broadcast %ne3A_3086 : vector<16xi1> to vector<16xi1>
      %ne3A_3088 = arith.xori %lt3A_3083, %ne3A_3087 : vector<16xi1>
      %and3A_3089 = arith.andi %ne3A_3088, %ne3A_3080 : vector<16xi1>
      %add3A_3090 = vector.broadcast %select_n3A_3075 : i32 to vector<16xi32>
      %add3A_3091 = arith.addi %rem3A_3077, %add3A_3090 : vector<16xi32>
      %select_n3A_3092 = arith.select %and3A_3089, %add3A_3091, %rem3A_3077 : vector<16xi1>, vector<16xi32>
      %mul3A_3093 = arith.constant 100 : i32
      %mul3A_3094 = vector.broadcast %mul3A_3093 : i32 to vector<16xi32>
      %mul3A_3095 = arith.muli %select_n3A_3092, %mul3A_3094 : vector<16xi32>
      %add3A_3096 = arith.addi %mul3A_3095, %get3A_3039 : vector<16xi32>
      tpu.vector_store_idx %arg5[%select_n3A_3070, %add3A_3096], %broadcast_in_dim3A_3 : memref<16x2600xi32, #tpu.memory_space<vmem>>[vector<16xi32>, vector<16xi32>], vector<16xi32>,
      %iota3A_3097 = tpu.iota {dimensions = array<i32: 0>} : vector<16xi32>
      %add3A_3098 = arith.constant 368 : i32
      %add3A_3099 = vector.broadcast %add3A_3098 : i32 to vector<16xi32>
      %add3A_3100 = arith.addi %add3A_3099, %iota3A_3097 : vector<16xi32>
      %get3A_3101 = arith.constant 368 : index
      %get3A_3102 = tpu.vector_load %arg6[%get3A_3101] {strides = array<i32>} : memref<416xi32, #tpu.memory_space<vmem>>, vector<16xi32>,
      %jit3A_3103 = arith.constant 26 : i32
      %div3A_3104 = vector.broadcast %jit3A_3103 : i32 to vector<16xi32>
      %div3A_3105 = arith.divsi %add3A_3100, %div3A_3104 : vector<16xi32>
      %sign3A_3106 = arith.constant 0 : i32
      %sign3A_3107 = vector.broadcast %sign3A_3106 : i32 to vector<16xi32>
      %sign3A_3108 = arith.cmpi sgt, %add3A_3100, %sign3A_3107 : vector<16xi32>
      %sign3A_3109 = arith.extui %sign3A_3108 : vector<16xi1> to vector<16xi32>
      %sign3A_3110 = arith.constant 0 : i32
      %sign3A_3111 = vector.broadcast %sign3A_3110 : i32 to vector<16xi32>
      %sign3A_3112 = arith.cmpi slt, %add3A_3100, %sign3A_3111 : vector<16xi32>
      %sign3A_3113 = arith.extui %sign3A_3112 : vector<16xi1> to vector<16xi32>
      %sign3A_3114 = arith.subi %sign3A_3109, %sign3A_3113 : vector<16xi32>
      %sign3A_3115 = arith.constant 0 : i32
      %sign3A_3116 = arith.cmpi sgt, %jit3A_3103, %sign3A_3115 : i32
      %sign3A_3117 = arith.extui %sign3A_3116 : i1 to i32
      %sign3A_3118 = arith.constant 0 : i32
      %sign3A_3119 = arith.cmpi slt, %jit3A_3103, %sign3A_3118 : i32
      %sign3A_3120 = arith.extui %sign3A_3119 : i1 to i32
      %sign3A_3121 = arith.subi %sign3A_3117, %sign3A_3120 : i32
      %ne3A_3122 = vector.broadcast %sign3A_3121 : i32 to vector<16xi32>
      %ne3A_3123 = arith.cmpi ne, %sign3A_3114, %ne3A_3122 : vector<16xi32>
      %rem3A_3124 = vector.broadcast %jit3A_3103 : i32 to vector<16xi32>
      %rem3A_3125 = arith.remsi %add3A_3100, %rem3A_3124 : vector<16xi32>
      %ne3A_3126 = arith.constant 0 : i32
      %ne3A_3127 = vector.broadcast %ne3A_3126 : i32 to vector<16xi32>
      %ne3A_3128 = arith.cmpi ne, %rem3A_3125, %ne3A_3127 : vector<16xi32>
      %and3A_3129 = arith.andi %ne3A_3123, %ne3A_3128 : vector<16xi1>
      %sub3A_3130 = arith.constant 1 : i32
      %sub3A_3131 = vector.broadcast %sub3A_3130 : i32 to vector<16xi32>
      %sub3A_3132 = arith.subi %div3A_3105, %sub3A_3131 : vector<16xi32>
      %select_n3A_3133 = arith.select %and3A_3129, %sub3A_3132, %div3A_3105 : vector<16xi1>, vector<16xi32>
      %jit3A_3134 = arith.constant 26 : i32
      %eq3A_3135 = arith.constant 0 : i32
      %eq3A_3136 = arith.cmpi eq, %jit3A_3134, %eq3A_3135 : i32
      %jit3A_3137 = arith.constant 1 : i32
      %select_n3A_3138 = arith.select %eq3A_3136, %jit3A_3137, %jit3A_3134 : i32
      %rem3A_3139 = vector.broadcast %select_n3A_3138 : i32 to vector<16xi32>
      %rem3A_3140 = arith.remsi %add3A_3100, %rem3A_3139 : vector<16xi32>
      %ne3A_3141 = arith.constant 0 : i32
      %ne3A_3142 = vector.broadcast %ne3A_3141 : i32 to vector<16xi32>
      %ne3A_3143 = arith.cmpi ne, %rem3A_3140, %ne3A_3142 : vector<16xi32>
      %lt3A_3144 = arith.constant 0 : i32
      %lt3A_3145 = vector.broadcast %lt3A_3144 : i32 to vector<16xi32>
      %lt3A_3146 = arith.cmpi slt, %rem3A_3140, %lt3A_3145 : vector<16xi32>
      %lt3A_3147 = arith.constant 0 : i32
      %lt3A_3148 = arith.cmpi slt, %select_n3A_3138, %lt3A_3147 : i32
      %ne3A_3149 = vector.broadcast %lt3A_3148 : i1 to vector<16xi1>
      %ne3A_3150 = vector.broadcast %ne3A_3149 : vector<16xi1> to vector<16xi1>
      %ne3A_3151 = arith.xori %lt3A_3146, %ne3A_3150 : vector<16xi1>
      %and3A_3152 = arith.andi %ne3A_3151, %ne3A_3143 : vector<16xi1>
      %add3A_3153 = vector.broadcast %select_n3A_3138 : i32 to vector<16xi32>
      %add3A_3154 = arith.addi %rem3A_3140, %add3A_3153 : vector<16xi32>
      %select_n3A_3155 = arith.select %and3A_3152, %add3A_3154, %rem3A_3140 : vector<16xi1>, vector<16xi32>
      %mul3A_3156 = arith.constant 100 : i32
      %mul3A_3157 = vector.broadcast %mul3A_3156 : i32 to vector<16xi32>
      %mul3A_3158 = arith.muli %select_n3A_3155, %mul3A_3157 : vector<16xi32>
      %add3A_3159 = arith.addi %mul3A_3158, %get3A_3102 : vector<16xi32>
      tpu.vector_store_idx %arg5[%select_n3A_3133, %add3A_3159], %broadcast_in_dim3A_3 : memref<16x2600xi32, #tpu.memory_space<vmem>>[vector<16xi32>, vector<16xi32>], vector<16xi32>,
      %iota3A_3160 = tpu.iota {dimensions = array<i32: 0>} : vector<16xi32>
      %add3A_3161 = arith.constant 384 : i32
      %add3A_3162 = vector.broadcast %add3A_3161 : i32 to vector<16xi32>
      %add3A_3163 = arith.addi %add3A_3162, %iota3A_3160 : vector<16xi32>
      %get3A_3164 = arith.constant 384 : index
      %get3A_3165 = tpu.vector_load %arg6[%get3A_3164] {strides = array<i32>} : memref<416xi32, #tpu.memory_space<vmem>>, vector<16xi32>,
      %jit3A_3166 = arith.constant 26 : i32
      %div3A_3167 = vector.broadcast %jit3A_3166 : i32 to vector<16xi32>
      %div3A_3168 = arith.divsi %add3A_3163, %div3A_3167 : vector<16xi32>
      %sign3A_3169 = arith.constant 0 : i32
      %sign3A_3170 = vector.broadcast %sign3A_3169 : i32 to vector<16xi32>
      %sign3A_3171 = arith.cmpi sgt, %add3A_3163, %sign3A_3170 : vector<16xi32>
      %sign3A_3172 = arith.extui %sign3A_3171 : vector<16xi1> to vector<16xi32>
      %sign3A_3173 = arith.constant 0 : i32
      %sign3A_3174 = vector.broadcast %sign3A_3173 : i32 to vector<16xi32>
      %sign3A_3175 = arith.cmpi slt, %add3A_3163, %sign3A_3174 : vector<16xi32>
      %sign3A_3176 = arith.extui %sign3A_3175 : vector<16xi1> to vector<16xi32>
      %sign3A_3177 = arith.subi %sign3A_3172, %sign3A_3176 : vector<16xi32>
      %sign3A_3178 = arith.constant 0 : i32
      %sign3A_3179 = arith.cmpi sgt, %jit3A_3166, %sign3A_3178 : i32
      %sign3A_3180 = arith.extui %sign3A_3179 : i1 to i32
      %sign3A_3181 = arith.constant 0 : i32
      %sign3A_3182 = arith.cmpi slt, %jit3A_3166, %sign3A_3181 : i32
      %sign3A_3183 = arith.extui %sign3A_3182 : i1 to i32
      %sign3A_3184 = arith.subi %sign3A_3180, %sign3A_3183 : i32
      %ne3A_3185 = vector.broadcast %sign3A_3184 : i32 to vector<16xi32>
      %ne3A_3186 = arith.cmpi ne, %sign3A_3177, %ne3A_3185 : vector<16xi32>
      %rem3A_3187 = vector.broadcast %jit3A_3166 : i32 to vector<16xi32>
      %rem3A_3188 = arith.remsi %add3A_3163, %rem3A_3187 : vector<16xi32>
      %ne3A_3189 = arith.constant 0 : i32
      %ne3A_3190 = vector.broadcast %ne3A_3189 : i32 to vector<16xi32>
      %ne3A_3191 = arith.cmpi ne, %rem3A_3188, %ne3A_3190 : vector<16xi32>
      %and3A_3192 = arith.andi %ne3A_3186, %ne3A_3191 : vector<16xi1>
      %sub3A_3193 = arith.constant 1 : i32
      %sub3A_3194 = vector.broadcast %sub3A_3193 : i32 to vector<16xi32>
      %sub3A_3195 = arith.subi %div3A_3168, %sub3A_3194 : vector<16xi32>
      %select_n3A_3196 = arith.select %and3A_3192, %sub3A_3195, %div3A_3168 : vector<16xi1>, vector<16xi32>
      %jit3A_3197 = arith.constant 26 : i32
      %eq3A_3198 = arith.constant 0 : i32
      %eq3A_3199 = arith.cmpi eq, %jit3A_3197, %eq3A_3198 : i32
      %jit3A_3200 = arith.constant 1 : i32
      %select_n3A_3201 = arith.select %eq3A_3199, %jit3A_3200, %jit3A_3197 : i32
      %rem3A_3202 = vector.broadcast %select_n3A_3201 : i32 to vector<16xi32>
      %rem3A_3203 = arith.remsi %add3A_3163, %rem3A_3202 : vector<16xi32>
      %ne3A_3204 = arith.constant 0 : i32
      %ne3A_3205 = vector.broadcast %ne3A_3204 : i32 to vector<16xi32>
      %ne3A_3206 = arith.cmpi ne, %rem3A_3203, %ne3A_3205 : vector<16xi32>
      %lt3A_3207 = arith.constant 0 : i32
      %lt3A_3208 = vector.broadcast %lt3A_3207 : i32 to vector<16xi32>
      %lt3A_3209 = arith.cmpi slt, %rem3A_3203, %lt3A_3208 : vector<16xi32>
      %lt3A_3210 = arith.constant 0 : i32
      %lt3A_3211 = arith.cmpi slt, %select_n3A_3201, %lt3A_3210 : i32
      %ne3A_3212 = vector.broadcast %lt3A_3211 : i1 to vector<16xi1>
      %ne3A_3213 = vector.broadcast %ne3A_3212 : vector<16xi1> to vector<16xi1>
      %ne3A_3214 = arith.xori %lt3A_3209, %ne3A_3213 : vector<16xi1>
      %and3A_3215 = arith.andi %ne3A_3214, %ne3A_3206 : vector<16xi1>
      %add3A_3216 = vector.broadcast %select_n3A_3201 : i32 to vector<16xi32>
      %add3A_3217 = arith.addi %rem3A_3203, %add3A_3216 : vector<16xi32>
      %select_n3A_3218 = arith.select %and3A_3215, %add3A_3217, %rem3A_3203 : vector<16xi1>, vector<16xi32>
      %mul3A_3219 = arith.constant 100 : i32
      %mul3A_3220 = vector.broadcast %mul3A_3219 : i32 to vector<16xi32>
      %mul3A_3221 = arith.muli %select_n3A_3218, %mul3A_3220 : vector<16xi32>
      %add3A_3222 = arith.addi %mul3A_3221, %get3A_3165 : vector<16xi32>
      tpu.vector_store_idx %arg5[%select_n3A_3196, %add3A_3222], %broadcast_in_dim3A_3 : memref<16x2600xi32, #tpu.memory_space<vmem>>[vector<16xi32>, vector<16xi32>], vector<16xi32>,
      %iota3A_3223 = tpu.iota {dimensions = array<i32: 0>} : vector<16xi32>
      %add3A_3224 = arith.constant 400 : i32
      %add3A_3225 = vector.broadcast %add3A_3224 : i32 to vector<16xi32>
      %add3A_3226 = arith.addi %add3A_3225, %iota3A_3223 : vector<16xi32>
      %get3A_3227 = arith.constant 400 : index
      %get3A_3228 = tpu.vector_load %arg6[%get3A_3227] {strides = array<i32>} : memref<416xi32, #tpu.memory_space<vmem>>, vector<16xi32>,
      %jit3A_3229 = arith.constant 26 : i32
      %div3A_3230 = vector.broadcast %jit3A_3229 : i32 to vector<16xi32>
      %div3A_3231 = arith.divsi %add3A_3226, %div3A_3230 : vector<16xi32>
      %sign3A_3232 = arith.constant 0 : i32
      %sign3A_3233 = vector.broadcast %sign3A_3232 : i32 to vector<16xi32>
      %sign3A_3234 = arith.cmpi sgt, %add3A_3226, %sign3A_3233 : vector<16xi32>
      %sign3A_3235 = arith.extui %sign3A_3234 : vector<16xi1> to vector<16xi32>
      %sign3A_3236 = arith.constant 0 : i32
      %sign3A_3237 = vector.broadcast %sign3A_3236 : i32 to vector<16xi32>
      %sign3A_3238 = arith.cmpi slt, %add3A_3226, %sign3A_3237 : vector<16xi32>
      %sign3A_3239 = arith.extui %sign3A_3238 : vector<16xi1> to vector<16xi32>
      %sign3A_3240 = arith.subi %sign3A_3235, %sign3A_3239 : vector<16xi32>
      %sign3A_3241 = arith.constant 0 : i32
      %sign3A_3242 = arith.cmpi sgt, %jit3A_3229, %sign3A_3241 : i32
      %sign3A_3243 = arith.extui %sign3A_3242 : i1 to i32
      %sign3A_3244 = arith.constant 0 : i32
      %sign3A_3245 = arith.cmpi slt, %jit3A_3229, %sign3A_3244 : i32
      %sign3A_3246 = arith.extui %sign3A_3245 : i1 to i32
      %sign3A_3247 = arith.subi %sign3A_3243, %sign3A_3246 : i32
      %ne3A_3248 = vector.broadcast %sign3A_3247 : i32 to vector<16xi32>
      %ne3A_3249 = arith.cmpi ne, %sign3A_3240, %ne3A_3248 : vector<16xi32>
      %rem3A_3250 = vector.broadcast %jit3A_3229 : i32 to vector<16xi32>
      %rem3A_3251 = arith.remsi %add3A_3226, %rem3A_3250 : vector<16xi32>
      %ne3A_3252 = arith.constant 0 : i32
      %ne3A_3253 = vector.broadcast %ne3A_3252 : i32 to vector<16xi32>
      %ne3A_3254 = arith.cmpi ne, %rem3A_3251, %ne3A_3253 : vector<16xi32>
      %and3A_3255 = arith.andi %ne3A_3249, %ne3A_3254 : vector<16xi1>
      %sub3A_3256 = arith.constant 1 : i32
      %sub3A_3257 = vector.broadcast %sub3A_3256 : i32 to vector<16xi32>
      %sub3A_3258 = arith.subi %div3A_3231, %sub3A_3257 : vector<16xi32>
      %select_n3A_3259 = arith.select %and3A_3255, %sub3A_3258, %div3A_3231 : vector<16xi1>, vector<16xi32>
      %jit3A_3260 = arith.constant 26 : i32
      %eq3A_3261 = arith.constant 0 : i32
      %eq3A_3262 = arith.cmpi eq, %jit3A_3260, %eq3A_3261 : i32
      %jit3A_3263 = arith.constant 1 : i32
      %select_n3A_3264 = arith.select %eq3A_3262, %jit3A_3263, %jit3A_3260 : i32
      %rem3A_3265 = vector.broadcast %select_n3A_3264 : i32 to vector<16xi32>
      %rem3A_3266 = arith.remsi %add3A_3226, %rem3A_3265 : vector<16xi32>
      %ne3A_3267 = arith.constant 0 : i32
      %ne3A_3268 = vector.broadcast %ne3A_3267 : i32 to vector<16xi32>
      %ne3A_3269 = arith.cmpi ne, %rem3A_3266, %ne3A_3268 : vector<16xi32>
      %lt3A_3270 = arith.constant 0 : i32
      %lt3A_3271 = vector.broadcast %lt3A_3270 : i32 to vector<16xi32>
      %lt3A_3272 = arith.cmpi slt, %rem3A_3266, %lt3A_3271 : vector<16xi32>
      %lt3A_3273 = arith.constant 0 : i32
      %lt3A_3274 = arith.cmpi slt, %select_n3A_3264, %lt3A_3273 : i32
      %ne3A_3275 = vector.broadcast %lt3A_3274 : i1 to vector<16xi1>
      %ne3A_3276 = vector.broadcast %ne3A_3275 : vector<16xi1> to vector<16xi1>
      %ne3A_3277 = arith.xori %lt3A_3272, %ne3A_3276 : vector<16xi1>
      %and3A_3278 = arith.andi %ne3A_3277, %ne3A_3269 : vector<16xi1>
      %add3A_3279 = vector.broadcast %select_n3A_3264 : i32 to vector<16xi32>
      %add3A_3280 = arith.addi %rem3A_3266, %add3A_3279 : vector<16xi32>
      %select_n3A_3281 = arith.select %and3A_3278, %add3A_3280, %rem3A_3266 : vector<16xi1>, vector<16xi32>
      %mul3A_3282 = arith.constant 100 : i32
      %mul3A_3283 = vector.broadcast %mul3A_3282 : i32 to vector<16xi32>
      %mul3A_3284 = arith.muli %select_n3A_3281, %mul3A_3283 : vector<16xi32>
      %add3A_3285 = arith.addi %mul3A_3284, %get3A_3228 : vector<16xi32>
      tpu.vector_store_idx %arg5[%select_n3A_3259, %add3A_3285], %broadcast_in_dim3A_3 : memref<16x2600xi32, #tpu.memory_space<vmem>>[vector<16xi32>, vector<16xi32>], vector<16xi32>,
      %mul3A_3286 = arith.constant 16 : i32
      %mul3A_3287 = arith.muli %add3A_16, %mul3A_3286 : i32
      %add3A_3288 = arith.addi %mul3A_2, %mul3A_3287 : i32
      "tpu.region"() ({
        %run_scoped3A = tpu.sem_alloc : memref<!tpu.dma_semaphore, #tpu.memory_space<semaphore_mem>>
        %dma_start3A = arith.constant 0 : i32
        %dma_start3A_3289 = tpu.memref_slice %arg4[%add3A_3288, %dma_start3A] : memref<4096x2600xi32, #tpu.memory_space<hbm>> -> memref<16x2600xi32, #tpu.memory_space<hbm>>
        %dma_start3A_3290 = arith.constant 0 : i32
        %dma_start3A_3291 = tpu.memref_slice %arg4[%add3A_3288, %dma_start3A_3290] : memref<4096x2600xi32, #tpu.memory_space<hbm>> -> memref<16x2600xi32, #tpu.memory_space<hbm>>
        tpu.enqueue_dma source(%arg5 : memref<16x2600xi32, #tpu.memory_space<vmem>>) target(%dma_start3A_3291 : memref<16x2600xi32, #tpu.memory_space<hbm>>) target_semaphore(%run_scoped3A : memref<!tpu.dma_semaphore, #tpu.memory_space<semaphore_mem>>)
        %dma_wait3A = arith.constant 0 : i32
        %dma_wait3A_3292 = tpu.memref_slice %arg4[%add3A_3288, %dma_wait3A] : memref<4096x2600xi32, #tpu.memory_space<hbm>> -> memref<16x2600xi32, #tpu.memory_space<hbm>>
        %dma_wait3A_3293 = arith.constant 0 : i32
        %dma_wait3A_3294 = tpu.memref_slice %arg4[%add3A_3288, %dma_wait3A_3293] : memref<4096x2600xi32, #tpu.memory_space<hbm>> -> memref<16x2600xi32, #tpu.memory_space<hbm>>
        tpu.wait_dma2 semaphore(%run_scoped3A : memref<!tpu.dma_semaphore, #tpu.memory_space<semaphore_mem>>) src(%arg5 : memref<16x2600xi32, #tpu.memory_space<vmem>>) dst(%dma_wait3A_3294 : memref<16x2600xi32, #tpu.memory_space<hbm>>)
        tpu.yield
      }) : () -> ()
    }
    %scan3A_11 = arith.constant 8 : i32
    return
  }
}

</mosaic_0001>

<sc_bundles>
// kernel: kernel.3.cloned.1.call-start
scs
__scs_entry_jumppad:
0x0: {  	(pc) =	sbr.rel $0x88, $3  }
0x1: {  	(tag) =	ssettag $0x0;
	lr =	simm.s32 $0x1  }
0x2: {  	[smem:$0x3FA0] =	sst lr;
	_ =	strace $0xD0000000  }
0x3: {  	_ = 	snop  }
0x4: {  	_ = 	snop  }
0x5: {  	_ = 	snop  }
0x6: {  	_ = 	snop  }
0x7: {  	_ = 	snop  }
__scs_overlays_trampoline_lowered:
0x8: {  	[smem:$0x3FAF] =	sst s0  }
0x9: {  	[smem:$0x3FB0] =	sst s1  }
0xa: {  	[smem:$0x3FB1] =	sst s2  }
0xb: {  	[smem:$0x3FB2] =	sst s3  }
0xc: {  	[smem:$0x3FB3] =	sst s4  }
0xd: {  	[smem:$0x3FB4] =	sst s5  }
0xe: {  	[smem:$0x3FB5] =	sst s6  }
0xf: {  	[smem:$0x3FB6] =	sst s7  }
0x10: {  	[smem:$0x3FB7] =	sst s8  }
0x11: {  	[smem:$0x3FB8] =	sst s9;
	s0 =	simm.s32 @!p0 $0x0  }
0x12: {  	s1 =	sld [smem:$0x3F9E];
	s0 =	simm.s32 @p0 $0x1  }
0x13: {  	[smem:$0x3FB9] =	sst s0;
	s0 =	simm.s32 @!p1 $0x0  }
0x14: {  	s2 =	sld [smem:$0x3F9D];
	s0 =	simm.s32 @p1 $0x1  }
0x15: {  	[smem:$0x3FBA] =	sst s0;
	s0 =	simm.s32 @!p2 $0x0  }
0x16: {  	s3 =	sld [smem:$0x3FDB];
	s0 =	simm.s32 @p2 $0x1  }
0x17: {  	s4 =	simm.s32 $0x1BF5;
	[smem:$0x3FBC] =	sst s0  }
0x18: {  	s0 =	sld [smem:$0x3F9F];
	_ =	swait.ge [sflag:s4], $0x0  }
0x19: {  	s7 =	sld [smem:$0x3FA0]  }
0x1a: {  	s8 =	sadd.s32 $0xFFFFE003, lr  }
0x1b: {  	s9 =	sadd.s32 $0xFFFFFEF7, lr;
	s5 =	simm.s32 $0xFFFFFFFF;
	p2 =	slt.u32 s8, $0xFFFFF086  }
0x1c: {  	p1 =	slt.u32 s9, $0xF7A;
	s5 =	simm.s32 @!p2 $0x0  }
0x1d: {  	s5 =	simm.s32 @p1 $0x1;
	p0 =	seq.s32 s7, s2  }
0x1e: {  	s7 =	smul.u32 @!p0 $0xF7A, s2;
	p2 =	seq.s32 @!p0 s5, $0x0  }
0x1f: {  	s9 =	smul.u32 $0xF7A, s1;
	s8 =	simm.s32 @!p0 $0x1BF5;
	p2 =	por !p2, p0  }
0x20: {  	[sflag:s8] =	ssyncset.s32 @!p0 $0xFFFFF086;
	s6 =	sadd.s32 @!p0 s3, s7;
	s7 =	simm.s32 @!p0 $0x108  }
0x21: {  	s3 =	sadd.s32 s3, s9;
	s6 =	sadd.s32 @!p0 $0x88, s6;
	s7 =	simm.s32 @p2 $0x1082  }
0x22: {  	[simem:s7], [sflag:s8] =	dma.local @!p0 [hbm:s6], $0xF7A  }
0x23: {  	s9 =	sor.u32 $0xD0000000, s2;
	s6 =	simm.s32 $0x108;
	_ =	swait.ge @!p0 [sflag:s8], $0x0  }
0x24: {  	s3 =	sadd.s32 $0x88, s3;
	s6 =	simm.s32 @!p1 $0x1082;
	[sflag:s4] =	ssyncset.s32 $0xFFFFF086  }
0x25: {  	[simem:s6], [sflag:s4] =	dma.local [hbm:s3], $0xF7A  }
0x26: {  	[smem:$0x3FA0] =	sst s1;
	(tag) =	ssettag s2;
	_ =	strace s9  }
0x27: {  	s1 =	sld [smem:$0x3FB0]  }
0x28: {  	s2 =	sld [smem:$0x3FB1]  }
0x29: {  	s4 =	sld [smem:$0x3FB3]  }
0x2a: {  	p0 =	seq.s32 s5, $0x0;
	s5 =	sld [smem:$0x3FB4]  }
0x2b: {  	s6 =	sld [smem:$0x3FB5]  }
0x2c: {  	s7 =	sld [smem:$0x3FB6]  }
0x2d: {  	s3 =	simm.s32 $0x108;
	s8 =	sld [smem:$0x3FB7]  }
0x2e: {  	s3 =	simm.s32 @!p0 $0x1082;
	s9 =	sld [smem:$0x3FB8]  }
0x2f: {  	lr =	sadd.s32 s0, s3;
	s0 =	sld [smem:$0x3FAF]  }
0x30: {  	s3 =	sld [smem:$0x3FB2]  }
0x31: {  	[smem:$0x3FBB] =	sst s10  }
0x32: {  	s10 =	sld [smem:$0x3FB9];
	_ =	sdelay $0x3  }
0x33: {  	p0 =	seq.s32 s10, $0x1;
	s10 =	sld [smem:$0x3FBB];
	_ =	sdelay $0x3  }
0x34: {  	[smem:$0x3FBB] =	sst s10  }
0x35: {  	s10 =	sld [smem:$0x3FBA];
	_ =	sdelay $0x3  }
0x36: {  	p1 =	seq.s32 s10, $0x1;
	s10 =	sld [smem:$0x3FBB];
	_ =	sdelay $0x3  }
0x37: {  	[smem:$0x3FBB] =	sst s10  }
0x38: {  	s10 =	sld [smem:$0x3FBC]  }
0x39: {  	_ = 	snop;
	(pc) =	sbr.ind lr, $3  }
0x3a: {  	_ = 	snop  }
0x3b: {  	_ = 	snop  }
0x3c: {  	p2 =	seq.s32 s10, $0x1;
	s10 =	sld [smem:$0x3FBB]  }
0x3d: {  	_ =	shalt  }
0x3e: {  	_ =	shalt  }
0x3f: {  	_ =	shalt  }
0x40: {  	_ =	shalt  }
0x41: {  	_ =	shalt  }
0x42: {  	_ =	shalt  }
0x43: {  	_ =	shalt  }
0x44: {  	_ =	shalt  }
0x45: {  	_ =	shalt  }
0x46: {  	_ =	shalt  }
0x47: {  	_ =	shalt  }
0x48: {  	_ =	shalt  }
0x49: {  	_ =	shalt  }
0x4a: {  	_ =	shalt  }
0x4b: {  	_ =	shalt  }
0x4c: {  	_ =	shalt  }
0x4d: {  	_ =	shalt  }
0x4e: {  	_ =	shalt  }
0x4f: {  	_ =	shalt  }
0x50: {  	_ =	shalt  }
0x51: {  	_ =	shalt  }
0x52: {  	_ =	shalt  }
0x53: {  	_ =	shalt  }
0x54: {  	_ =	shalt  }
0x55: {  	_ =	shalt  }
0x56: {  	_ =	shalt  }
0x57: {  	_ =	shalt  }
0x58: {  	_ =	shalt  }
0x59: {  	_ =	shalt  }
0x5a: {  	_ =	shalt  }
0x5b: {  	_ =	shalt  }
0x5c: {  	_ =	shalt  }
0x5d: {  	_ =	shalt  }
0x5e: {  	_ =	shalt  }
0x5f: {  	_ =	shalt  }
0x60: {  	_ =	shalt  }
0x61: {  	_ =	shalt  }
0x62: {  	_ =	shalt  }
0x63: {  	_ =	shalt  }
0x64: {  	_ =	shalt  }
0x65: {  	_ =	shalt  }
0x66: {  	_ =	shalt  }
0x67: {  	_ =	shalt  }
0x68: {  	_ =	shalt  }
0x69: {  	_ =	shalt  }
0x6a: {  	_ =	shalt  }
0x6b: {  	_ =	shalt  }
0x6c: {  	_ =	shalt  }
0x6d: {  	_ =	shalt  }
0x6e: {  	_ =	shalt  }
0x6f: {  	_ =	shalt  }
0x70: {  	_ =	shalt  }
0x71: {  	_ =	shalt  }
0x72: {  	_ =	shalt  }
0x73: {  	_ =	shalt  }
0x74: {  	_ =	shalt  }
0x75: {  	_ =	shalt  }
0x76: {  	_ =	shalt  }
0x77: {  	_ =	shalt  }
0x78: {  	_ =	shalt  }
0x79: {  	_ =	shalt  }
0x7a: {  	_ =	shalt  }
0x7b: {  	_ =	shalt  }
0x7c: {  	_ =	shalt  }
0x7d: {  	_ =	shalt  }
0x7e: {  	_ =	shalt  }
0x7f: {  	_ =	shalt  }
0x80: {  	_ =	shalt  }
0x81: {  	_ =	shalt  }
0x82: {  	_ =	shalt  }
0x83: {  	_ =	shalt  }
0x84: {  	_ =	shalt  }
0x85: {  	_ =	shalt  }
0x86: {  	_ =	shalt  }
0x87: {  	_ =	shalt  }
.Lfunc_end0:
.L_simem_size_0:
called_computation_lowered:
.L_overlay_start_0:
0x88: {  	s2 =	sld [smem:$0x3FD9]  }
0x89: {  	s3 =	sld [smem:$0x3FFE];
	_ =	sdelay $0x1  }
0x8a: {  	s1 =	srdreg.scid  }
0x8b: {  	s0 =	sand.u32 $0x1, s1  }
0x8c: {  	s17 =	sshll.u32 s0, $0xA;
	s2 =	sadd.s32 s3, s2  }
0x8d: {  	s2 =	sadd.s32 s2, s17  }
0x8e: {  	[smem:$0x3FC7] =	sst s2  }
0x8f: {  	_ = 	snop  }
0x90: {  	s2 =	sld [smem:$0x3FD0];
	(tm) =	ssettm $0x1  }
0x91: {  	s18 =	sld [smem:$0x3FFB];
	_ =	sdelay $0x3  }
0x92: {  	_ =	strace s18  }
0x93: {  	s3 =	sld [smem:$0x3FFC];
	_ =	sdelay $0x3  }
0x94: {  	_ =	strace s3  }
0x95: {  	s3 =	sld [smem:$0x3FFD];
	_ =	sdelay $0x3  }
0x96: {  	_ =	strace s3  }
0x97: {  	_ =	strace $0x8FFFFFFF  }
0x98: {  	s19 =	sld [smem:$0x3FDB];
	_ =	sdelay $0x1  }
0x99: {  	s4 =	simm.s32 $_scs_section_size  }
0x9a: {  	s5 =	simm.s32 $_size__tile_overlayer_lowered;
	s6 =	simm.s32 $_tile_overlayer_lowered  }
0x9b: {  	s22 =	simm.s32 $0x1BFF;
	s21 =	sshll.u32 s6, $0x1;
	s3 =	sadd.s32 s4, s19  }
0x9c: {  	s7 =	simm.s32 $0x0;
	s20 =	sshll.u32 s5, $0x1;
	s5 =	sadd.s32 s21, s3  }
0x9d: {  	[timem:s7], [sflag:s22] =	dma.local [hbm:s5], s20  }
0x9e: {  	_ =	swait.ge [sflag:s22], s20  }
0x9f: {  	s4 =	ssub.s32 $0x0, s20;
	[sflag:s22] =	ssyncset.done $0x0  }
0xa0: {  	[sflag:s22] =	ssyncadd.s32 s4;
	_ =	sdelay $0x1  }
0xa1: {  	s23 =	simm.s32 $0x1B8B  }
0xa2: {  	_ =	swait.ge [sflag:s23], $0x1  }
0xa3: {  	[sflag:s23] =	ssyncset.done $0x0  }
0xa4: {  	s25 =	simm.s32 $0x1B8E;
	s24 =	sld [smem:$0x3FFE];
	[sflag:s23] =	ssyncadd.s32 $0xFFFFFFFF  }
0xa5: {  	s26 =	simm.s32 $execute0_lowered;
	[smem:$0x3FD2] =	sst s25  }
0xa6: {  	s5 =	sshll.u32 s26, $0x1;
	_ =	strace $0x80000046;
	[dreg:$0x1] =	wrdreg $0xFFFFFFFF  }
0xa7: {  	s28 =	simm.s32 $_size_execute0_lowered;
	s3 =	sadd.s32 s3, s5;
	[dreg:$0x0] =	wrdreg $0x0  }
0xa8: {  	s5 =	sshll.u32 s28, $0x1;
	[dreg:$0x2] =	wrdreg s3  }
0xa9: {  	[dreg:$0x3] =	wrdreg s5  }
0xaa: {  	[dreg:$0x4] =	wrdreg $0xC0  }
0xab: {  	_ =	task [dreg:s7], $0x5FFFF  }
0xac: {  	[dreg:$0x1] =	wrdreg $0xFFFFFFFF  }
0xad: {  	[dreg:$0x0] =	wrdreg $0x60  }
0xae: {  	[dreg:$0x2] =	wrdreg s24  }
0xaf: {  	[dreg:$0x3] =	wrdreg s2  }
0xb0: {  	[dreg:$0x4] =	wrdreg $0x9  }
0xb1: {  	_ =	task.clear_ibuf [dreg:s7], $0x5FFFF;
	_ =	strace $0x90000046  }
0xb2: {  	s29 =	simm.s32 $0x9;
	_ =	strace $0x80000048  }
0xb3: {  	_ =	swait.ge [sflag:s29], $0x1  }
0xb4: {  	[sflag:s29] =	ssyncadd.s32 $0xFFFFFFFF  }
0xb5: {  	_ =	strace $0x90000048  }
0xb6: {  	_ =	sfence  }
0xb7: {  	s30 =	sld [smem:$0x0];
	_ =	sdelay $0x2  }
0xb8: {  	s31 =	sshll.u32 s1, $0xD;
	s1 =	sshrl.u32 s1, $0x2  }
0xb9: {  	s3 =	sand.u32 $0x4000, s31;
	s1 =	sadd.s32 s1, s30  }
0xba: {  	s0 =	sor.u32 s3, s0;
	s1 =	sshll.u32 s1, $0x11  }
0xbb: {  	s0 =	sor.u32 s1, s0  }
0xbc: {  	s0 =	sadd.s32 $0x8F2B, s0  }
0xbd: {  	[sflag:s0] =	ssyncadd.remote.s32 $0x1  }
0xbe: {  	_ =	sfence.sel $0xFFFF  }
0xbf: {  	[dreg:$0x0] =	wrdreg $0xFFFFFFFF;
	(pc) =	sbr.abs _section_cstart, $3  }
0xc0: {  	[dreg:$0x1] =	wrdreg $0xFFFFFFFF  }
0xc1: {  	_ =	task.clear_ibuf [dreg:s7], $0x2FFFF;
	_ =	strace $0x9FFFFFFF  }
0xc2: {  	(tm) =	ssettm $0x7FFFFFFF  }
0xc3: {  	_ =	shalt  }
tec
execute0_lowered:
.L_overlay_start_1:
0x0: {  	(tag) =	ssettag $0x1  }
0x1: {  	vm6 =	vcmask $0x300;
	v0 =	vimm.s32 $0x1F4  }
0x2: {  	vm5 =	vcmask $0x704;
	vm4 =	vcmask $0xB08;
	vm3 =	vcmask $0xF0C  }
0x3: {  	vm0 =	vcmask $0x1310;
	vm1 =	vcmask $0x1714;
	vm9 =	vcmask $0x1B18  }
0x4: {  	vm8 =	vcmask $0x1F1C;
	vm7 =	vcmask $0x2320;
	v1 =	vimm.s32 $0x640000C8  }
0x5: {  	vm2 =	vcmask $0x2724;
	v2 =	vimm.s32 $0x44C;
	vm10 =	vcmask $0x3328  }
0x6: {  	v3 =	vimm.s32 $0x2BC;
	v5 =	vimm.s32 $0x64;
	vm15 =	vcmask $0x1B10  }
0x7: {  	v6 =	vimm.s32 $0x12C;
	vm12 =	vcmask $0x2B20;
	v7 =	vimm.s32 $0x514  }
0x8: {  	vm13 =	vcmask $0x1308;
	v8 =	vimm.s32 $0x384;
	vm14 =	vcmask $0x2B28  }
0x9: {  	vm11 =	vcmask $0xF00;
	v10 =	vimm.s32 $0x5500;
	v11 =	vimm.s32 $0x180  }
0xa: {  	v12 =	vimm.s32 $0x5580;
	v16 =	vlaneseq.u32;
	v14 =	vimm.s32 $0x280  }
0xb: {  	v15 =	vimm.s32 $0x5680;
	v17 =	vimm.s32 $0x300;
	v18 =	vimm.s32 $0x5700  }
0xc: {  	v19 =	vimm.s32 $0x5780;
	v28 =	vimm.s32 $0x1;
	v0 =	vsel vm6, $0x640, v0  }
0xd: {  	v1 =	vunpack.c.0.s8.s32 v1;
	v2 =	vsel vm6, $0x898, v2;
	v5 =	vsel vm6, $0x4B0, v5  }
0xe: {  	v6 =	vsel vm6, $0x578, v6;
	v7 =	vsel vm6, $0x960, v7;
	v8 =	vsel vm6, $0x7D0, v8  }
0xf: {  	v10 =	vsel vm11, $0x5480, v10;
	v13 =	vmul.u32 $0x64, v16;
	v20 =	vshrl.u32 v16, $0x3  }
0x10: {  	v0 =	vsel vm5, $0x6A4, v0;
	v2 =	vsel vm5, $0x8FC, v2;
	v5 =	vsel vm5, $0x514, v5  }
0x11: {  	v6 =	vsel vm5, $0x5DC, v6;
	v7 =	vsel vm5, $0x9C4, v7;
	v8 =	vsel vm5, $0x834, v8  }
0x12: {  	v27 =	vmul.u32 $0x80, v20;
	v20 =	vimm.s32 $0x0;
	v0 =	vsel vm4, $0x708, v0  }
0x13: {  	v1 =	vand.u32 $0xFF, v1;
	v5 =	vsel vm4, $0x578, v5;
	v6 =	vsel vm4, $0x640, v6  }
0x14: {  	v21 =	vadd.s32 $0x258, v13;
	v22 =	vadd.s32 $0xC8, v13;
	v24 =	vadd.s32 $0x320, v13  }
0x15: {  	v25 =	vadd.s32 $0x190, v13;
	v26 =	vadd.s32 $0x3E8, v13;
	v0 =	vsel vm3, $0x76C, v0  }
0x16: {  	v5 =	vsel vm3, $0x5DC, v5;
	v6 =	vsel vm3, $0x6A4, v6;
	v7 =	vsel vm13, v1, v7  }
0x17: {  	vm13 =	vcmask $0x700;
	v23 =	vadd.s32 $0x180, v27;
	v27 =	vadd.s32 $0x5580, v27  }
0x18: {  	v0 =	vsel vm0, $0x7D0, v0;
	v5 =	vsel vm0, $0x640, v5;
	v6 =	vsel vm0, $0x708, v6  }
0x19: {  	v7 =	vsel vm1, $0x12C, v7;
	v14 =	vsel vm13, $0x200, v14;
	v15 =	vsel vm13, $0x5600, v15  }
0x1a: {  	v0 =	vsel vm1, $0x834, v0;
	v5 =	vsel vm1, $0x6A4, v5;
	v6 =	vsel vm1, $0x76C, v6  }
0x1b: {  	v7 =	vsel vm9, $0x190, v7;
	v0 =	vsel vm9, $0x898, v0;
	v5 =	vsel vm9, $0x708, v5  }
0x1c: {  	v6 =	vsel vm9, $0x7D0, v6;
	v7 =	vsel vm8, $0x1F4, v7;
	v0 =	vsel vm8, $0x8FC, v0  }
0x1d: {  	v5 =	vsel vm8, $0x76C, v5;
	v6 =	vsel vm8, $0x834, v6;
	v0 =	vsel vm7, $0x960, v0  }
0x1e: {  	v7 =	vsel vm7, $0x258, v7;
	v5 =	vsel vm7, $0x7D0, v5;
	v0 =	vsel vm2, $0x9C4, v0  }
0x1f: {  	v5 =	vsel vm2, $0x834, v5;
	v4 =	vsel vm10, v1, v0;
	v0 =	vsel vm4, $0x960, v2  }
0x20: {  	v2 =	vsel vm6, $0x708, v3;
	v3 =	vimm.s32 $0xC86400;
	vm6 =	vcmask $0x2318  }
0x21: {  	v5 =	vsel vm14, $0x898, v5;
	v2 =	vsel vm5, $0x76C, v2;
	v3 =	vunpack.c.0.s8.s32 v3  }
0x22: {  	vm10 =	vcmask $0x2700;
	v0 =	vsel vm3, $0x9C4, v0;
	v2 =	vsel vm4, $0x7D0, v2  }
0x23: {  	vm5 =	vcmask $0x3B30;
	v2 =	vsel vm3, $0x834, v2;
	v3 =	vand.u32 $0xFF, v3  }
0x24: {  	v2 =	vsel vm0, $0x898, v2;
	v0 =	vsel vm15, v3, v0;
	vm15 =	vcmask $0x2F2C  }
0x25: {  	v2 =	vsel vm1, $0x8FC, v2;
	v0 =	vsel vm8, $0x12C, v0;
	v5 =	vsel vm15, $0x8FC, v5  }
0x26: {  	v2 =	vsel vm9, $0x960, v2;
	v9 =	vsel vm7, $0x190, v0;
	v0 =	vsel vm7, $0x898, v6  }
0x27: {  	v6 =	vsel vm4, $0x898, v8;
	vm7 =	vcmask $0x3734;
	vm9 =	vcmask $0x3B38  }
0x28: {  	v2 =	vsel vm8, $0x9C4, v2;
	v0 =	vsel vm2, $0x8FC, v0;
	v6 =	vsel vm3, $0x8FC, v6  }
0x29: {  	v4 =	vsel vm7, $0x12C, v4;
	vm8 =	vcmask $0x3330;
	v2 =	vsel vm12, v3, v2  }
0x2a: {  	v0 =	vsel vm14, $0x960, v0;
	v6 =	vsel vm0, $0x960, v6;
	v5 =	vsel vm8, $0x960, v5  }
0x2b: {  	vm12 =	vcmask $0x3700;
	v0 =	vsel vm15, $0x9C4, v0;
	v6 =	vsel vm1, $0x9C4, v6  }
0x2c: {  	v2 =	vsel vm15, $0x12C, v2;
	v5 =	vsel vm7, $0x9C4, v5;
	v11 =	vsel vm12, $0x100, v11  }
0x2d: {  	v12 =	vsel vm12, $0x5500, v12;
	v0 =	vsel vm5, v3, v0;
	v1 =	vsel vm6, v1, v6  }
0x2e: {  	s1 =	srdreg.scid;
	s4 =	rddreg [dreg:$0x0];
	v3 =	vsel vm2, $0x1F4, v9;
	v6 =	vsel vm2, $0x2BC, v7;
	v2 =	vsel vm8, $0x190, v2  }
0x2f: {  	s0 =	stileid.u32;
	s7 =	rddreg [dreg:$0x1];
	v7 =	vimm.s32 $0x80;
	v1 =	vsel vm2, $0x12C, v1;
	v3 =	vsel vm14, $0x258, v3  }
0x30: {  	s3 =	sand.u32 $0x1, s1;
	s30 =	sshll.u32 s0, $0x8;
	s1 =	rddreg [dreg:$0x2];
	v6 =	vsel vm14, $0x320, v6;
	v8 =	vsel vm7, $0x1F4, v2;
	v2 =	vsel vm10, $0x0, v7  }
0x31: {  	s6 =	sshll.u32 s0, $0x1;
	s8 =	smul.u32 $0x1A00, s0;
	s2 =	sshll.u32 s3, $0x7;
	v3 =	vsel vm15, $0x2BC, v3;
	v1 =	vsel vm14, $0x190, v1;
	v6 =	vsel vm15, $0x384, v6  }
0x32: {  	s9 =	ssub.s32 $0x2, s3;
	s6 =	sor.u32 s3, s6;
	s10 =	smul.u32 $0xD00, s3;
	vm14 =	vcmask $0x2F00;
	v1 =	vsel vm15, $0x1F4, v1;
	v3 =	vsel vm8, $0x320, v3  }
0x33: {  	s3 =	sadd.s32 $0x400, s4;
	s5 =	sor.u32 s2, s30;
	s2 =	simm.s32 $0x0;
	v6 =	vsel vm8, $0x3E8, v6;
	v16 =	vsel vm14, $0x280, v17;
	v17 =	vsel vm14, $0x5680, v18  }
0x34: {  	s11 =	sshrl.u32 s9, $0x1;
	s6 =	smul.u32 $0x1A0, s6;
	s5 =	sshrl.u32 s5, $0x3;
	vm15 =	vcmask $0x1700;
	v18 =	vimm.s32 $0x380;
	v1 =	vsel vm8, $0x258, v1  }
0x35: {  	[smem:$0x7FF] =	sst s2;
	s31 =	ssub.s32 s9, s11;
	s8 =	sadd.s32 s10, s8;
	v3 =	vsel vm7, $0x384, v3;
	v6 =	vsel vm7, $0x44C, v6;
	v18 =	vsel vm15, $0x300, v18  }
0x36: {  	s9 =	simm.s32 $0xA800;
	s10 =	simm.s32 $0x2;
	s5 =	smul.u32 $0xA80, s5;
	v19 =	vsel vm15, $0x5700, v19;
	v9 =	vsel vm7, $0x2BC, v1;
	v1 =	vsel vm9, $0x190, v4  }
0x37: {  	s11 =	simm.s32 $0x0;
	_ =	strace $0x80000047;
	s8 =	sshrl.u32 s8, $0x3;
	v3 =	vsel vm9, $0x3E8, v3;
	v4 =	vsel vm9, $0x0, v5;
	v5 =	vsel vm9, $0x258, v8  }
0x38: {  	s12 =	sadd.s32 s5, s4;
	s4 =	sadd.s32 s7, s6;
	s5 =	smax.u32 s31, $0x1;
	v8 =	vimm.s32 $0x5480;
	v7 =	vsel vm9, $0x320, v9;
	v9 =	vimm.s32 $0x100  }
0x39: {  	s7 =	sadd.s32 s8, s7;
	s8 =	simm.s32 $0x1;
	s6 =	sadd.s32 $0x1A00, s12;
	v6 =	vsel vm9, $0x4B0, v6;
	v8 =	vsel vm10, $0x5400, v8;
	v9 =	vsel vm11, $0x80, v9  }
.LBB2_1:
0x3a: {  	[tilespmem:s2], [sflag:$0x1] =	stream.linear.gather [hbm4b:s3+s2], $0xA800, $0x38;
	[tilespmem:$0xAA00] =	vst v63  }
0x3b: {  	_ =	swait.ge [sflag:s8], $0xA800  }
0x3c: {  	[sflag:s8] =	ssyncset.done $0x0  }
0x3d: {  	[sflag:s8] =	ssyncadd.s32 $0xFFFF5800  }
0x3e: {  	[tilespmem:s9], [sflag:$0x2] =	stream.linear.gather [hbm4b:s4+s2], $0x1A0, $0x38;
	[tilespmem:$0xAA00] =	vst v63  }
0x3f: {  	_ =	swait.ge [sflag:s10], $0x1A0  }
0x40: {  	[sflag:s10] =	ssyncset.done $0x0  }
0x41: {  	s12 =	smov.u32 s6;
	s13 =	simm.s32 $0x0;
	[sflag:s10] =	ssyncadd.s32 $0xFFFFFE60  }
.LBB2_2:
0x42: {  	v29 =	vld [tilespmem:$0xA800];
	_ =	sdelay $0x4  }
0x43: {  	v29 =	vadd.s32 v13, v29  }
0x44: {  	v30 =	vshll.u32 v29, $0x3  }
0x45: {  	v29 =	vand.u32 $0x7F, v29;
	v30 =	vand.u32 $0xFFFFFC00, v30  }
0x46: {  	v29 =	vor.u32 v29, v30;
	_ =	sdelay $0x4  }
0x47: {  	[tilespmem:v29+s2+$0x0] =	vst.idx.msk $0xffff, v20  }
0x48: {  	v29 =	vld [tilespmem:$0xA810];
	_ =	sdelay $0x4  }
0x49: {  	v29 =	vadd.s32 v1, v29  }
0x4a: {  	v30 =	vshll.u32 v29, $0x3  }
0x4b: {  	v29 =	vand.u32 $0x7F, v29;
	v30 =	vand.u32 $0xFFFFFC00, v30  }
0x4c: {  	v29 =	vor.u32 v30, v29  }
0x4d: {  	v29 =	vor.u32 v2, v29;
	_ =	sdelay $0x4  }
0x4e: {  	[tilespmem:v29+s2+$0x0] =	vst.idx.msk $0xffff, v20  }
0x4f: {  	v29 =	vld [tilespmem:$0xA820];
	_ =	sdelay $0x4  }
0x50: {  	v29 =	vadd.s32 v21, v29  }
0x51: {  	v30 =	vshll.u32 v29, $0x3  }
0x52: {  	v29 =	vand.u32 $0x7F, v29;
	v30 =	vand.u32 $0xFFFFFC00, v30  }
0x53: {  	v29 =	vor.u32 v30, v29  }
0x54: {  	v29 =	vor.u32 $0x80, v29;
	_ =	sdelay $0x4  }
0x55: {  	[tilespmem:v29+s2+$0x0] =	vst.idx.msk $0xffff, v20  }
0x56: {  	v29 =	vld [tilespmem:$0xA830];
	_ =	sdelay $0x4  }
0x57: {  	v29 =	vadd.s32 v3, v29  }
0x58: {  	v30 =	vshll.u32 v29, $0x3  }
0x59: {  	v29 =	vand.u32 $0x7F, v29;
	v30 =	vand.u32 $0xFFFFFC00, v30  }
0x5a: {  	v29 =	vor.u32 v30, v29  }
0x5b: {  	v29 =	vor.u32 v9, v29;
	_ =	sdelay $0x4  }
0x5c: {  	[tilespmem:v29+s2+$0x0] =	vst.idx.msk $0xffff, v20  }
0x5d: {  	v29 =	vld [tilespmem:$0xA840];
	_ =	sdelay $0x4  }
0x5e: {  	v29 =	vadd.s32 v4, v29  }
0x5f: {  	v30 =	vshll.u32 v29, $0x3  }
0x60: {  	v29 =	vand.u32 $0x7F, v29;
	v30 =	vand.u32 $0xFFFFFC00, v30  }
0x61: {  	v29 =	vor.u32 v30, v29  }
0x62: {  	v29 =	vor.u32 v11, v29;
	_ =	sdelay $0x4  }
0x63: {  	[tilespmem:v29+s2+$0x0] =	vst.idx.msk $0xffff, v20  }
0x64: {  	v29 =	vld [tilespmem:$0xA850];
	_ =	sdelay $0x4  }
0x65: {  	v29 =	vadd.s32 v22, v29  }
0x66: {  	v30 =	vshll.u32 v29, $0x3  }
0x67: {  	v29 =	vand.u32 $0x7F, v29;
	v30 =	vand.u32 $0xFFFFFC00, v30  }
0x68: {  	v29 =	vor.u32 v30, v29  }
0x69: {  	v29 =	vor.u32 $0x180, v29;
	_ =	sdelay $0x4  }
0x6a: {  	[tilespmem:v29+s2+$0x0] =	vst.idx.msk $0xffff, v20  }
0x6b: {  	v29 =	vld [tilespmem:$0xA860];
	_ =	sdelay $0x4  }
0x6c: {  	v29 =	vadd.s32 v5, v29  }
0x6d: {  	v30 =	vshll.u32 v29, $0x3  }
0x6e: {  	v29 =	vand.u32 $0x7F, v29;
	v30 =	vand.u32 $0xFFFFFC00, v30  }
0x6f: {  	v29 =	vor.u32 v30, v29  }
0x70: {  	v29 =	vor.u32 v23, v29;
	_ =	sdelay $0x4  }
0x71: {  	[tilespmem:v29+s2+$0x0] =	vst.idx.msk $0xffff, v20  }
0x72: {  	v29 =	vld [tilespmem:$0xA870];
	_ =	sdelay $0x4  }
0x73: {  	v29 =	vadd.s32 v24, v29  }
0x74: {  	v30 =	vshll.u32 v29, $0x3  }
0x75: {  	v29 =	vand.u32 $0x7F, v29;
	v30 =	vand.u32 $0xFFFFFC00, v30  }
0x76: {  	v29 =	vor.u32 v30, v29  }
0x77: {  	v29 =	vor.u32 $0x200, v29;
	_ =	sdelay $0x4  }
0x78: {  	[tilespmem:v29+s2+$0x0] =	vst.idx.msk $0xffff, v20  }
0x79: {  	v29 =	vld [tilespmem:$0xA880];
	_ =	sdelay $0x4  }
0x7a: {  	v29 =	vadd.s32 v6, v29  }
0x7b: {  	v30 =	vshll.u32 v29, $0x3  }
0x7c: {  	v29 =	vand.u32 $0x7F, v29;
	v30 =	vand.u32 $0xFFFFFC00, v30  }
0x7d: {  	v29 =	vor.u32 v30, v29  }
0x7e: {  	v29 =	vor.u32 v14, v29;
	_ =	sdelay $0x4  }
0x7f: {  	[tilespmem:v29+s2+$0x0] =	vst.idx.msk $0xffff, v20  }
0x80: {  	v29 =	vld [tilespmem:$0xA890];
	_ =	sdelay $0x4  }
0x81: {  	v29 =	vadd.s32 v0, v29  }
0x82: {  	v30 =	vshll.u32 v29, $0x3  }
0x83: {  	v29 =	vand.u32 $0x7F, v29;
	v30 =	vand.u32 $0xFFFFFC00, v30  }
0x84: {  	v29 =	vor.u32 v30, v29  }
0x85: {  	v29 =	vor.u32 v16, v29;
	_ =	sdelay $0x4  }
0x86: {  	[tilespmem:v29+s2+$0x0] =	vst.idx.msk $0xffff, v20  }
0x87: {  	v29 =	vld [tilespmem:$0xA8A0];
	_ =	sdelay $0x4  }
0x88: {  	v29 =	vadd.s32 v25, v29  }
0x89: {  	v30 =	vshll.u32 v29, $0x3  }
0x8a: {  	v29 =	vand.u32 $0x7F, v29;
	v30 =	vand.u32 $0xFFFFFC00, v30  }
0x8b: {  	v29 =	vor.u32 v30, v29  }
0x8c: {  	v29 =	vor.u32 $0x300, v29;
	_ =	sdelay $0x4  }
0x8d: {  	[tilespmem:v29+s2+$0x0] =	vst.idx.msk $0xffff, v20  }
0x8e: {  	v29 =	vld [tilespmem:$0xA8B0];
	_ =	sdelay $0x4  }
0x8f: {  	v29 =	vadd.s32 v7, v29  }
0x90: {  	v30 =	vshll.u32 v29, $0x3  }
0x91: {  	v29 =	vand.u32 $0x7F, v29;
	v30 =	vand.u32 $0xFFFFFC00, v30  }
0x92: {  	v29 =	vor.u32 v30, v29  }
0x93: {  	v29 =	vor.u32 v18, v29;
	_ =	sdelay $0x4  }
0x94: {  	[tilespmem:v29+s2+$0x0] =	vst.idx.msk $0xffff, v20  }
0x95: {  	v29 =	vld [tilespmem:$0xA8C0];
	_ =	sdelay $0x4  }
0x96: {  	v29 =	vadd.s32 v26, v29  }
0x97: {  	v30 =	vshll.u32 v29, $0x3  }
0x98: {  	v29 =	vand.u32 $0x7F, v29;
	v30 =	vand.u32 $0xFFFFFC00, v30  }
0x99: {  	v29 =	vor.u32 v30, v29  }
0x9a: {  	v29 =	vor.u32 $0x380, v29;
	_ =	sdelay $0x4  }
0x9b: {  	[tilespmem:v29+s2+$0x0] =	vst.idx.msk $0xffff, v20  }
0x9c: {  	v29 =	vld [tilespmem:$0xA8D0];
	_ =	sdelay $0x4  }
0x9d: {  	v29 =	vadd.s32 v13, v29  }
0x9e: {  	v30 =	vshll.u32 v29, $0x3  }
0x9f: {  	v29 =	vand.u32 $0x7F, v29;
	v30 =	vand.u32 $0xFFFFFC00, v30  }
0xa0: {  	v29 =	vor.u32 v29, v30  }
0xa1: {  	v29 =	vadd.s32 $0x5400, v29;
	_ =	sdelay $0x4  }
0xa2: {  	[tilespmem:v29+s2+$0x0] =	vst.idx.msk $0xffff, v20  }
0xa3: {  	v29 =	vld [tilespmem:$0xA8E0];
	_ =	sdelay $0x4  }
0xa4: {  	v29 =	vadd.s32 v1, v29  }
0xa5: {  	v30 =	vshll.u32 v29, $0x3  }
0xa6: {  	v29 =	vand.u32 $0x7F, v29;
	v30 =	vand.u32 $0xFFFFFC00, v30  }
0xa7: {  	v29 =	vor.u32 v29, v30  }
0xa8: {  	v29 =	vadd.s32 v8, v29;
	_ =	sdelay $0x4  }
0xa9: {  	[tilespmem:v29+s2+$0x0] =	vst.idx.msk $0xffff, v20  }
0xaa: {  	v29 =	vld [tilespmem:$0xA8F0];
	_ =	sdelay $0x4  }
0xab: {  	v29 =	vadd.s32 v21, v29  }
0xac: {  	v30 =	vshll.u32 v29, $0x3  }
0xad: {  	v29 =	vand.u32 $0x7F, v29;
	v30 =	vand.u32 $0xFFFFFC00, v30  }
0xae: {  	v29 =	vor.u32 v29, v30  }
0xaf: {  	v29 =	vadd.s32 $0x5480, v29;
	_ =	sdelay $0x4  }
0xb0: {  	[tilespmem:v29+s2+$0x0] =	vst.idx.msk $0xffff, v20  }
0xb1: {  	v29 =	vld [tilespmem:$0xA900];
	_ =	sdelay $0x4  }
0xb2: {  	v29 =	vadd.s32 v3, v29  }
0xb3: {  	v30 =	vshll.u32 v29, $0x3  }
0xb4: {  	v29 =	vand.u32 $0x7F, v29;
	v30 =	vand.u32 $0xFFFFFC00, v30  }
0xb5: {  	v29 =	vor.u32 v29, v30  }
0xb6: {  	v29 =	vadd.s32 v10, v29;
	_ =	sdelay $0x4  }
0xb7: {  	[tilespmem:v29+s2+$0x0] =	vst.idx.msk $0xffff, v20  }
0xb8: {  	v29 =	vld [tilespmem:$0xA910];
	_ =	sdelay $0x4  }
0xb9: {  	v29 =	vadd.s32 v4, v29  }
0xba: {  	v30 =	vshll.u32 v29, $0x3  }
0xbb: {  	v29 =	vand.u32 $0x7F, v29;
	v30 =	vand.u32 $0xFFFFFC00, v30  }
0xbc: {  	v29 =	vor.u32 v29, v30  }
0xbd: {  	v29 =	vadd.s32 v12, v29;
	_ =	sdelay $0x4  }
0xbe: {  	[tilespmem:v29+s2+$0x0] =	vst.idx.msk $0xffff, v20  }
0xbf: {  	v29 =	vld [tilespmem:$0xA920];
	_ =	sdelay $0x4  }
0xc0: {  	v29 =	vadd.s32 v22, v29  }
0xc1: {  	v30 =	vshll.u32 v29, $0x3  }
0xc2: {  	v29 =	vand.u32 $0x7F, v29;
	v30 =	vand.u32 $0xFFFFFC00, v30  }
0xc3: {  	v29 =	vor.u32 v29, v30  }
0xc4: {  	v29 =	vadd.s32 $0x5580, v29;
	_ =	sdelay $0x4  }
0xc5: {  	[tilespmem:v29+s2+$0x0] =	vst.idx.msk $0xffff, v20  }
0xc6: {  	v29 =	vld [tilespmem:$0xA930];
	_ =	sdelay $0x4  }
0xc7: {  	v29 =	vadd.s32 v5, v29  }
0xc8: {  	v30 =	vshll.u32 v29, $0x3  }
0xc9: {  	v29 =	vand.u32 $0x7F, v29;
	v30 =	vand.u32 $0xFFFFFC00, v30  }
0xca: {  	v29 =	vor.u32 v29, v30  }
0xcb: {  	v29 =	vadd.s32 v27, v29;
	_ =	sdelay $0x4  }
0xcc: {  	[tilespmem:v29+s2+$0x0] =	vst.idx.msk $0xffff, v20  }
0xcd: {  	v29 =	vld [tilespmem:$0xA940];
	_ =	sdelay $0x4  }
0xce: {  	v29 =	vadd.s32 v24, v29  }
0xcf: {  	v30 =	vshll.u32 v29, $0x3  }
0xd0: {  	v29 =	vand.u32 $0x7F, v29;
	v30 =	vand.u32 $0xFFFFFC00, v30  }
0xd1: {  	v29 =	vor.u32 v29, v30  }
0xd2: {  	v29 =	vadd.s32 $0x5600, v29;
	_ =	sdelay $0x4  }
0xd3: {  	[tilespmem:v29+s2+$0x0] =	vst.idx.msk $0xffff, v20  }
0xd4: {  	v29 =	vld [tilespmem:$0xA950];
	_ =	sdelay $0x4  }
0xd5: {  	v29 =	vadd.s32 v6, v29  }
0xd6: {  	v30 =	vshll.u32 v29, $0x3  }
0xd7: {  	v29 =	vand.u32 $0x7F, v29;
	v30 =	vand.u32 $0xFFFFFC00, v30  }
0xd8: {  	v29 =	vor.u32 v29, v30  }
0xd9: {  	v29 =	vadd.s32 v15, v29;
	_ =	sdelay $0x4  }
0xda: {  	[tilespmem:v29+s2+$0x0] =	vst.idx.msk $0xffff, v20  }
0xdb: {  	v29 =	vld [tilespmem:$0xA960];
	_ =	sdelay $0x4  }
0xdc: {  	v29 =	vadd.s32 v0, v29  }
0xdd: {  	v30 =	vshll.u32 v29, $0x3  }
0xde: {  	v29 =	vand.u32 $0x7F, v29;
	v30 =	vand.u32 $0xFFFFFC00, v30  }
0xdf: {  	v29 =	vor.u32 v29, v30  }
0xe0: {  	v29 =	vadd.s32 v17, v29;
	_ =	sdelay $0x4  }
0xe1: {  	[tilespmem:v29+s2+$0x0] =	vst.idx.msk $0xffff, v20  }
0xe2: {  	v29 =	vld [tilespmem:$0xA970];
	_ =	sdelay $0x4  }
0xe3: {  	v29 =	vadd.s32 v25, v29  }
0xe4: {  	v30 =	vshll.u32 v29, $0x3  }
0xe5: {  	v29 =	vand.u32 $0x7F, v29;
	v30 =	vand.u32 $0xFFFFFC00, v30  }
0xe6: {  	v29 =	vor.u32 v29, v30  }
0xe7: {  	v29 =	vadd.s32 $0x5700, v29;
	_ =	sdelay $0x4  }
0xe8: {  	[tilespmem:v29+s2+$0x0] =	vst.idx.msk $0xffff, v20  }
0xe9: {  	v29 =	vld [tilespmem:$0xA980];
	_ =	sdelay $0x4  }
0xea: {  	v29 =	vadd.s32 v7, v29  }
0xeb: {  	v30 =	vshll.u32 v29, $0x3  }
0xec: {  	v29 =	vand.u32 $0x7F, v29;
	v30 =	vand.u32 $0xFFFFFC00, v30  }
0xed: {  	v29 =	vor.u32 v29, v30  }
0xee: {  	v29 =	vadd.s32 v19, v29;
	_ =	sdelay $0x4  }
0xef: {  	[tilespmem:v29+s2+$0x0] =	vst.idx.msk $0xffff, v20  }
0xf0: {  	v29 =	vld [tilespmem:$0xA990];
	_ =	sdelay $0x4  }
0xf1: {  	v29 =	vadd.s32 v26, v29  }
0xf2: {  	v30 =	vshll.u32 v29, $0x3  }
0xf3: {  	v29 =	vand.u32 $0x7F, v29;
	v30 =	vand.u32 $0xFFFFFC00, v30  }
0xf4: {  	v29 =	vor.u32 v29, v30  }
0xf5: {  	v29 =	vadd.s32 $0x5780, v29;
	_ =	sdelay $0x4  }
0xf6: {  	s14 =	sadd.s32 s13, s7;
	[tilespmem:v29+s2+$0x0] =	vst.idx.msk $0xffff, v20  }
0xf7: {  	[tilespmem:s9], [sflag:$0x2] =	stream.linear.gather [hbm4b:s14+s2], $0x1A0, $0x38;
	[tilespmem:$0xAA00] =	vst v63  }
0xf8: {  	_ =	swait.ge [sflag:s10], $0x1A0  }
0xf9: {  	[sflag:s10] =	ssyncset.done $0x0  }
0xfa: {  	[sflag:s10] =	ssyncadd.s32 $0xFFFFFE60  }
0xfb: {  	v29 =	vld [tilespmem:$0xA800];
	_ =	sdelay $0x4  }
0xfc: {  	v29 =	vadd.s32 v13, v29  }
0xfd: {  	v30 =	vshll.u32 v29, $0x3  }
0xfe: {  	v29 =	vand.u32 $0x7F, v29;
	v30 =	vand.u32 $0xFFFFFC00, v30  }
0xff: {  	v29 =	vor.u32 v29, v30;
	_ =	sdelay $0x4  }
0x100: {  	[tilespmem:v29+s2+$0x0] =	vst.idx.msk $0xffff, v28  }
0x101: {  	v29 =	vld [tilespmem:$0xA810];
	_ =	sdelay $0x4  }
0x102: {  	v29 =	vadd.s32 v1, v29  }
0x103: {  	v30 =	vshll.u32 v29, $0x3  }
0x104: {  	v29 =	vand.u32 $0x7F, v29;
	v30 =	vand.u32 $0xFFFFFC00, v30  }
0x105: {  	v29 =	vor.u32 v30, v29  }
0x106: {  	v29 =	vor.u32 v2, v29;
	_ =	sdelay $0x4  }
0x107: {  	[tilespmem:v29+s2+$0x0] =	vst.idx.msk $0xffff, v28  }
0x108: {  	v29 =	vld [tilespmem:$0xA820];
	_ =	sdelay $0x4  }
0x109: {  	v29 =	vadd.s32 v21, v29  }
0x10a: {  	v30 =	vshll.u32 v29, $0x3  }
0x10b: {  	v29 =	vand.u32 $0x7F, v29;
	v30 =	vand.u32 $0xFFFFFC00, v30  }
0x10c: {  	v29 =	vor.u32 v30, v29  }
0x10d: {  	v29 =	vor.u32 $0x80, v29;
	_ =	sdelay $0x4  }
0x10e: {  	[tilespmem:v29+s2+$0x0] =	vst.idx.msk $0xffff, v28  }
0x10f: {  	v29 =	vld [tilespmem:$0xA830];
	_ =	sdelay $0x4  }
0x110: {  	v29 =	vadd.s32 v3, v29  }
0x111: {  	v30 =	vshll.u32 v29, $0x3  }
0x112: {  	v29 =	vand.u32 $0x7F, v29;
	v30 =	vand.u32 $0xFFFFFC00, v30  }
0x113: {  	v29 =	vor.u32 v30, v29  }
0x114: {  	v29 =	vor.u32 v9, v29;
	_ =	sdelay $0x4  }
0x115: {  	[tilespmem:v29+s2+$0x0] =	vst.idx.msk $0xffff, v28  }
0x116: {  	v29 =	vld [tilespmem:$0xA840];
	_ =	sdelay $0x4  }
0x117: {  	v29 =	vadd.s32 v4, v29  }
0x118: {  	v30 =	vshll.u32 v29, $0x3  }
0x119: {  	v29 =	vand.u32 $0x7F, v29;
	v30 =	vand.u32 $0xFFFFFC00, v30  }
0x11a: {  	v29 =	vor.u32 v30, v29  }
0x11b: {  	v29 =	vor.u32 v11, v29;
	_ =	sdelay $0x4  }
0x11c: {  	[tilespmem:v29+s2+$0x0] =	vst.idx.msk $0xffff, v28  }
0x11d: {  	v29 =	vld [tilespmem:$0xA850];
	_ =	sdelay $0x4  }
0x11e: {  	v29 =	vadd.s32 v22, v29  }
0x11f: {  	v30 =	vshll.u32 v29, $0x3  }
0x120: {  	v29 =	vand.u32 $0x7F, v29;
	v30 =	vand.u32 $0xFFFFFC00, v30  }
0x121: {  	v29 =	vor.u32 v30, v29  }
0x122: {  	v29 =	vor.u32 $0x180, v29;
	_ =	sdelay $0x4  }
0x123: {  	[tilespmem:v29+s2+$0x0] =	vst.idx.msk $0xffff, v28  }
0x124: {  	v29 =	vld [tilespmem:$0xA860];
	_ =	sdelay $0x4  }
0x125: {  	v29 =	vadd.s32 v5, v29  }
0x126: {  	v30 =	vshll.u32 v29, $0x3  }
0x127: {  	v29 =	vand.u32 $0x7F, v29;
	v30 =	vand.u32 $0xFFFFFC00, v30  }
0x128: {  	v29 =	vor.u32 v30, v29  }
0x129: {  	v29 =	vor.u32 v23, v29;
	_ =	sdelay $0x4  }
0x12a: {  	[tilespmem:v29+s2+$0x0] =	vst.idx.msk $0xffff, v28  }
0x12b: {  	v29 =	vld [tilespmem:$0xA870];
	_ =	sdelay $0x4  }
0x12c: {  	v29 =	vadd.s32 v24, v29  }
0x12d: {  	v30 =	vshll.u32 v29, $0x3  }
0x12e: {  	v29 =	vand.u32 $0x7F, v29;
	v30 =	vand.u32 $0xFFFFFC00, v30  }
0x12f: {  	v29 =	vor.u32 v30, v29  }
0x130: {  	v29 =	vor.u32 $0x200, v29;
	_ =	sdelay $0x4  }
0x131: {  	[tilespmem:v29+s2+$0x0] =	vst.idx.msk $0xffff, v28  }
0x132: {  	v29 =	vld [tilespmem:$0xA880];
	_ =	sdelay $0x4  }
0x133: {  	v29 =	vadd.s32 v6, v29  }
0x134: {  	v30 =	vshll.u32 v29, $0x3  }
0x135: {  	v29 =	vand.u32 $0x7F, v29;
	v30 =	vand.u32 $0xFFFFFC00, v30  }
0x136: {  	v29 =	vor.u32 v30, v29  }
0x137: {  	v29 =	vor.u32 v14, v29;
	_ =	sdelay $0x4  }
0x138: {  	[tilespmem:v29+s2+$0x0] =	vst.idx.msk $0xffff, v28  }
0x139: {  	v29 =	vld [tilespmem:$0xA890];
	_ =	sdelay $0x4  }
0x13a: {  	v29 =	vadd.s32 v0, v29  }
0x13b: {  	v30 =	vshll.u32 v29, $0x3  }
0x13c: {  	v29 =	vand.u32 $0x7F, v29;
	v30 =	vand.u32 $0xFFFFFC00, v30  }
0x13d: {  	v29 =	vor.u32 v30, v29  }
0x13e: {  	v29 =	vor.u32 v16, v29;
	_ =	sdelay $0x4  }
0x13f: {  	[tilespmem:v29+s2+$0x0] =	vst.idx.msk $0xffff, v28  }
0x140: {  	v29 =	vld [tilespmem:$0xA8A0];
	_ =	sdelay $0x4  }
0x141: {  	v29 =	vadd.s32 v25, v29  }
0x142: {  	v30 =	vshll.u32 v29, $0x3  }
0x143: {  	v29 =	vand.u32 $0x7F, v29;
	v30 =	vand.u32 $0xFFFFFC00, v30  }
0x144: {  	v29 =	vor.u32 v30, v29  }
0x145: {  	v29 =	vor.u32 $0x300, v29;
	_ =	sdelay $0x4  }
0x146: {  	[tilespmem:v29+s2+$0x0] =	vst.idx.msk $0xffff, v28  }
0x147: {  	v29 =	vld [tilespmem:$0xA8B0];
	_ =	sdelay $0x4  }
0x148: {  	v29 =	vadd.s32 v7, v29  }
0x149: {  	v30 =	vshll.u32 v29, $0x3  }
0x14a: {  	v29 =	vand.u32 $0x7F, v29;
	v30 =	vand.u32 $0xFFFFFC00, v30  }
0x14b: {  	v29 =	vor.u32 v30, v29  }
0x14c: {  	v29 =	vor.u32 v18, v29;
	_ =	sdelay $0x4  }
0x14d: {  	[tilespmem:v29+s2+$0x0] =	vst.idx.msk $0xffff, v28  }
0x14e: {  	v29 =	vld [tilespmem:$0xA8C0];
	_ =	sdelay $0x4  }
0x14f: {  	v29 =	vadd.s32 v26, v29  }
0x150: {  	v30 =	vshll.u32 v29, $0x3  }
0x151: {  	v29 =	vand.u32 $0x7F, v29;
	v30 =	vand.u32 $0xFFFFFC00, v30  }
0x152: {  	v29 =	vor.u32 v30, v29  }
0x153: {  	v29 =	vor.u32 $0x380, v29;
	_ =	sdelay $0x4  }
0x154: {  	[tilespmem:v29+s2+$0x0] =	vst.idx.msk $0xffff, v28  }
0x155: {  	v29 =	vld [tilespmem:$0xA8D0];
	_ =	sdelay $0x4  }
0x156: {  	v29 =	vadd.s32 v13, v29  }
0x157: {  	v30 =	vshll.u32 v29, $0x3  }
0x158: {  	v29 =	vand.u32 $0x7F, v29;
	v30 =	vand.u32 $0xFFFFFC00, v30  }
0x159: {  	v29 =	vor.u32 v29, v30  }
0x15a: {  	v29 =	vadd.s32 $0x5400, v29;
	_ =	sdelay $0x4  }
0x15b: {  	[tilespmem:v29+s2+$0x0] =	vst.idx.msk $0xffff, v28  }
0x15c: {  	v29 =	vld [tilespmem:$0xA8E0];
	_ =	sdelay $0x4  }
0x15d: {  	v29 =	vadd.s32 v1, v29  }
0x15e: {  	v30 =	vshll.u32 v29, $0x3  }
0x15f: {  	v29 =	vand.u32 $0x7F, v29;
	v30 =	vand.u32 $0xFFFFFC00, v30  }
0x160: {  	v29 =	vor.u32 v29, v30  }
0x161: {  	v29 =	vadd.s32 v8, v29;
	_ =	sdelay $0x4  }
0x162: {  	[tilespmem:v29+s2+$0x0] =	vst.idx.msk $0xffff, v28  }
0x163: {  	v29 =	vld [tilespmem:$0xA8F0];
	_ =	sdelay $0x4  }
0x164: {  	v29 =	vadd.s32 v21, v29  }
0x165: {  	v30 =	vshll.u32 v29, $0x3  }
0x166: {  	v29 =	vand.u32 $0x7F, v29;
	v30 =	vand.u32 $0xFFFFFC00, v30  }
0x167: {  	v29 =	vor.u32 v29, v30  }
0x168: {  	v29 =	vadd.s32 $0x5480, v29;
	_ =	sdelay $0x4  }
0x169: {  	[tilespmem:v29+s2+$0x0] =	vst.idx.msk $0xffff, v28  }
0x16a: {  	v29 =	vld [tilespmem:$0xA900];
	_ =	sdelay $0x4  }
0x16b: {  	v29 =	vadd.s32 v3, v29  }
0x16c: {  	v30 =	vshll.u32 v29, $0x3  }
0x16d: {  	v29 =	vand.u32 $0x7F, v29;
	v30 =	vand.u32 $0xFFFFFC00, v30  }
0x16e: {  	v29 =	vor.u32 v29, v30  }
0x16f: {  	v29 =	vadd.s32 v10, v29;
	_ =	sdelay $0x4  }
0x170: {  	[tilespmem:v29+s2+$0x0] =	vst.idx.msk $0xffff, v28  }
0x171: {  	v29 =	vld [tilespmem:$0xA910];
	_ =	sdelay $0x4  }
0x172: {  	v29 =	vadd.s32 v4, v29  }
0x173: {  	v30 =	vshll.u32 v29, $0x3  }
0x174: {  	v29 =	vand.u32 $0x7F, v29;
	v30 =	vand.u32 $0xFFFFFC00, v30  }
0x175: {  	v29 =	vor.u32 v29, v30  }
0x176: {  	v29 =	vadd.s32 v12, v29;
	_ =	sdelay $0x4  }
0x177: {  	[tilespmem:v29+s2+$0x0] =	vst.idx.msk $0xffff, v28  }
0x178: {  	v29 =	vld [tilespmem:$0xA920];
	_ =	sdelay $0x4  }
0x179: {  	v29 =	vadd.s32 v22, v29  }
0x17a: {  	v30 =	vshll.u32 v29, $0x3  }
0x17b: {  	v29 =	vand.u32 $0x7F, v29;
	v30 =	vand.u32 $0xFFFFFC00, v30  }
0x17c: {  	v29 =	vor.u32 v29, v30  }
0x17d: {  	v29 =	vadd.s32 $0x5580, v29;
	_ =	sdelay $0x4  }
0x17e: {  	[tilespmem:v29+s2+$0x0] =	vst.idx.msk $0xffff, v28  }
0x17f: {  	v29 =	vld [tilespmem:$0xA930];
	_ =	sdelay $0x4  }
0x180: {  	v29 =	vadd.s32 v5, v29  }
0x181: {  	v30 =	vshll.u32 v29, $0x3  }
0x182: {  	v29 =	vand.u32 $0x7F, v29;
	v30 =	vand.u32 $0xFFFFFC00, v30  }
0x183: {  	v29 =	vor.u32 v29, v30  }
0x184: {  	v29 =	vadd.s32 v27, v29;
	_ =	sdelay $0x4  }
0x185: {  	[tilespmem:v29+s2+$0x0] =	vst.idx.msk $0xffff, v28  }
0x186: {  	v29 =	vld [tilespmem:$0xA940];
	_ =	sdelay $0x4  }
0x187: {  	v29 =	vadd.s32 v24, v29  }
0x188: {  	v30 =	vshll.u32 v29, $0x3  }
0x189: {  	v29 =	vand.u32 $0x7F, v29;
	v30 =	vand.u32 $0xFFFFFC00, v30  }
0x18a: {  	v29 =	vor.u32 v29, v30  }
0x18b: {  	v29 =	vadd.s32 $0x5600, v29;
	_ =	sdelay $0x4  }
0x18c: {  	[tilespmem:v29+s2+$0x0] =	vst.idx.msk $0xffff, v28  }
0x18d: {  	v29 =	vld [tilespmem:$0xA950];
	_ =	sdelay $0x4  }
0x18e: {  	v29 =	vadd.s32 v6, v29  }
0x18f: {  	v30 =	vshll.u32 v29, $0x3  }
0x190: {  	v29 =	vand.u32 $0x7F, v29;
	v30 =	vand.u32 $0xFFFFFC00, v30  }
0x191: {  	v29 =	vor.u32 v29, v30  }
0x192: {  	v29 =	vadd.s32 v15, v29;
	_ =	sdelay $0x4  }
0x193: {  	[tilespmem:v29+s2+$0x0] =	vst.idx.msk $0xffff, v28  }
0x194: {  	v29 =	vld [tilespmem:$0xA960];
	_ =	sdelay $0x4  }
0x195: {  	v29 =	vadd.s32 v0, v29  }
0x196: {  	v30 =	vshll.u32 v29, $0x3  }
0x197: {  	v29 =	vand.u32 $0x7F, v29;
	v30 =	vand.u32 $0xFFFFFC00, v30  }
0x198: {  	v29 =	vor.u32 v29, v30  }
0x199: {  	v29 =	vadd.s32 v17, v29;
	_ =	sdelay $0x4  }
0x19a: {  	[tilespmem:v29+s2+$0x0] =	vst.idx.msk $0xffff, v28  }
0x19b: {  	v29 =	vld [tilespmem:$0xA970];
	_ =	sdelay $0x4  }
0x19c: {  	v29 =	vadd.s32 v25, v29  }
0x19d: {  	v30 =	vshll.u32 v29, $0x3  }
0x19e: {  	v29 =	vand.u32 $0x7F, v29;
	v30 =	vand.u32 $0xFFFFFC00, v30  }
0x19f: {  	v29 =	vor.u32 v29, v30  }
0x1a0: {  	v29 =	vadd.s32 $0x5700, v29;
	_ =	sdelay $0x4  }
0x1a1: {  	[tilespmem:v29+s2+$0x0] =	vst.idx.msk $0xffff, v28  }
0x1a2: {  	v29 =	vld [tilespmem:$0xA980];
	_ =	sdelay $0x4  }
0x1a3: {  	v29 =	vadd.s32 v7, v29  }
0x1a4: {  	v30 =	vshll.u32 v29, $0x3  }
0x1a5: {  	v29 =	vand.u32 $0x7F, v29;
	v30 =	vand.u32 $0xFFFFFC00, v30  }
0x1a6: {  	v29 =	vor.u32 v29, v30  }
0x1a7: {  	v29 =	vadd.s32 v19, v29;
	_ =	sdelay $0x4  }
0x1a8: {  	[tilespmem:v29+s2+$0x0] =	vst.idx.msk $0xffff, v28  }
0x1a9: {  	v29 =	vld [tilespmem:$0xA990];
	_ =	sdelay $0x4  }
0x1aa: {  	v29 =	vadd.s32 v26, v29  }
0x1ab: {  	v30 =	vshll.u32 v29, $0x3  }
0x1ac: {  	v29 =	vand.u32 $0x7F, v29;
	v30 =	vand.u32 $0xFFFFFC00, v30  }
0x1ad: {  	v29 =	vor.u32 v29, v30  }
0x1ae: {  	v29 =	vadd.s32 $0x5780, v29;
	_ =	sdelay $0x3  }
0x1af: {  	p0 =	sne.s32 s13, $0x16C  }
.Ltmp0:
0x1b0: {  	[tilespmem:v29+s2+$0x0] =	vst.idx.msk $0xffff, v28;
	(pc) =	sbr.rel @p0 .LBB2_2-.Ltmp0, $4  }
0x1b1: {  	[hbm4b:s12+s2] =	stream.linear.scatter [tilespmem:s2], [sflag:$0x2], $0xA800, $0x38;
	[tilespmem:$0xAA00] =	vst v63  }
0x1b2: {  	_ =	swait.ge [sflag:s10], $0xA800  }
0x1b3: {  	[sflag:s10] =	ssyncset.done $0x0  }
0x1b4: {  	s13 =	sadd.s32 $0x34, s13;
	s12 =	sadd.s32 $0x1500, s12;
	[sflag:s10] =	ssyncadd.s32 $0xFFFF5800  }
0x1b5: {  	s11 =	sadd.s32 $0x1, s11  }
0x1b6: {  	p0 =	sne.s32 s11, s5  }
.Ltmp1:
0x1b7: {  	_ = 	snop;
	(pc) =	sbr.rel @p0 .LBB2_1-.Ltmp1, $1  }
0x1b8: {  	_ =	sdelay $0x3  }
0x1b9: {  	_ =	sfence.sel $0x180000  }
0x1ba: {  	[bflag:$0x0] =	sbarrier.arrive $0xFFFF  }
0x1bb: {  	p0 =	sne.s32 s0, $0x0;
	_ =	strace $0x90000047  }
0x1bc: {  	s0 =	sadd.s32 @!p0 $0x100000, s1;
	[bflag:$0x2] =	sbarrier.arrive $0xFFFF  }
0x1bd: {  	[sflag:s0] =	ssyncadd.tile.s32 @!p0 $0x1;
	_ =	shalt  }
.Lfunc_end2:
_tile_overlayer_lowered:
.L_overlay_start_2:
0x1be: {  	(tag) =	ssettag $0x2  }
0x1bf: {  	s0 =	rddreg [dreg:$0x0];
	s2 =	stileid.u32  }
0x1c0: {  	s1 =	rddreg [dreg:$0x1];
	p0 =	sne.s32 s2, $0x0  }
0x1c1: {  	s3 =	rddreg [dreg:$0x2];
	[bflag:$0x3] =	sbarrier.arrive $0xFFFF;
	s2 =	simm.s32 @!p0 $0x1C02  }
0x1c2: {  	[timem:s3], [sflag:s2] =	dma.local @!p0 [hbm:s0], s1  }
0x1c3: {  	s0 =	simm.s32 @!p0 $0x2  }
0x1c4: {  	_ =	swait.ge @!p0 [sflag:s0], s1  }
0x1c5: {  	s1 =	ssub.s32 @!p0 $0x0, s1;
	[sflag:s0] =	ssyncset.done @!p0 $0x0  }
0x1c6: {  	[sflag:s0] =	ssyncadd.s32 @!p0 s1  }
0x1c7: {  	[bflag:$0x3] =	sbarrier.arrive $0xFFFF  }
0x1c8: {  	_ =	shalt  }

</sc_bundles>
